<compile_context>
chip_gen: v7x
topology: tpu7x:2x2x1
jax: 0.10.2.dev20260603
libtpu: 0.0.44.dev20260713+nightly
codegen_flags: <defaults>
</compile_context>

<pallas_src>
import jax
import jax.numpy as jnp
from jax import lax
from jax.experimental import pallas as pl
from jax.experimental.pallas import tpu as pltpu
from jax.experimental.pallas import tpu_sc as plsc

N_NODES = 100_000
N_EDGES = 3_200_000
F = 16
NC = 2
NS = 16
NW = NC * NS
R2 = 3128
TBL = NW * R2
CHUNK = 5120
NCHUNK = N_EDGES // CHUNK
NVREG = CHUNK // 16
G = 128
SHIFT = 13
MASKO = (1 << SHIFT) - 1


def _sc_body(col_hbm, attr_hbm, out_sums, out_maxs, out_cnts,
             colbuf, idbuf, eid_all, gcolbuf, lrowbuf, rowsbuf, onesbuf,
             zbuf, max_t, sum_t, cnt_sh, csem, gsem, ssem):
  c = lax.axis_index("c")
  s = lax.axis_index("s")
  wid = c * NS + s
  node_base = wid * R2
  cnt_base = s * R2
  iota = lax.iota(jnp.int32, 16)
  zeros16 = jnp.zeros((16,), jnp.float32)
  ones16 = jnp.ones((16,), jnp.float32)
  neg16 = jnp.full((16,), -jnp.inf, jnp.float32)
  sent16 = jnp.full((16,), -(1 << SHIFT), jnp.int32) + iota

  @pl.loop(0, G)
  def _(j):
    rowsbuf[0, j, :] = zeros16

  @pl.loop(0, G // 16)
  def _(j):
    onesbuf[pl.ds(j * 16, 16)] = ones16
    zbuf[pl.ds(j * 16, 16)] = zeros16

  @pl.loop(0, R2 + 1)
  def _(r):
    max_t[r, :] = neg16
    sum_t[r, :] = zeros16

  @pl.loop(0, NS * R2 // G)
  def _(i):
    @pl.when(lax.rem(i, NS) == s)
    def _():
      pltpu.sync_copy(zbuf, cnt_sh.at[pl.ds(i * G, G)])

  plsc.subcore_barrier()

  pltpu.async_copy(col_hbm.at[pl.ds(0, CHUNK)], colbuf.at[0], csem)

  @pl.loop(0, NCHUNK)
  def _(k):
    cb = k * CHUNK
    kb = lax.rem(k, 2)
    pltpu.make_async_copy(
        col_hbm.at[pl.ds(cb, CHUNK)], colbuf.at[kb], csem).wait()

    @pl.when(k + 1 < NCHUNK)
    def _():
      pltpu.async_copy(
          col_hbm.at[pl.ds(cb + CHUNK, CHUNK)], colbuf.at[1 - kb], csem)

    def scan_body(j, m):
      cv = colbuf[kb, pl.ds(j * 16, 16)]
      lrow = cv - node_base
      msk = (lrow >= 0) & (lrow < R2)
      packed = (lrow << SHIFT) | (j * 16 + iota)
      pc = plsc.cumsum(msk.astype(jnp.int32))
      plsc.store_scatter(idbuf, [m + pc - 1], packed, mask=msk)
      return m + pc[15]

    m = plsc.parallel_loop(0, NVREG, unroll=16, carry=jnp.int32(0))(scan_body)

    for t in range(G // 16):
      idbuf[pl.ds(m + t * 16, 16)] = sent16
    ng = (m + (G - 1)) >> 7

    @plsc.parallel_loop(0, ng * (G // 16), unroll=4)
    def _(v):
      p = idbuf[pl.ds(v * 16, 16)]
      eid_all[pl.ds(v * 16, 16)] = cb + (p & MASKO)

    @pl.when(ng > 0)
    def _():
      pltpu.async_copy(
          attr_hbm.at[eid_all.at[pl.ds(0, G)]], rowsbuf.at[0], gsem)

    @pl.loop(0, ng)
    def _(g):
      b = lax.rem(g, 2)
      pltpu.make_async_copy(
          attr_hbm.at[eid_all.at[pl.ds(g * G, G)]], rowsbuf.at[b], gsem
      ).wait()

      @pl.when(g + 1 < ng)
      def _():
        pltpu.async_copy(
            attr_hbm.at[eid_all.at[pl.ds(g * G + G, G)]],
            rowsbuf.at[1 - b], gsem)

      for u in range(G // 16):
        p = idbuf[pl.ds(g * G + u * 16, 16)]
        valid = p >= 0
        lrow = p >> SHIFT
        gcolbuf[pl.ds(u * 16, 16)] = jnp.where(valid, lrow + cnt_base, -1)
        lrowbuf[pl.ds(u * 16, 16)] = jnp.where(valid, lrow, R2)
      gidx = plsc.Indices(gcolbuf.at[:], ignored_value=-1)
      cnt_dma = pltpu.async_copy(onesbuf, cnt_sh.at[gidx], ssem, add=True)

      qh = jnp.minimum((m - g * G + 15) >> 4, G // 16)

      @pl.loop(0, qh)
      def _(q):
        lrv = lrowbuf[pl.ds(q * 16, 16)]
        for lane in range(16):
          lr = lrv[lane]
          e = q * 16 + lane
          row = rowsbuf[b, e, :]
          max_t[lr, :] = jnp.maximum(max_t[lr, :], row)
          sum_t[lr, :] = sum_t[lr, :] + row

      cnt_dma.wait()

  plsc.subcore_barrier()

  pltpu.sync_copy(sum_t.at[pl.ds(0, R2)], out_sums.at[pl.ds(node_base, R2)])
  pltpu.sync_copy(max_t.at[pl.ds(0, R2)], out_maxs.at[pl.ds(node_base, R2)])
  pltpu.sync_copy(cnt_sh.at[pl.ds(cnt_base, R2)],
                  out_cnts.at[pl.ds(node_base, R2)])


def _sc_aggregate(col, attr):
  mesh = plsc.VectorSubcoreMesh(
      core_axis_name="c", subcore_axis_name="s", num_cores=NC, num_subcores=NS
  )
  kern = pl.kernel(
      _sc_body,
      out_type=(
          jax.ShapeDtypeStruct((TBL, F), jnp.float32),
          jax.ShapeDtypeStruct((TBL, F), jnp.float32),
          jax.ShapeDtypeStruct((TBL,), jnp.float32),
      ),
      mesh=mesh,
      compiler_params=pltpu.CompilerParams(
          needs_layout_passes=False, use_tc_tiling_on_sc=False),
      scratch_types=[
          pltpu.VMEM((2, CHUNK), jnp.int32),
          pltpu.VMEM((CHUNK + 2 * G,), jnp.int32),
          pltpu.VMEM((CHUNK + 2 * G,), jnp.int32),
          pltpu.VMEM((G,), jnp.int32),
          pltpu.VMEM((G,), jnp.int32),
          pltpu.VMEM((2, G, F), jnp.float32),
          pltpu.VMEM((G,), jnp.float32),
          pltpu.VMEM((G,), jnp.float32),
          pltpu.VMEM((R2 + 1, F), jnp.float32),
          pltpu.VMEM((R2 + 1, F), jnp.float32),
          pltpu.VMEM_SHARED((NS * R2,), jnp.float32),
          pltpu.SemaphoreType.DMA,
          pltpu.SemaphoreType.DMA,
          pltpu.SemaphoreType.DMA,
      ],
  )
  return kern(col, attr)


BLK = 2000


def _mlp_body(s_ref, mx_ref, c_ref, w1_ref, b1_ref, w2_ref, b2_ref, o_ref):
  ssum = s_ref[...]
  cnt = c_ref[...]
  mx = jnp.where(cnt > 0, mx_ref[...], 0.0)
  mean = ssum / jnp.maximum(cnt, 1.0)
  w1 = w1_ref[...]
  h = (
      jnp.dot(ssum, w1[0:16], preferred_element_type=jnp.float32)
      + jnp.dot(mx, w1[16:32], preferred_element_type=jnp.float32)
      + jnp.dot(mean, w1[32:48], preferred_element_type=jnp.float32)
      + b1_ref[...]
  )
  h = jnp.maximum(h, 0.0)
  o_ref[...] = (
      jnp.dot(h, w2_ref[...], preferred_element_type=jnp.float32) + b2_ref[...]
  )


def _combine_mlp(sums, maxs, cnts, w1, b1, w2, b2):
  return pl.pallas_call(
      _mlp_body,
      grid=(N_NODES // BLK,),
      in_specs=[
          pl.BlockSpec((BLK, F), lambda i: (i, 0)),
          pl.BlockSpec((BLK, F), lambda i: (i, 0)),
          pl.BlockSpec((BLK, 1), lambda i: (i, 0)),
          pl.BlockSpec((3 * F, 128), lambda i: (0, 0)),
          pl.BlockSpec((1, 128), lambda i: (0, 0)),
          pl.BlockSpec((128, 128), lambda i: (0, 0)),
          pl.BlockSpec((1, 128), lambda i: (0, 0)),
      ],
      out_specs=pl.BlockSpec((BLK, 128), lambda i: (i, 0)),
      out_shape=jax.ShapeDtypeStruct((N_NODES, 128), jnp.float32),
  )(sums, maxs, cnts, w1, b1, w2, b2)


def kernel(x, edge_index, edge_attr, u, batch, W1, b1, W2, b2):
  col = edge_index[1].astype(jnp.int32)
  sums, maxs, cnts = _sc_aggregate(col, edge_attr)
  sums = sums[:N_NODES]
  maxs = maxs[:N_NODES]
  cnts = cnts[:N_NODES].reshape(N_NODES, 1)
  return _combine_mlp(sums, maxs, cnts, W1, b1.reshape(1, -1), W2,
                      b2.reshape(1, -1))

# --- scband reference (transcript-rebuilt; emitter-appended) ---
"""Pipeline reference for scband-node-model-ini-49503793053941 (READ-ONLY COPY).

The authoritative reference and input builder live on the scoring server;
editing this copy changes nothing except your own understanding.
"""

import jax, jax.numpy as jnp
import numpy as np

N_NODES = 100000
N_EDGES = 3200000
EDGE_OUT = 16
NODE_OUT = 128
HID = 128
D_FEAT = 128


def setup_inputs(seed: int = 0) -> dict:
    key = jax.random.key(seed)
    k1, k2, k3, k4, k5, k6, k7 = jax.random.split(key, 7)
    x = jax.random.normal(k1, (N_NODES, D_FEAT), dtype=jnp.float32)
    edge_index = jax.random.randint(k2, (2, N_EDGES), 0, N_NODES, dtype=jnp.int64)
    edge_attr = jax.random.normal(k3, (N_EDGES, EDGE_OUT), dtype=jnp.float32)
    u = jax.random.normal(k4, (1, D_FEAT), dtype=jnp.float32)
    batch = jnp.zeros((N_NODES,), dtype=jnp.int64)
    W1 = jax.random.normal(k5, (3 * EDGE_OUT, HID), dtype=jnp.float32) * (1.0 / np.sqrt(3 * EDGE_OUT))
    b1 = jnp.zeros((HID,), dtype=jnp.float32)
    W2 = jax.random.normal(k6, (HID, NODE_OUT), dtype=jnp.float32) * (1.0 / np.sqrt(HID))
    b2 = jnp.zeros((NODE_OUT,), dtype=jnp.float32)
    return {"x": x, "edge_index": edge_index, "edge_attr": edge_attr, "u": u, "batch": batch,
            "W1": W1, "b1": b1, "W2": W2, "b2": b2}


def reference(x, edge_index, edge_attr, u, batch, W1, b1, W2, b2):
    col = edge_index[1]
    n = x.shape[0]
    # scatter_add
    out1 = jax.ops.segment_sum(edge_attr, col, num_segments=n)
    # scatter_max (torch_scatter fills empty segments with 0)
    counts = jax.ops.segment_sum(jnp.ones((edge_attr.shape[0],), dtype=jnp.float32), col, num_segments=n)
    raw_max = jax.ops.segment_max(edge_attr, col, num_segments=n)
    out2 = jnp.where((counts > 0)[:, None], raw_max, 0.0)
    # scatter_mean
    out3 = out1 / jnp.clip(counts, 1.0, None)[:, None]
    out = jnp.concatenate([out1, out2, out3], axis=1)
    h = jax.nn.relu(out @ W1 + b1)
    return h @ W2 + b2

if __name__ == "__main__":
    import jax
    _d = setup_inputs()
    print(jax.jit(kernel)(*tuple(_d.values())))

</pallas_src>

<mosaic_0001>
#map = affine_map<(d0, d1) -> (0)>
#map1 = affine_map<(d0, d1) -> (0, 0)>
module attributes {stable_mosaic.version = 14 : i64} {
  func.func @_sc_body(%arg0: i32, %arg1: i32, %arg2: memref<3200000xi32, #tpu.memory_space<hbm>>, %arg3: memref<3200000x16xf32, #tpu.memory_space<hbm>>, %arg4: memref<100096x16xf32, #tpu.memory_space<hbm>>, %arg5: memref<100096x16xf32, #tpu.memory_space<hbm>>, %arg6: memref<100096xf32, #tpu.memory_space<hbm>>, %arg7: memref<2x5120xi32, #tpu.memory_space<vmem>>, %arg8: memref<5376xi32, #tpu.memory_space<vmem>>, %arg9: memref<5376xi32, #tpu.memory_space<vmem>>, %arg10: memref<128xi32, #tpu.memory_space<vmem>>, %arg11: memref<128xi32, #tpu.memory_space<vmem>>, %arg12: memref<2x128x16xf32, #tpu.memory_space<vmem>>, %arg13: memref<128xf32, #tpu.memory_space<vmem>>, %arg14: memref<128xf32, #tpu.memory_space<vmem>>, %arg15: memref<3129x16xf32, #tpu.memory_space<vmem>>, %arg16: memref<3129x16xf32, #tpu.memory_space<vmem>>, %arg17: memref<50048xf32, #tpu.memory_space<vmem_shared>>, %arg18: memref<!tpu.dma_semaphore, #tpu.memory_space<semaphore_mem>>, %arg19: memref<!tpu.dma_semaphore, #tpu.memory_space<semaphore_mem>>, %arg20: memref<!tpu.dma_semaphore, #tpu.memory_space<semaphore_mem>>) attributes {dimension_semantics = [#tpu.dimension_semantics<core_parallel>, #tpu.dimension_semantics<subcore_parallel>], iteration_bounds = array<i64: 2, 16>, scalar_prefetch = 0 : i64, scratch_operands = 14 : i64, tpu.core_type = #tpu.core_type<sc_vector_subcore>, window_params = [{transform_indices = #map}, {transform_indices = #map1}, {transform_indices = #map1}, {transform_indices = #map1}, {transform_indices = #map}]} {
    %mul3A = arith.constant 16 : i32
    %mul3A_0 = arith.muli %arg0, %mul3A : i32
    %add3A = arith.addi %mul3A_0, %arg1 : i32
    %mul3A_1 = arith.constant 3128 : i32
    %mul3A_2 = arith.muli %add3A, %mul3A_1 : i32
    %mul3A_3 = arith.constant 3128 : i32
    %mul3A_4 = arith.muli %arg1, %mul3A_3 : i32
    %iota3A = tpu.iota {dimensions = array<i32: 0>} : vector<16xi32>
    %broadcast_in_dim3A = arith.constant 0.000000e+00 : f32
    %broadcast_in_dim3A_5 = vector.broadcast %broadcast_in_dim3A : f32 to vector<16xf32>
    %broadcast_in_dim3A_6 = arith.constant 1.000000e+00 : f32
    %broadcast_in_dim3A_7 = vector.broadcast %broadcast_in_dim3A_6 : f32 to vector<16xf32>
    %broadcast_in_dim3A_8 = arith.constant 0xFF800000 : f32
    %broadcast_in_dim3A_9 = vector.broadcast %broadcast_in_dim3A_8 : f32 to vector<16xf32>
    %broadcast_in_dim3A_10 = arith.constant -8192 : i32
    %broadcast_in_dim3A_11 = vector.broadcast %broadcast_in_dim3A_10 : i32 to vector<16xi32>
    %add3A_12 = arith.addi %broadcast_in_dim3A_11, %iota3A : vector<16xi32>
    %scan3A = arith.constant 0 : i32
    %scan3A_13 = arith.constant 128 : i32
    %scan3A_14 = arith.addi %scan3A, %scan3A_13 : i32
    %scan3A_15 = arith.constant 1 : i32
    scf.for %scan3A_48 = %scan3A to %scan3A_14 step %scan3A_15  : i32 {
      %mul3A_49 = arith.constant 1 : i32
      %mul3A_50 = arith.muli %scan3A_48, %mul3A_49 : i32
      %add3A_51 = arith.constant 0 : i32
      %add3A_52 = arith.addi %add3A_51, %mul3A_50 : i32
      %swap3A = arith.constant 0 : i32
      %swap3A_53 = arith.index_cast %swap3A : i32 to index
      %swap3A_54 = arith.index_cast %add3A_52 : i32 to index
      %swap3A_55 = arith.constant 0 : index
      %swap3A_56 = tpu.vector_load %arg12[%swap3A_53, %swap3A_54, %swap3A_55] {strides = array<i32>} : memref<2x128x16xf32, #tpu.memory_space<vmem>>, vector<16xf32>,
      tpu.vector_store %arg12[%swap3A_53, %swap3A_54, %swap3A_55], %broadcast_in_dim3A_5 {strides = array<i32>} : memref<2x128x16xf32, #tpu.memory_space<vmem>>, vector<16xf32>,
    }
    %scan3A_16 = arith.constant 128 : i32
    %scan3A_17 = arith.constant 0 : i32
    %scan3A_18 = arith.constant 8 : i32
    %scan3A_19 = arith.addi %scan3A_17, %scan3A_18 : i32
    %scan3A_20 = arith.constant 1 : i32
    scf.for %scan3A_48 = %scan3A_17 to %scan3A_19 step %scan3A_20  : i32 {
      %mul3A_49 = arith.constant 1 : i32
      %mul3A_50 = arith.muli %scan3A_48, %mul3A_49 : i32
      %add3A_51 = arith.constant 0 : i32
      %add3A_52 = arith.addi %add3A_51, %mul3A_50 : i32
      %mul3A_53 = arith.constant 16 : i32
      %mul3A_54 = arith.muli %add3A_52, %mul3A_53 : i32
      %swap3A = arith.index_cast %mul3A_54 : i32 to index
      %swap3A_55 = tpu.vector_load %arg13[%swap3A] {strides = array<i32>} : memref<128xf32, #tpu.memory_space<vmem>>, vector<16xf32>,
      tpu.vector_store %arg13[%swap3A], %broadcast_in_dim3A_7 {strides = array<i32>} : memref<128xf32, #tpu.memory_space<vmem>>, vector<16xf32>,
      %mul3A_56 = arith.constant 16 : i32
      %mul3A_57 = arith.muli %add3A_52, %mul3A_56 : i32
      %swap3A_58 = arith.index_cast %mul3A_57 : i32 to index
      %swap3A_59 = tpu.vector_load %arg14[%swap3A_58] {strides = array<i32>} : memref<128xf32, #tpu.memory_space<vmem>>, vector<16xf32>,
      tpu.vector_store %arg14[%swap3A_58], %broadcast_in_dim3A_5 {strides = array<i32>} : memref<128xf32, #tpu.memory_space<vmem>>, vector<16xf32>,
    }
    %scan3A_21 = arith.constant 8 : i32
    %scan3A_22 = arith.constant 0 : i32
    %scan3A_23 = arith.constant 3129 : i32
    %scan3A_24 = arith.addi %scan3A_22, %scan3A_23 : i32
    %scan3A_25 = arith.constant 1 : i32
    scf.for %scan3A_48 = %scan3A_22 to %scan3A_24 step %scan3A_25  : i32 {
      %mul3A_49 = arith.constant 1 : i32
      %mul3A_50 = arith.muli %scan3A_48, %mul3A_49 : i32
      %add3A_51 = arith.constant 0 : i32
      %add3A_52 = arith.addi %add3A_51, %mul3A_50 : i32
      %swap3A = arith.index_cast %add3A_52 : i32 to index
      %swap3A_53 = arith.constant 0 : index
      %swap3A_54 = tpu.vector_load %arg15[%swap3A, %swap3A_53] {strides = array<i32>} : memref<3129x16xf32, #tpu.memory_space<vmem>>, vector<16xf32>,
      tpu.vector_store %arg15[%swap3A, %swap3A_53], %broadcast_in_dim3A_9 {strides = array<i32>} : memref<3129x16xf32, #tpu.memory_space<vmem>>, vector<16xf32>,
      %swap3A_55 = arith.index_cast %add3A_52 : i32 to index
      %swap3A_56 = arith.constant 0 : index
      %swap3A_57 = tpu.vector_load %arg16[%swap3A_55, %swap3A_56] {strides = array<i32>} : memref<3129x16xf32, #tpu.memory_space<vmem>>, vector<16xf32>,
      tpu.vector_store %arg16[%swap3A_55, %swap3A_56], %broadcast_in_dim3A_5 {strides = array<i32>} : memref<3129x16xf32, #tpu.memory_space<vmem>>, vector<16xf32>,
    }
    %scan3A_26 = arith.constant 3129 : i32
    %scan3A_27 = arith.constant 0 : i32
    %scan3A_28 = arith.constant 391 : i32
    %scan3A_29 = arith.addi %scan3A_27, %scan3A_28 : i32
    %scan3A_30 = arith.constant 1 : i32
    scf.for %scan3A_48 = %scan3A_27 to %scan3A_29 step %scan3A_30  : i32 {
      %mul3A_49 = arith.constant 1 : i32
      %mul3A_50 = arith.muli %scan3A_48, %mul3A_49 : i32
      %add3A_51 = arith.constant 0 : i32
      %add3A_52 = arith.addi %add3A_51, %mul3A_50 : i32
      %rem3A = arith.constant 16 : i32
      %rem3A_53 = arith.remsi %add3A_52, %rem3A : i32
      %eq3A = arith.cmpi eq, %rem3A_53, %arg1 : i32
      %convert_element_type3A = arith.extui %eq3A : i1 to i32
      %cond3A = arith.constant 0 : i32
      %cond3A_54 = arith.cmpi ne, %convert_element_type3A, %cond3A : i32
      scf.if %cond3A_54 {
        %mul3A_55 = arith.constant 128 : i32
        %mul3A_56 = arith.muli %add3A_52, %mul3A_55 : i32
        "tpu.region"() ({
          %run_scoped3A = tpu.sem_alloc : memref<!tpu.dma_semaphore, #tpu.memory_space<semaphore_mem>>
          %dma_start3A_57 = tpu.memref_slice %arg17[%mul3A_56] : memref<50048xf32, #tpu.memory_space<vmem_shared>> -> memref<128xf32, #tpu.memory_space<vmem_shared>>
          %dma_start3A_58 = tpu.memref_slice %arg17[%mul3A_56] : memref<50048xf32, #tpu.memory_space<vmem_shared>> -> memref<128xf32, #tpu.memory_space<vmem_shared>>
          tpu.enqueue_dma source(%arg14 : memref<128xf32, #tpu.memory_space<vmem>>) target(%dma_start3A_58 : memref<128xf32, #tpu.memory_space<vmem_shared>>) target_semaphore(%run_scoped3A : memref<!tpu.dma_semaphore, #tpu.memory_space<semaphore_mem>>)
          %dma_wait3A = tpu.memref_slice %arg17[%mul3A_56] : memref<50048xf32, #tpu.memory_space<vmem_shared>> -> memref<128xf32, #tpu.memory_space<vmem_shared>>
          %dma_wait3A_59 = tpu.memref_slice %arg17[%mul3A_56] : memref<50048xf32, #tpu.memory_space<vmem_shared>> -> memref<128xf32, #tpu.memory_space<vmem_shared>>
          tpu.wait_dma2 semaphore(%run_scoped3A : memref<!tpu.dma_semaphore, #tpu.memory_space<semaphore_mem>>) src(%arg14 : memref<128xf32, #tpu.memory_space<vmem>>) dst(%dma_wait3A_59 : memref<128xf32, #tpu.memory_space<vmem_shared>>)
          tpu.yield
        }) : () -> ()
      } else {
      }
    }
    %scan3A_31 = arith.constant 391 : i32
    %barrier3A = arith.constant 0 : index
    tpu.barrier barrier_id(%barrier3A)
    %dma_start3A = arith.constant 0 : i32
    %dma_start3A_32 = arith.constant 0 : i32
    %dma_start3A_33 = tpu.memref_slice %arg7[%dma_start3A, %dma_start3A_32] : memref<2x5120xi32, #tpu.memory_space<vmem>> -> memref<1x5120xi32, #tpu.memory_space<vmem>>
    %dma_start3A_34 = tpu.memref_squeeze %dma_start3A_33 : memref<1x5120xi32, #tpu.memory_space<vmem>> -> memref<5120xi32, #tpu.memory_space<vmem>>
    %dma_start3A_35 = arith.constant 0 : i32
    %dma_start3A_36 = tpu.memref_slice %arg2[%dma_start3A_35] : memref<3200000xi32, #tpu.memory_space<hbm>> -> memref<5120xi32, #tpu.memory_space<hbm>>
    %dma_start3A_37 = arith.constant 0 : i32
    %dma_start3A_38 = tpu.memref_slice %arg7[%dma_start3A, %dma_start3A_37] : memref<2x5120xi32, #tpu.memory_space<vmem>> -> memref<1x5120xi32, #tpu.memory_space<vmem>>
    %dma_start3A_39 = tpu.memref_squeeze %dma_start3A_38 : memref<1x5120xi32, #tpu.memory_space<vmem>> -> memref<5120xi32, #tpu.memory_space<vmem>>
    %dma_start3A_40 = arith.constant 0 : i32
    %dma_start3A_41 = tpu.memref_slice %arg2[%dma_start3A_40] : memref<3200000xi32, #tpu.memory_space<hbm>> -> memref<5120xi32, #tpu.memory_space<hbm>>
    tpu.enqueue_dma source(%dma_start3A_41 : memref<5120xi32, #tpu.memory_space<hbm>>) target(%dma_start3A_39 : memref<5120xi32, #tpu.memory_space<vmem>>) target_semaphore(%arg18 : memref<!tpu.dma_semaphore, #tpu.memory_space<semaphore_mem>>)
    %scan3A_42 = arith.constant 0 : i32
    %scan3A_43 = arith.constant 625 : i32
    %scan3A_44 = arith.addi %scan3A_42, %scan3A_43 : i32
    %scan3A_45 = arith.constant 1 : i32
    scf.for %scan3A_48 = %scan3A_42 to %scan3A_44 step %scan3A_45  : i32 {
      %mul3A_49 = arith.constant 1 : i32
      %mul3A_50 = arith.muli %scan3A_48, %mul3A_49 : i32
      %add3A_51 = arith.constant 0 : i32
      %add3A_52 = arith.addi %add3A_51, %mul3A_50 : i32
      %mul3A_53 = arith.constant 5120 : i32
      %mul3A_54 = arith.muli %add3A_52, %mul3A_53 : i32
      %rem3A = arith.constant 2 : i32
      %rem3A_55 = arith.remsi %add3A_52, %rem3A : i32
      %dma_wait3A = arith.constant 0 : i32
      %dma_wait3A_56 = tpu.memref_slice %arg7[%rem3A_55, %dma_wait3A] : memref<2x5120xi32, #tpu.memory_space<vmem>> -> memref<1x5120xi32, #tpu.memory_space<vmem>>
      %dma_wait3A_57 = tpu.memref_squeeze %dma_wait3A_56 : memref<1x5120xi32, #tpu.memory_space<vmem>> -> memref<5120xi32, #tpu.memory_space<vmem>>
      %dma_wait3A_58 = tpu.memref_slice %arg2[%mul3A_54] : memref<3200000xi32, #tpu.memory_space<hbm>> -> memref<5120xi32, #tpu.memory_space<hbm>>
      %dma_wait3A_59 = arith.constant 0 : i32
      %dma_wait3A_60 = tpu.memref_slice %arg7[%rem3A_55, %dma_wait3A_59] : memref<2x5120xi32, #tpu.memory_space<vmem>> -> memref<1x5120xi32, #tpu.memory_space<vmem>>
      %dma_wait3A_61 = tpu.memref_squeeze %dma_wait3A_60 : memref<1x5120xi32, #tpu.memory_space<vmem>> -> memref<5120xi32, #tpu.memory_space<vmem>>
      %dma_wait3A_62 = tpu.memref_slice %arg2[%mul3A_54] : memref<3200000xi32, #tpu.memory_space<hbm>> -> memref<5120xi32, #tpu.memory_space<hbm>>
      tpu.wait_dma2 semaphore(%arg18 : memref<!tpu.dma_semaphore, #tpu.memory_space<semaphore_mem>>) src(%dma_wait3A_62 : memref<5120xi32, #tpu.memory_space<hbm>>) dst(%dma_wait3A_61 : memref<5120xi32, #tpu.memory_space<vmem>>)
      %add3A_63 = arith.constant 1 : i32
      %add3A_64 = arith.addi %add3A_52, %add3A_63 : i32
      %lt3A = arith.constant 625 : i32
      %lt3A_65 = arith.cmpi slt, %add3A_64, %lt3A : i32
      %convert_element_type3A = arith.extui %lt3A_65 : i1 to i32
      %cond3A = arith.constant 0 : i32
      %cond3A_66 = arith.cmpi ne, %convert_element_type3A, %cond3A : i32
      scf.if %cond3A_66 {
        %add3A_129 = arith.constant 5120 : i32
        %add3A_130 = arith.addi %mul3A_54, %add3A_129 : i32
        %sub3A_131 = arith.constant 1 : i32
        %sub3A_132 = arith.subi %sub3A_131, %rem3A_55 : i32
        %dma_start3A_133 = arith.constant 0 : i32
        %dma_start3A_134 = tpu.memref_slice %arg7[%sub3A_132, %dma_start3A_133] : memref<2x5120xi32, #tpu.memory_space<vmem>> -> memref<1x5120xi32, #tpu.memory_space<vmem>>
        %dma_start3A_135 = tpu.memref_squeeze %dma_start3A_134 : memref<1x5120xi32, #tpu.memory_space<vmem>> -> memref<5120xi32, #tpu.memory_space<vmem>>
        %dma_start3A_136 = tpu.memref_slice %arg2[%add3A_130] : memref<3200000xi32, #tpu.memory_space<hbm>> -> memref<5120xi32, #tpu.memory_space<hbm>>
        %dma_start3A_137 = arith.constant 0 : i32
        %dma_start3A_138 = tpu.memref_slice %arg7[%sub3A_132, %dma_start3A_137] : memref<2x5120xi32, #tpu.memory_space<vmem>> -> memref<1x5120xi32, #tpu.memory_space<vmem>>
        %dma_start3A_139 = tpu.memref_squeeze %dma_start3A_138 : memref<1x5120xi32, #tpu.memory_space<vmem>> -> memref<5120xi32, #tpu.memory_space<vmem>>
        %dma_start3A_140 = tpu.memref_slice %arg2[%add3A_130] : memref<3200000xi32, #tpu.memory_space<hbm>> -> memref<5120xi32, #tpu.memory_space<hbm>>
        tpu.enqueue_dma source(%dma_start3A_140 : memref<5120xi32, #tpu.memory_space<hbm>>) target(%dma_start3A_139 : memref<5120xi32, #tpu.memory_space<vmem>>) target_semaphore(%arg18 : memref<!tpu.dma_semaphore, #tpu.memory_space<semaphore_mem>>)
      } else {
      }
      %parallel_loop3A = arith.constant 0 : i32
      %parallel_loop3A_67 = arith.constant 320 : i32
      %parallel_loop3A_68 = arith.constant 1 : i32
      %parallel_loop3A_69 = arith.constant 0 : i32
      %parallel_loop3A_70 = scf.for %parallel_loop3A_129 = %parallel_loop3A to %parallel_loop3A_67 step %parallel_loop3A_68 iter_args(%parallel_loop3A_130 = %parallel_loop3A_69) -> (i32)  : i32 {
        %parallel_loop3A_131 = arith.constant 16 : i32
        %parallel_loop3A_132 = arith.muli %parallel_loop3A_129, %parallel_loop3A_131 : i32
        %parallel_loop3A_133 = arith.index_cast %rem3A_55 : i32 to index
        %parallel_loop3A_134 = arith.index_cast %parallel_loop3A_132 : i32 to index
        %parallel_loop3A_135 = tpu.vector_load %arg7[%parallel_loop3A_133, %parallel_loop3A_134] {strides = array<i32>} : memref<2x5120xi32, #tpu.memory_space<vmem>>, vector<16xi32>,
        %parallel_loop3A_136 = vector.broadcast %mul3A_2 : i32 to vector<16xi32>
        %parallel_loop3A_137 = arith.subi %parallel_loop3A_135, %parallel_loop3A_136 : vector<16xi32>
        %parallel_loop3A_138 = arith.constant 0 : i32
        %parallel_loop3A_139 = vector.broadcast %parallel_loop3A_138 : i32 to vector<16xi32>
        %parallel_loop3A_140 = arith.cmpi sge, %parallel_loop3A_137, %parallel_loop3A_139 : vector<16xi32>
        %parallel_loop3A_141 = arith.constant 3128 : i32
        %parallel_loop3A_142 = vector.broadcast %parallel_loop3A_141 : i32 to vector<16xi32>
        %parallel_loop3A_143 = arith.cmpi slt, %parallel_loop3A_137, %parallel_loop3A_142 : vector<16xi32>
        %parallel_loop3A_144 = arith.andi %parallel_loop3A_140, %parallel_loop3A_143 : vector<16xi1>
        %parallel_loop3A_145 = arith.constant 13 : i32
        %parallel_loop3A_146 = vector.broadcast %parallel_loop3A_145 : i32 to vector<16xi32>
        %parallel_loop3A_147 = arith.shli %parallel_loop3A_137, %parallel_loop3A_146 : vector<16xi32>
        %parallel_loop3A_148 = arith.constant 16 : i32
        %parallel_loop3A_149 = arith.muli %parallel_loop3A_129, %parallel_loop3A_148 : i32
        %parallel_loop3A_150 = vector.broadcast %parallel_loop3A_149 : i32 to vector<16xi32>
        %parallel_loop3A_151 = arith.addi %parallel_loop3A_150, %iota3A : vector<16xi32>
        %parallel_loop3A_152 = arith.ori %parallel_loop3A_147, %parallel_loop3A_151 : vector<16xi32>
        %parallel_loop3A_153 = arith.extui %parallel_loop3A_144 : vector<16xi1> to vector<16xi32>
        %parallel_loop3A_154 = arith.constant true
        %parallel_loop3A_155 = vector.broadcast %parallel_loop3A_154 : i1 to vector<16xi1>
        %parallel_loop3A_156 = tpu.scan <sum>, %parallel_loop3A_153 masked %parallel_loop3A_155 : vector<16xi32>, vector<16xi1> -> vector<16xi32>
        %parallel_loop3A_157 = vector.broadcast %parallel_loop3A_130 : i32 to vector<16xi32>
        %parallel_loop3A_158 = arith.addi %parallel_loop3A_157, %parallel_loop3A_156 : vector<16xi32>
        %parallel_loop3A_159 = arith.constant 1 : i32
        %parallel_loop3A_160 = vector.broadcast %parallel_loop3A_159 : i32 to vector<16xi32>
        %parallel_loop3A_161 = arith.subi %parallel_loop3A_158, %parallel_loop3A_160 : vector<16xi32>
        tpu.vector_store_idx %arg8[%parallel_loop3A_161], %parallel_loop3A_152 masked %parallel_loop3A_144 : memref<5376xi32, #tpu.memory_space<vmem>>[vector<16xi32>], vector<16xi32>, vector<16xi1>
        %parallel_loop3A_162 = vector.extract_strided_slice %parallel_loop3A_156 {offsets = [15], sizes = [1], strides = [1]} : vector<16xi32> to vector<1xi32>
        %parallel_loop3A_163 = vector.extract %parallel_loop3A_162[0] : i32 from vector<1xi32>
        %parallel_loop3A_164 = arith.addi %parallel_loop3A_130, %parallel_loop3A_163 : i32
        scf.yield %parallel_loop3A_164 : i32
      } {sc.loop_unroll_factor = 16 : i64, sc.parallel_access}
      %add3A_71 = arith.constant 0 : i32
      %add3A_72 = arith.addi %parallel_loop3A_70, %add3A_71 : i32
      %swap3A = arith.index_cast %add3A_72 : i32 to index
      %swap3A_73 = tpu.vector_load %arg8[%swap3A] {strides = array<i32>} : memref<5376xi32, #tpu.memory_space<vmem>>, vector<16xi32>,
      tpu.vector_store %arg8[%swap3A], %add3A_12 {strides = array<i32>} : memref<5376xi32, #tpu.memory_space<vmem>>, vector<16xi32>,
      %add3A_74 = arith.constant 16 : i32
      %add3A_75 = arith.addi %parallel_loop3A_70, %add3A_74 : i32
      %swap3A_76 = arith.index_cast %add3A_75 : i32 to index
      %swap3A_77 = tpu.vector_load %arg8[%swap3A_76] {strides = array<i32>} : memref<5376xi32, #tpu.memory_space<vmem>>, vector<16xi32>,
      tpu.vector_store %arg8[%swap3A_76], %add3A_12 {strides = array<i32>} : memref<5376xi32, #tpu.memory_space<vmem>>, vector<16xi32>,
      %add3A_78 = arith.constant 32 : i32
      %add3A_79 = arith.addi %parallel_loop3A_70, %add3A_78 : i32
      %swap3A_80 = arith.index_cast %add3A_79 : i32 to index
      %swap3A_81 = tpu.vector_load %arg8[%swap3A_80] {strides = array<i32>} : memref<5376xi32, #tpu.memory_space<vmem>>, vector<16xi32>,
      tpu.vector_store %arg8[%swap3A_80], %add3A_12 {strides = array<i32>} : memref<5376xi32, #tpu.memory_space<vmem>>, vector<16xi32>,
      %add3A_82 = arith.constant 48 : i32
      %add3A_83 = arith.addi %parallel_loop3A_70, %add3A_82 : i32
      %swap3A_84 = arith.index_cast %add3A_83 : i32 to index
      %swap3A_85 = tpu.vector_load %arg8[%swap3A_84] {strides = array<i32>} : memref<5376xi32, #tpu.memory_space<vmem>>, vector<16xi32>,
      tpu.vector_store %arg8[%swap3A_84], %add3A_12 {strides = array<i32>} : memref<5376xi32, #tpu.memory_space<vmem>>, vector<16xi32>,
      %add3A_86 = arith.constant 64 : i32
      %add3A_87 = arith.addi %parallel_loop3A_70, %add3A_86 : i32
      %swap3A_88 = arith.index_cast %add3A_87 : i32 to index
      %swap3A_89 = tpu.vector_load %arg8[%swap3A_88] {strides = array<i32>} : memref<5376xi32, #tpu.memory_space<vmem>>, vector<16xi32>,
      tpu.vector_store %arg8[%swap3A_88], %add3A_12 {strides = array<i32>} : memref<5376xi32, #tpu.memory_space<vmem>>, vector<16xi32>,
      %add3A_90 = arith.constant 80 : i32
      %add3A_91 = arith.addi %parallel_loop3A_70, %add3A_90 : i32
      %swap3A_92 = arith.index_cast %add3A_91 : i32 to index
      %swap3A_93 = tpu.vector_load %arg8[%swap3A_92] {strides = array<i32>} : memref<5376xi32, #tpu.memory_space<vmem>>, vector<16xi32>,
      tpu.vector_store %arg8[%swap3A_92], %add3A_12 {strides = array<i32>} : memref<5376xi32, #tpu.memory_space<vmem>>, vector<16xi32>,
      %add3A_94 = arith.constant 96 : i32
      %add3A_95 = arith.addi %parallel_loop3A_70, %add3A_94 : i32
      %swap3A_96 = arith.index_cast %add3A_95 : i32 to index
      %swap3A_97 = tpu.vector_load %arg8[%swap3A_96] {strides = array<i32>} : memref<5376xi32, #tpu.memory_space<vmem>>, vector<16xi32>,
      tpu.vector_store %arg8[%swap3A_96], %add3A_12 {strides = array<i32>} : memref<5376xi32, #tpu.memory_space<vmem>>, vector<16xi32>,
      %add3A_98 = arith.constant 112 : i32
      %add3A_99 = arith.addi %parallel_loop3A_70, %add3A_98 : i32
      %swap3A_100 = arith.index_cast %add3A_99 : i32 to index
      %swap3A_101 = tpu.vector_load %arg8[%swap3A_100] {strides = array<i32>} : memref<5376xi32, #tpu.memory_space<vmem>>, vector<16xi32>,
      tpu.vector_store %arg8[%swap3A_100], %add3A_12 {strides = array<i32>} : memref<5376xi32, #tpu.memory_space<vmem>>, vector<16xi32>,
      %add3A_102 = arith.constant 127 : i32
      %add3A_103 = arith.addi %parallel_loop3A_70, %add3A_102 : i32
      %shift_right_arithmetic3A = arith.constant 7 : i32
      %shift_right_arithmetic3A_104 = arith.shrsi %add3A_103, %shift_right_arithmetic3A : i32
      %mul3A_105 = arith.constant 8 : i32
      %mul3A_106 = arith.muli %shift_right_arithmetic3A_104, %mul3A_105 : i32
      %parallel_loop3A_107 = arith.constant 0 : i32
      %parallel_loop3A_108 = arith.constant 1 : i32
      scf.for %parallel_loop3A_129 = %parallel_loop3A_107 to %mul3A_106 step %parallel_loop3A_108  : i32 {
        %parallel_loop3A_130 = arith.constant 16 : i32
        %parallel_loop3A_131 = arith.muli %parallel_loop3A_129, %parallel_loop3A_130 : i32
        %parallel_loop3A_132 = arith.index_cast %parallel_loop3A_131 : i32 to index
        %parallel_loop3A_133 = tpu.vector_load %arg8[%parallel_loop3A_132] {strides = array<i32>} : memref<5376xi32, #tpu.memory_space<vmem>>, vector<16xi32>,
        %parallel_loop3A_134 = arith.constant 8191 : i32
        %parallel_loop3A_135 = vector.broadcast %parallel_loop3A_134 : i32 to vector<16xi32>
        %parallel_loop3A_136 = arith.andi %parallel_loop3A_133, %parallel_loop3A_135 : vector<16xi32>
        %parallel_loop3A_137 = vector.broadcast %mul3A_54 : i32 to vector<16xi32>
        %parallel_loop3A_138 = arith.addi %parallel_loop3A_137, %parallel_loop3A_136 : vector<16xi32>
        %parallel_loop3A_139 = arith.constant 16 : i32
        %parallel_loop3A_140 = arith.muli %parallel_loop3A_129, %parallel_loop3A_139 : i32
        %parallel_loop3A_141 = arith.index_cast %parallel_loop3A_140 : i32 to index
        %parallel_loop3A_142 = tpu.vector_load %arg9[%parallel_loop3A_141] {strides = array<i32>} : memref<5376xi32, #tpu.memory_space<vmem>>, vector<16xi32>,
        tpu.vector_store %arg9[%parallel_loop3A_141], %parallel_loop3A_138 {strides = array<i32>} : memref<5376xi32, #tpu.memory_space<vmem>>, vector<16xi32>,
      } {sc.loop_unroll_factor = 4 : i64, sc.parallel_access}
      %gt3A = arith.constant 0 : i32
      %gt3A_109 = arith.cmpi sgt, %shift_right_arithmetic3A_104, %gt3A : i32
      %convert_element_type3A_110 = arith.extui %gt3A_109 : i1 to i32
      %cond3A_111 = arith.constant 0 : i32
      %cond3A_112 = arith.cmpi ne, %convert_element_type3A_110, %cond3A_111 : i32
      scf.if %cond3A_112 {
        %dma_start3A_129 = arith.constant 0 : i32
        %dma_start3A_130 = arith.constant 0 : i32
        %dma_start3A_131 = arith.constant 0 : i32
        %dma_start3A_132 = tpu.memref_slice %arg12[%dma_start3A_129, %dma_start3A_130, %dma_start3A_131] : memref<2x128x16xf32, #tpu.memory_space<vmem>> -> memref<1x128x16xf32, #tpu.memory_space<vmem>>
        %dma_start3A_133 = tpu.memref_squeeze %dma_start3A_132 : memref<1x128x16xf32, #tpu.memory_space<vmem>> -> memref<128x16xf32, #tpu.memory_space<vmem>>
        %dma_start3A_134 = arith.constant 0 : i32
        %dma_start3A_135 = tpu.memref_slice %arg9[%dma_start3A_134] : memref<5376xi32, #tpu.memory_space<vmem>> -> memref<128xi32, #tpu.memory_space<vmem>>
        %dma_start3A_136 = arith.constant 0 : i32
        %dma_start3A_137 = arith.constant 0 : i32
        %dma_start3A_138 = tpu.memref_slice %arg3[%dma_start3A_136, %dma_start3A_137] : memref<3200000x16xf32, #tpu.memory_space<hbm>> -> memref<3200000x16xf32, #tpu.memory_space<hbm>>
        tpu.enqueue_indirect_dma source(%dma_start3A_138 : memref<3200000x16xf32, #tpu.memory_space<hbm>>) target(%dma_start3A_133 : memref<128x16xf32, #tpu.memory_space<vmem>>) offsets(%dma_start3A_135 : memref<128xi32, #tpu.memory_space<vmem>>) semaphore(%arg19 : memref<!tpu.dma_semaphore, #tpu.memory_space<semaphore_mem>>)
      } else {
      }
      %sub3A = arith.constant 0 : i32
      %sub3A_113 = arith.subi %shift_right_arithmetic3A_104, %sub3A : i32
      %sub3A_114 = arith.constant 1 : i32
      %sub3A_115 = arith.constant 1 : i32
      %sub3A_116 = arith.subi %sub3A_114, %sub3A_115 : i32
      %add3A_117 = arith.addi %sub3A_113, %sub3A_116 : i32
      %div3A = arith.constant 1 : i32
      %div3A_118 = arith.divsi %add3A_117, %div3A : i32
      %while3A = arith.constant 1 : i32
      %while3A_119 = arith.constant 0 : i32
      %while3A_120 = arith.constant 0 : i32
      %while3A_121 = arith.subi %div3A_118, %while3A_120 : i32
      %while3A_122 = arith.addi %while3A_120, %while3A_121 : i32
      %while3A_123 = arith.constant 1 : i32
      %while3A_124 = arith.divsi %while3A_121, %while3A_123 : i32
      %while3A_125 = arith.muli %while3A_124, %while3A_123 : i32
      %while3A_126 = arith.addi %while3A_120, %while3A_125 : i32
      %while3A_127 = arith.constant 1 : i32
      scf.for %while3A_129 = %while3A_120 to %while3A_126 step %while3A_127  : i32 {
        %mul3A_130 = arith.muli %while3A_129, %while3A : i32
        %add3A_131 = arith.addi %while3A_119, %mul3A_130 : i32
        %rem3A_132 = arith.constant 2 : i32
        %rem3A_133 = arith.remsi %add3A_131, %rem3A_132 : i32
        %mul3A_134 = arith.constant 128 : i32
        %mul3A_135 = arith.muli %add3A_131, %mul3A_134 : i32
        %dma_wait3A_136 = arith.constant 0 : i32
        %dma_wait3A_137 = arith.constant 0 : i32
        %dma_wait3A_138 = tpu.memref_slice %arg12[%rem3A_133, %dma_wait3A_136, %dma_wait3A_137] : memref<2x128x16xf32, #tpu.memory_space<vmem>> -> memref<1x128x16xf32, #tpu.memory_space<vmem>>
        %dma_wait3A_139 = tpu.memref_squeeze %dma_wait3A_138 : memref<1x128x16xf32, #tpu.memory_space<vmem>> -> memref<128x16xf32, #tpu.memory_space<vmem>>
        %dma_wait3A_140 = tpu.memref_slice %arg9[%mul3A_135] : memref<5376xi32, #tpu.memory_space<vmem>> -> memref<128xi32, #tpu.memory_space<vmem>>
        %dma_wait3A_141 = arith.constant 0 : i32
        %dma_wait3A_142 = arith.constant 0 : i32
        %dma_wait3A_143 = tpu.memref_slice %arg3[%dma_wait3A_141, %dma_wait3A_142] : memref<3200000x16xf32, #tpu.memory_space<hbm>> -> memref<3200000x16xf32, #tpu.memory_space<hbm>>
        tpu.wait_indirect_dma semaphore(%arg19 : memref<!tpu.dma_semaphore, #tpu.memory_space<semaphore_mem>>) src(%dma_wait3A_143 : memref<3200000x16xf32, #tpu.memory_space<hbm>>) dst(%dma_wait3A_139 : memref<128x16xf32, #tpu.memory_space<vmem>>)
        %add3A_144 = arith.constant 1 : i32
        %add3A_145 = arith.addi %add3A_131, %add3A_144 : i32
        %lt3A_146 = arith.cmpi slt, %add3A_145, %shift_right_arithmetic3A_104 : i32
        %convert_element_type3A_147 = arith.extui %lt3A_146 : i1 to i32
        %cond3A_148 = arith.constant 0 : i32
        %cond3A_149 = arith.cmpi ne, %convert_element_type3A_147, %cond3A_148 : i32
        scf.if %cond3A_149 {
          %mul3A_374 = arith.constant 128 : i32
          %mul3A_375 = arith.muli %add3A_131, %mul3A_374 : i32
          %add3A_376 = arith.constant 128 : i32
          %add3A_377 = arith.addi %mul3A_375, %add3A_376 : i32
          %sub3A_378 = arith.constant 1 : i32
          %sub3A_379 = arith.subi %sub3A_378, %rem3A_133 : i32
          %dma_start3A_380 = arith.constant 0 : i32
          %dma_start3A_381 = arith.constant 0 : i32
          %dma_start3A_382 = tpu.memref_slice %arg12[%sub3A_379, %dma_start3A_380, %dma_start3A_381] : memref<2x128x16xf32, #tpu.memory_space<vmem>> -> memref<1x128x16xf32, #tpu.memory_space<vmem>>
          %dma_start3A_383 = tpu.memref_squeeze %dma_start3A_382 : memref<1x128x16xf32, #tpu.memory_space<vmem>> -> memref<128x16xf32, #tpu.memory_space<vmem>>
          %dma_start3A_384 = tpu.memref_slice %arg9[%add3A_377] : memref<5376xi32, #tpu.memory_space<vmem>> -> memref<128xi32, #tpu.memory_space<vmem>>
          %dma_start3A_385 = arith.constant 0 : i32
          %dma_start3A_386 = arith.constant 0 : i32
          %dma_start3A_387 = tpu.memref_slice %arg3[%dma_start3A_385, %dma_start3A_386] : memref<3200000x16xf32, #tpu.memory_space<hbm>> -> memref<3200000x16xf32, #tpu.memory_space<hbm>>
          tpu.enqueue_indirect_dma source(%dma_start3A_387 : memref<3200000x16xf32, #tpu.memory_space<hbm>>) target(%dma_start3A_383 : memref<128x16xf32, #tpu.memory_space<vmem>>) offsets(%dma_start3A_384 : memref<128xi32, #tpu.memory_space<vmem>>) semaphore(%arg19 : memref<!tpu.dma_semaphore, #tpu.memory_space<semaphore_mem>>)
        } else {
        }
        %mul3A_150 = arith.constant 128 : i32
        %mul3A_151 = arith.muli %add3A_131, %mul3A_150 : i32
        %add3A_152 = arith.constant 0 : i32
        %add3A_153 = arith.addi %mul3A_151, %add3A_152 : i32
        %get3A = arith.index_cast %add3A_153 : i32 to index
        %get3A_154 = tpu.vector_load %arg8[%get3A] {strides = array<i32>} : memref<5376xi32, #tpu.memory_space<vmem>>, vector<16xi32>,
        %ge3A = arith.constant 0 : i32
        %ge3A_155 = vector.broadcast %ge3A : i32 to vector<16xi32>
        %ge3A_156 = arith.cmpi sge, %get3A_154, %ge3A_155 : vector<16xi32>
        %shift_right_arithmetic3A_157 = arith.constant 13 : i32
        %shift_right_arithmetic3A_158 = vector.broadcast %shift_right_arithmetic3A_157 : i32 to vector<16xi32>
        %shift_right_arithmetic3A_159 = arith.shrsi %get3A_154, %shift_right_arithmetic3A_158 : vector<16xi32>
        %add3A_160 = vector.broadcast %mul3A_4 : i32 to vector<16xi32>
        %add3A_161 = arith.addi %shift_right_arithmetic3A_159, %add3A_160 : vector<16xi32>
        %jit3A = arith.constant -1 : i32
        %broadcast_in_dim3A_162 = vector.broadcast %jit3A : i32 to vector<16xi32>
        %select_n3A = arith.select %ge3A_156, %add3A_161, %broadcast_in_dim3A_162 : vector<16xi1>, vector<16xi32>
        %swap3A_163 = arith.constant 0 : index
        %swap3A_164 = tpu.vector_load %arg10[%swap3A_163] {strides = array<i32>} : memref<128xi32, #tpu.memory_space<vmem>>, vector<16xi32>,
        tpu.vector_store %arg10[%swap3A_163], %select_n3A {strides = array<i32>} : memref<128xi32, #tpu.memory_space<vmem>>, vector<16xi32>,
        %jit3A_165 = arith.constant 3128 : i32
        %broadcast_in_dim3A_166 = vector.broadcast %jit3A_165 : i32 to vector<16xi32>
        %select_n3A_167 = arith.select %ge3A_156, %shift_right_arithmetic3A_159, %broadcast_in_dim3A_166 : vector<16xi1>, vector<16xi32>
        %swap3A_168 = arith.constant 0 : index
        %swap3A_169 = tpu.vector_load %arg11[%swap3A_168] {strides = array<i32>} : memref<128xi32, #tpu.memory_space<vmem>>, vector<16xi32>,
        tpu.vector_store %arg11[%swap3A_168], %select_n3A_167 {strides = array<i32>} : memref<128xi32, #tpu.memory_space<vmem>>, vector<16xi32>,
        %mul3A_170 = arith.constant 128 : i32
        %mul3A_171 = arith.muli %add3A_131, %mul3A_170 : i32
        %add3A_172 = arith.constant 16 : i32
        %add3A_173 = arith.addi %mul3A_171, %add3A_172 : i32
        %get3A_174 = arith.index_cast %add3A_173 : i32 to index
        %get3A_175 = tpu.vector_load %arg8[%get3A_174] {strides = array<i32>} : memref<5376xi32, #tpu.memory_space<vmem>>, vector<16xi32>,
        %ge3A_176 = arith.constant 0 : i32
        %ge3A_177 = vector.broadcast %ge3A_176 : i32 to vector<16xi32>
        %ge3A_178 = arith.cmpi sge, %get3A_175, %ge3A_177 : vector<16xi32>
        %shift_right_arithmetic3A_179 = arith.constant 13 : i32
        %shift_right_arithmetic3A_180 = vector.broadcast %shift_right_arithmetic3A_179 : i32 to vector<16xi32>
        %shift_right_arithmetic3A_181 = arith.shrsi %get3A_175, %shift_right_arithmetic3A_180 : vector<16xi32>
        %add3A_182 = vector.broadcast %mul3A_4 : i32 to vector<16xi32>
        %add3A_183 = arith.addi %shift_right_arithmetic3A_181, %add3A_182 : vector<16xi32>
        %jit3A_184 = arith.constant -1 : i32
        %broadcast_in_dim3A_185 = vector.broadcast %jit3A_184 : i32 to vector<16xi32>
        %select_n3A_186 = arith.select %ge3A_178, %add3A_183, %broadcast_in_dim3A_185 : vector<16xi1>, vector<16xi32>
        %swap3A_187 = arith.constant 16 : index
        %swap3A_188 = tpu.vector_load %arg10[%swap3A_187] {strides = array<i32>} : memref<128xi32, #tpu.memory_space<vmem>>, vector<16xi32>,
        tpu.vector_store %arg10[%swap3A_187], %select_n3A_186 {strides = array<i32>} : memref<128xi32, #tpu.memory_space<vmem>>, vector<16xi32>,
        %jit3A_189 = arith.constant 3128 : i32
        %broadcast_in_dim3A_190 = vector.broadcast %jit3A_189 : i32 to vector<16xi32>
        %select_n3A_191 = arith.select %ge3A_178, %shift_right_arithmetic3A_181, %broadcast_in_dim3A_190 : vector<16xi1>, vector<16xi32>
        %swap3A_192 = arith.constant 16 : index
        %swap3A_193 = tpu.vector_load %arg11[%swap3A_192] {strides = array<i32>} : memref<128xi32, #tpu.memory_space<vmem>>, vector<16xi32>,
        tpu.vector_store %arg11[%swap3A_192], %select_n3A_191 {strides = array<i32>} : memref<128xi32, #tpu.memory_space<vmem>>, vector<16xi32>,
        %mul3A_194 = arith.constant 128 : i32
        %mul3A_195 = arith.muli %add3A_131, %mul3A_194 : i32
        %add3A_196 = arith.constant 32 : i32
        %add3A_197 = arith.addi %mul3A_195, %add3A_196 : i32
        %get3A_198 = arith.index_cast %add3A_197 : i32 to index
        %get3A_199 = tpu.vector_load %arg8[%get3A_198] {strides = array<i32>} : memref<5376xi32, #tpu.memory_space<vmem>>, vector<16xi32>,
        %ge3A_200 = arith.constant 0 : i32
        %ge3A_201 = vector.broadcast %ge3A_200 : i32 to vector<16xi32>
        %ge3A_202 = arith.cmpi sge, %get3A_199, %ge3A_201 : vector<16xi32>
        %shift_right_arithmetic3A_203 = arith.constant 13 : i32
        %shift_right_arithmetic3A_204 = vector.broadcast %shift_right_arithmetic3A_203 : i32 to vector<16xi32>
        %shift_right_arithmetic3A_205 = arith.shrsi %get3A_199, %shift_right_arithmetic3A_204 : vector<16xi32>
        %add3A_206 = vector.broadcast %mul3A_4 : i32 to vector<16xi32>
        %add3A_207 = arith.addi %shift_right_arithmetic3A_205, %add3A_206 : vector<16xi32>
        %jit3A_208 = arith.constant -1 : i32
        %broadcast_in_dim3A_209 = vector.broadcast %jit3A_208 : i32 to vector<16xi32>
        %select_n3A_210 = arith.select %ge3A_202, %add3A_207, %broadcast_in_dim3A_209 : vector<16xi1>, vector<16xi32>
        %swap3A_211 = arith.constant 32 : index
        %swap3A_212 = tpu.vector_load %arg10[%swap3A_211] {strides = array<i32>} : memref<128xi32, #tpu.memory_space<vmem>>, vector<16xi32>,
        tpu.vector_store %arg10[%swap3A_211], %select_n3A_210 {strides = array<i32>} : memref<128xi32, #tpu.memory_space<vmem>>, vector<16xi32>,
        %jit3A_213 = arith.constant 3128 : i32
        %broadcast_in_dim3A_214 = vector.broadcast %jit3A_213 : i32 to vector<16xi32>
        %select_n3A_215 = arith.select %ge3A_202, %shift_right_arithmetic3A_205, %broadcast_in_dim3A_214 : vector<16xi1>, vector<16xi32>
        %swap3A_216 = arith.constant 32 : index
        %swap3A_217 = tpu.vector_load %arg11[%swap3A_216] {strides = array<i32>} : memref<128xi32, #tpu.memory_space<vmem>>, vector<16xi32>,
        tpu.vector_store %arg11[%swap3A_216], %select_n3A_215 {strides = array<i32>} : memref<128xi32, #tpu.memory_space<vmem>>, vector<16xi32>,
        %mul3A_218 = arith.constant 128 : i32
        %mul3A_219 = arith.muli %add3A_131, %mul3A_218 : i32
        %add3A_220 = arith.constant 48 : i32
        %add3A_221 = arith.addi %mul3A_219, %add3A_220 : i32
        %get3A_222 = arith.index_cast %add3A_221 : i32 to index
        %get3A_223 = tpu.vector_load %arg8[%get3A_222] {strides = array<i32>} : memref<5376xi32, #tpu.memory_space<vmem>>, vector<16xi32>,
        %ge3A_224 = arith.constant 0 : i32
        %ge3A_225 = vector.broadcast %ge3A_224 : i32 to vector<16xi32>
        %ge3A_226 = arith.cmpi sge, %get3A_223, %ge3A_225 : vector<16xi32>
        %shift_right_arithmetic3A_227 = arith.constant 13 : i32
        %shift_right_arithmetic3A_228 = vector.broadcast %shift_right_arithmetic3A_227 : i32 to vector<16xi32>
        %shift_right_arithmetic3A_229 = arith.shrsi %get3A_223, %shift_right_arithmetic3A_228 : vector<16xi32>
        %add3A_230 = vector.broadcast %mul3A_4 : i32 to vector<16xi32>
        %add3A_231 = arith.addi %shift_right_arithmetic3A_229, %add3A_230 : vector<16xi32>
        %jit3A_232 = arith.constant -1 : i32
        %broadcast_in_dim3A_233 = vector.broadcast %jit3A_232 : i32 to vector<16xi32>
        %select_n3A_234 = arith.select %ge3A_226, %add3A_231, %broadcast_in_dim3A_233 : vector<16xi1>, vector<16xi32>
        %swap3A_235 = arith.constant 48 : index
        %swap3A_236 = tpu.vector_load %arg10[%swap3A_235] {strides = array<i32>} : memref<128xi32, #tpu.memory_space<vmem>>, vector<16xi32>,
        tpu.vector_store %arg10[%swap3A_235], %select_n3A_234 {strides = array<i32>} : memref<128xi32, #tpu.memory_space<vmem>>, vector<16xi32>,
        %jit3A_237 = arith.constant 3128 : i32
        %broadcast_in_dim3A_238 = vector.broadcast %jit3A_237 : i32 to vector<16xi32>
        %select_n3A_239 = arith.select %ge3A_226, %shift_right_arithmetic3A_229, %broadcast_in_dim3A_238 : vector<16xi1>, vector<16xi32>
        %swap3A_240 = arith.constant 48 : index
        %swap3A_241 = tpu.vector_load %arg11[%swap3A_240] {strides = array<i32>} : memref<128xi32, #tpu.memory_space<vmem>>, vector<16xi32>,
        tpu.vector_store %arg11[%swap3A_240], %select_n3A_239 {strides = array<i32>} : memref<128xi32, #tpu.memory_space<vmem>>, vector<16xi32>,
        %mul3A_242 = arith.constant 128 : i32
        %mul3A_243 = arith.muli %add3A_131, %mul3A_242 : i32
        %add3A_244 = arith.constant 64 : i32
        %add3A_245 = arith.addi %mul3A_243, %add3A_244 : i32
        %get3A_246 = arith.index_cast %add3A_245 : i32 to index
        %get3A_247 = tpu.vector_load %arg8[%get3A_246] {strides = array<i32>} : memref<5376xi32, #tpu.memory_space<vmem>>, vector<16xi32>,
        %ge3A_248 = arith.constant 0 : i32
        %ge3A_249 = vector.broadcast %ge3A_248 : i32 to vector<16xi32>
        %ge3A_250 = arith.cmpi sge, %get3A_247, %ge3A_249 : vector<16xi32>
        %shift_right_arithmetic3A_251 = arith.constant 13 : i32
        %shift_right_arithmetic3A_252 = vector.broadcast %shift_right_arithmetic3A_251 : i32 to vector<16xi32>
        %shift_right_arithmetic3A_253 = arith.shrsi %get3A_247, %shift_right_arithmetic3A_252 : vector<16xi32>
        %add3A_254 = vector.broadcast %mul3A_4 : i32 to vector<16xi32>
        %add3A_255 = arith.addi %shift_right_arithmetic3A_253, %add3A_254 : vector<16xi32>
        %jit3A_256 = arith.constant -1 : i32
        %broadcast_in_dim3A_257 = vector.broadcast %jit3A_256 : i32 to vector<16xi32>
        %select_n3A_258 = arith.select %ge3A_250, %add3A_255, %broadcast_in_dim3A_257 : vector<16xi1>, vector<16xi32>
        %swap3A_259 = arith.constant 64 : index
        %swap3A_260 = tpu.vector_load %arg10[%swap3A_259] {strides = array<i32>} : memref<128xi32, #tpu.memory_space<vmem>>, vector<16xi32>,
        tpu.vector_store %arg10[%swap3A_259], %select_n3A_258 {strides = array<i32>} : memref<128xi32, #tpu.memory_space<vmem>>, vector<16xi32>,
        %jit3A_261 = arith.constant 3128 : i32
        %broadcast_in_dim3A_262 = vector.broadcast %jit3A_261 : i32 to vector<16xi32>
        %select_n3A_263 = arith.select %ge3A_250, %shift_right_arithmetic3A_253, %broadcast_in_dim3A_262 : vector<16xi1>, vector<16xi32>
        %swap3A_264 = arith.constant 64 : index
        %swap3A_265 = tpu.vector_load %arg11[%swap3A_264] {strides = array<i32>} : memref<128xi32, #tpu.memory_space<vmem>>, vector<16xi32>,
        tpu.vector_store %arg11[%swap3A_264], %select_n3A_263 {strides = array<i32>} : memref<128xi32, #tpu.memory_space<vmem>>, vector<16xi32>,
        %mul3A_266 = arith.constant 128 : i32
        %mul3A_267 = arith.muli %add3A_131, %mul3A_266 : i32
        %add3A_268 = arith.constant 80 : i32
        %add3A_269 = arith.addi %mul3A_267, %add3A_268 : i32
        %get3A_270 = arith.index_cast %add3A_269 : i32 to index
        %get3A_271 = tpu.vector_load %arg8[%get3A_270] {strides = array<i32>} : memref<5376xi32, #tpu.memory_space<vmem>>, vector<16xi32>,
        %ge3A_272 = arith.constant 0 : i32
        %ge3A_273 = vector.broadcast %ge3A_272 : i32 to vector<16xi32>
        %ge3A_274 = arith.cmpi sge, %get3A_271, %ge3A_273 : vector<16xi32>
        %shift_right_arithmetic3A_275 = arith.constant 13 : i32
        %shift_right_arithmetic3A_276 = vector.broadcast %shift_right_arithmetic3A_275 : i32 to vector<16xi32>
        %shift_right_arithmetic3A_277 = arith.shrsi %get3A_271, %shift_right_arithmetic3A_276 : vector<16xi32>
        %add3A_278 = vector.broadcast %mul3A_4 : i32 to vector<16xi32>
        %add3A_279 = arith.addi %shift_right_arithmetic3A_277, %add3A_278 : vector<16xi32>
        %jit3A_280 = arith.constant -1 : i32
        %broadcast_in_dim3A_281 = vector.broadcast %jit3A_280 : i32 to vector<16xi32>
        %select_n3A_282 = arith.select %ge3A_274, %add3A_279, %broadcast_in_dim3A_281 : vector<16xi1>, vector<16xi32>
        %swap3A_283 = arith.constant 80 : index
        %swap3A_284 = tpu.vector_load %arg10[%swap3A_283] {strides = array<i32>} : memref<128xi32, #tpu.memory_space<vmem>>, vector<16xi32>,
        tpu.vector_store %arg10[%swap3A_283], %select_n3A_282 {strides = array<i32>} : memref<128xi32, #tpu.memory_space<vmem>>, vector<16xi32>,
        %jit3A_285 = arith.constant 3128 : i32
        %broadcast_in_dim3A_286 = vector.broadcast %jit3A_285 : i32 to vector<16xi32>
        %select_n3A_287 = arith.select %ge3A_274, %shift_right_arithmetic3A_277, %broadcast_in_dim3A_286 : vector<16xi1>, vector<16xi32>
        %swap3A_288 = arith.constant 80 : index
        %swap3A_289 = tpu.vector_load %arg11[%swap3A_288] {strides = array<i32>} : memref<128xi32, #tpu.memory_space<vmem>>, vector<16xi32>,
        tpu.vector_store %arg11[%swap3A_288], %select_n3A_287 {strides = array<i32>} : memref<128xi32, #tpu.memory_space<vmem>>, vector<16xi32>,
        %mul3A_290 = arith.constant 128 : i32
        %mul3A_291 = arith.muli %add3A_131, %mul3A_290 : i32
        %add3A_292 = arith.constant 96 : i32
        %add3A_293 = arith.addi %mul3A_291, %add3A_292 : i32
        %get3A_294 = arith.index_cast %add3A_293 : i32 to index
        %get3A_295 = tpu.vector_load %arg8[%get3A_294] {strides = array<i32>} : memref<5376xi32, #tpu.memory_space<vmem>>, vector<16xi32>,
        %ge3A_296 = arith.constant 0 : i32
        %ge3A_297 = vector.broadcast %ge3A_296 : i32 to vector<16xi32>
        %ge3A_298 = arith.cmpi sge, %get3A_295, %ge3A_297 : vector<16xi32>
        %shift_right_arithmetic3A_299 = arith.constant 13 : i32
        %shift_right_arithmetic3A_300 = vector.broadcast %shift_right_arithmetic3A_299 : i32 to vector<16xi32>
        %shift_right_arithmetic3A_301 = arith.shrsi %get3A_295, %shift_right_arithmetic3A_300 : vector<16xi32>
        %add3A_302 = vector.broadcast %mul3A_4 : i32 to vector<16xi32>
        %add3A_303 = arith.addi %shift_right_arithmetic3A_301, %add3A_302 : vector<16xi32>
        %jit3A_304 = arith.constant -1 : i32
        %broadcast_in_dim3A_305 = vector.broadcast %jit3A_304 : i32 to vector<16xi32>
        %select_n3A_306 = arith.select %ge3A_298, %add3A_303, %broadcast_in_dim3A_305 : vector<16xi1>, vector<16xi32>
        %swap3A_307 = arith.constant 96 : index
        %swap3A_308 = tpu.vector_load %arg10[%swap3A_307] {strides = array<i32>} : memref<128xi32, #tpu.memory_space<vmem>>, vector<16xi32>,
        tpu.vector_store %arg10[%swap3A_307], %select_n3A_306 {strides = array<i32>} : memref<128xi32, #tpu.memory_space<vmem>>, vector<16xi32>,
        %jit3A_309 = arith.constant 3128 : i32
        %broadcast_in_dim3A_310 = vector.broadcast %jit3A_309 : i32 to vector<16xi32>
        %select_n3A_311 = arith.select %ge3A_298, %shift_right_arithmetic3A_301, %broadcast_in_dim3A_310 : vector<16xi1>, vector<16xi32>
        %swap3A_312 = arith.constant 96 : index
        %swap3A_313 = tpu.vector_load %arg11[%swap3A_312] {strides = array<i32>} : memref<128xi32, #tpu.memory_space<vmem>>, vector<16xi32>,
        tpu.vector_store %arg11[%swap3A_312], %select_n3A_311 {strides = array<i32>} : memref<128xi32, #tpu.memory_space<vmem>>, vector<16xi32>,
        %mul3A_314 = arith.constant 128 : i32
        %mul3A_315 = arith.muli %add3A_131, %mul3A_314 : i32
        %add3A_316 = arith.constant 112 : i32
        %add3A_317 = arith.addi %mul3A_315, %add3A_316 : i32
        %get3A_318 = arith.index_cast %add3A_317 : i32 to index
        %get3A_319 = tpu.vector_load %arg8[%get3A_318] {strides = array<i32>} : memref<5376xi32, #tpu.memory_space<vmem>>, vector<16xi32>,
        %ge3A_320 = arith.constant 0 : i32
        %ge3A_321 = vector.broadcast %ge3A_320 : i32 to vector<16xi32>
        %ge3A_322 = arith.cmpi sge, %get3A_319, %ge3A_321 : vector<16xi32>
        %shift_right_arithmetic3A_323 = arith.constant 13 : i32
        %shift_right_arithmetic3A_324 = vector.broadcast %shift_right_arithmetic3A_323 : i32 to vector<16xi32>
        %shift_right_arithmetic3A_325 = arith.shrsi %get3A_319, %shift_right_arithmetic3A_324 : vector<16xi32>
        %add3A_326 = vector.broadcast %mul3A_4 : i32 to vector<16xi32>
        %add3A_327 = arith.addi %shift_right_arithmetic3A_325, %add3A_326 : vector<16xi32>
        %jit3A_328 = arith.constant -1 : i32
        %broadcast_in_dim3A_329 = vector.broadcast %jit3A_328 : i32 to vector<16xi32>
        %select_n3A_330 = arith.select %ge3A_322, %add3A_327, %broadcast_in_dim3A_329 : vector<16xi1>, vector<16xi32>
        %swap3A_331 = arith.constant 112 : index
        %swap3A_332 = tpu.vector_load %arg10[%swap3A_331] {strides = array<i32>} : memref<128xi32, #tpu.memory_space<vmem>>, vector<16xi32>,
        tpu.vector_store %arg10[%swap3A_331], %select_n3A_330 {strides = array<i32>} : memref<128xi32, #tpu.memory_space<vmem>>, vector<16xi32>,
        %jit3A_333 = arith.constant 3128 : i32
        %broadcast_in_dim3A_334 = vector.broadcast %jit3A_333 : i32 to vector<16xi32>
        %select_n3A_335 = arith.select %ge3A_322, %shift_right_arithmetic3A_325, %broadcast_in_dim3A_334 : vector<16xi1>, vector<16xi32>
        %swap3A_336 = arith.constant 112 : index
        %swap3A_337 = tpu.vector_load %arg11[%swap3A_336] {strides = array<i32>} : memref<128xi32, #tpu.memory_space<vmem>>, vector<16xi32>,
        tpu.vector_store %arg11[%swap3A_336], %select_n3A_335 {strides = array<i32>} : memref<128xi32, #tpu.memory_space<vmem>>, vector<16xi32>,
        %dma_start3A_338 = arith.constant 0 : i32
        %dma_start3A_339 = tpu.memref_slice %arg10[%dma_start3A_338] : memref<128xi32, #tpu.memory_space<vmem>> -> memref<128xi32, #tpu.memory_space<vmem>>
        %dma_start3A_340 = arith.constant 0 : i32
        %dma_start3A_341 = tpu.memref_slice %arg17[%dma_start3A_340] : memref<50048xf32, #tpu.memory_space<vmem_shared>> -> memref<50048xf32, #tpu.memory_space<vmem_shared>>
        %dma_start3A_342 = arith.constant -1 : i32
        tpu.enqueue_indirect_dma source(%arg13 : memref<128xf32, #tpu.memory_space<vmem>>) target(%dma_start3A_341 : memref<50048xf32, #tpu.memory_space<vmem_shared>>) offsets(%dma_start3A_339 : memref<128xi32, #tpu.memory_space<vmem>>) offset_filter(%dma_start3A_342) semaphore(%arg20 : memref<!tpu.dma_semaphore, #tpu.memory_space<semaphore_mem>>) {add = true}
        %mul3A_343 = arith.constant 128 : i32
        %mul3A_344 = arith.muli %add3A_131, %mul3A_343 : i32
        %sub3A_345 = arith.subi %parallel_loop3A_70, %mul3A_344 : i32
        %add3A_346 = arith.constant 15 : i32
        %add3A_347 = arith.addi %sub3A_345, %add3A_346 : i32
        %shift_right_arithmetic3A_348 = arith.constant 4 : i32
        %shift_right_arithmetic3A_349 = arith.shrsi %add3A_347, %shift_right_arithmetic3A_348 : i32
        %min3A = arith.constant 8 : i32
        %min3A_350 = arith.minsi %shift_right_arithmetic3A_349, %min3A : i32
        %sub3A_351 = arith.constant 0 : i32
        %sub3A_352 = arith.subi %min3A_350, %sub3A_351 : i32
        %sub3A_353 = arith.constant 1 : i32
        %sub3A_354 = arith.constant 1 : i32
        %sub3A_355 = arith.subi %sub3A_353, %sub3A_354 : i32
        %add3A_356 = arith.addi %sub3A_352, %sub3A_355 : i32
        %div3A_357 = arith.constant 1 : i32
        %div3A_358 = arith.divsi %add3A_356, %div3A_357 : i32
        %while3A_359 = arith.constant 1 : i32
        %while3A_360 = arith.constant 0 : i32
        %while3A_361 = arith.constant 0 : i32
        %while3A_362 = arith.subi %div3A_358, %while3A_361 : i32
        %while3A_363 = arith.addi %while3A_361, %while3A_362 : i32
        %while3A_364 = arith.constant 1 : i32
        %while3A_365 = arith.divsi %while3A_362, %while3A_364 : i32
        %while3A_366 = arith.muli %while3A_365, %while3A_364 : i32
        %while3A_367 = arith.addi %while3A_361, %while3A_366 : i32
        %while3A_368 = arith.constant 1 : i32
        scf.for %while3A_374 = %while3A_361 to %while3A_367 step %while3A_368  : i32 {
          %mul3A_375 = arith.muli %while3A_374, %while3A_359 : i32
          %add3A_376 = arith.addi %while3A_360, %mul3A_375 : i32
          %mul3A_377 = arith.constant 16 : i32
          %mul3A_378 = arith.muli %add3A_376, %mul3A_377 : i32
          %get3A_379 = arith.index_cast %mul3A_378 : i32 to index
          %get3A_380 = tpu.vector_load %arg11[%get3A_379] {strides = array<i32>} : memref<128xi32, #tpu.memory_space<vmem>>, vector<16xi32>,
          %slice3A = vector.extract_strided_slice %get3A_380 {offsets = [0], sizes = [1], strides = [1]} : vector<16xi32> to vector<1xi32>
          %squeeze3A = vector.extract %slice3A[0] : i32 from vector<1xi32>
          %mul3A_381 = arith.constant 16 : i32
          %mul3A_382 = arith.muli %add3A_376, %mul3A_381 : i32
          %add3A_383 = arith.constant 0 : i32
          %add3A_384 = arith.addi %mul3A_382, %add3A_383 : i32
          %get3A_385 = arith.index_cast %rem3A_133 : i32 to index
          %get3A_386 = arith.index_cast %add3A_384 : i32 to index
          %get3A_387 = arith.constant 0 : index
          %get3A_388 = tpu.vector_load %arg12[%get3A_385, %get3A_386, %get3A_387] {strides = array<i32>} : memref<2x128x16xf32, #tpu.memory_space<vmem>>, vector<16xf32>,
          %get3A_389 = arith.index_cast %squeeze3A : i32 to index
          %get3A_390 = arith.constant 0 : index
          %get3A_391 = tpu.vector_load %arg15[%get3A_389, %get3A_390] {strides = array<i32>} : memref<3129x16xf32, #tpu.memory_space<vmem>>, vector<16xf32>,
          %max3A = arith.maximumf %get3A_391, %get3A_388 : vector<16xf32>
          %swap3A_392 = arith.index_cast %squeeze3A : i32 to index
          %swap3A_393 = arith.constant 0 : index
          %swap3A_394 = tpu.vector_load %arg15[%swap3A_392, %swap3A_393] {strides = array<i32>} : memref<3129x16xf32, #tpu.memory_space<vmem>>, vector<16xf32>,
          tpu.vector_store %arg15[%swap3A_392, %swap3A_393], %max3A {strides = array<i32>} : memref<3129x16xf32, #tpu.memory_space<vmem>>, vector<16xf32>,
          %get3A_395 = arith.index_cast %squeeze3A : i32 to index
          %get3A_396 = arith.constant 0 : index
          %get3A_397 = tpu.vector_load %arg16[%get3A_395, %get3A_396] {strides = array<i32>} : memref<3129x16xf32, #tpu.memory_space<vmem>>, vector<16xf32>,
          %add3A_398 = arith.addf %get3A_397, %get3A_388 : vector<16xf32>
          %swap3A_399 = arith.index_cast %squeeze3A : i32 to index
          %swap3A_400 = arith.constant 0 : index
          %swap3A_401 = tpu.vector_load %arg16[%swap3A_399, %swap3A_400] {strides = array<i32>} : memref<3129x16xf32, #tpu.memory_space<vmem>>, vector<16xf32>,
          tpu.vector_store %arg16[%swap3A_399, %swap3A_400], %add3A_398 {strides = array<i32>} : memref<3129x16xf32, #tpu.memory_space<vmem>>, vector<16xf32>,
          %slice3A_402 = vector.extract_strided_slice %get3A_380 {offsets = [1], sizes = [1], strides = [1]} : vector<16xi32> to vector<1xi32>
          %squeeze3A_403 = vector.extract %slice3A_402[0] : i32 from vector<1xi32>
          %mul3A_404 = arith.constant 16 : i32
          %mul3A_405 = arith.muli %add3A_376, %mul3A_404 : i32
          %add3A_406 = arith.constant 1 : i32
          %add3A_407 = arith.addi %mul3A_405, %add3A_406 : i32
          %get3A_408 = arith.index_cast %rem3A_133 : i32 to index
          %get3A_409 = arith.index_cast %add3A_407 : i32 to index
          %get3A_410 = arith.constant 0 : index
          %get3A_411 = tpu.vector_load %arg12[%get3A_408, %get3A_409, %get3A_410] {strides = array<i32>} : memref<2x128x16xf32, #tpu.memory_space<vmem>>, vector<16xf32>,
          %get3A_412 = arith.index_cast %squeeze3A_403 : i32 to index
          %get3A_413 = arith.constant 0 : index
          %get3A_414 = tpu.vector_load %arg15[%get3A_412, %get3A_413] {strides = array<i32>} : memref<3129x16xf32, #tpu.memory_space<vmem>>, vector<16xf32>,
          %max3A_415 = arith.maximumf %get3A_414, %get3A_411 : vector<16xf32>
          %swap3A_416 = arith.index_cast %squeeze3A_403 : i32 to index
          %swap3A_417 = arith.constant 0 : index
          %swap3A_418 = tpu.vector_load %arg15[%swap3A_416, %swap3A_417] {strides = array<i32>} : memref<3129x16xf32, #tpu.memory_space<vmem>>, vector<16xf32>,
          tpu.vector_store %arg15[%swap3A_416, %swap3A_417], %max3A_415 {strides = array<i32>} : memref<3129x16xf32, #tpu.memory_space<vmem>>, vector<16xf32>,
          %get3A_419 = arith.index_cast %squeeze3A_403 : i32 to index
          %get3A_420 = arith.constant 0 : index
          %get3A_421 = tpu.vector_load %arg16[%get3A_419, %get3A_420] {strides = array<i32>} : memref<3129x16xf32, #tpu.memory_space<vmem>>, vector<16xf32>,
          %add3A_422 = arith.addf %get3A_421, %get3A_411 : vector<16xf32>
          %swap3A_423 = arith.index_cast %squeeze3A_403 : i32 to index
          %swap3A_424 = arith.constant 0 : index
          %swap3A_425 = tpu.vector_load %arg16[%swap3A_423, %swap3A_424] {strides = array<i32>} : memref<3129x16xf32, #tpu.memory_space<vmem>>, vector<16xf32>,
          tpu.vector_store %arg16[%swap3A_423, %swap3A_424], %add3A_422 {strides = array<i32>} : memref<3129x16xf32, #tpu.memory_space<vmem>>, vector<16xf32>,
          %slice3A_426 = vector.extract_strided_slice %get3A_380 {offsets = [2], sizes = [1], strides = [1]} : vector<16xi32> to vector<1xi32>
          %squeeze3A_427 = vector.extract %slice3A_426[0] : i32 from vector<1xi32>
          %mul3A_428 = arith.constant 16 : i32
          %mul3A_429 = arith.muli %add3A_376, %mul3A_428 : i32
          %add3A_430 = arith.constant 2 : i32
          %add3A_431 = arith.addi %mul3A_429, %add3A_430 : i32
          %get3A_432 = arith.index_cast %rem3A_133 : i32 to index
          %get3A_433 = arith.index_cast %add3A_431 : i32 to index
          %get3A_434 = arith.constant 0 : index
          %get3A_435 = tpu.vector_load %arg12[%get3A_432, %get3A_433, %get3A_434] {strides = array<i32>} : memref<2x128x16xf32, #tpu.memory_space<vmem>>, vector<16xf32>,
          %get3A_436 = arith.index_cast %squeeze3A_427 : i32 to index
          %get3A_437 = arith.constant 0 : index
          %get3A_438 = tpu.vector_load %arg15[%get3A_436, %get3A_437] {strides = array<i32>} : memref<3129x16xf32, #tpu.memory_space<vmem>>, vector<16xf32>,
          %max3A_439 = arith.maximumf %get3A_438, %get3A_435 : vector<16xf32>
          %swap3A_440 = arith.index_cast %squeeze3A_427 : i32 to index
          %swap3A_441 = arith.constant 0 : index
          %swap3A_442 = tpu.vector_load %arg15[%swap3A_440, %swap3A_441] {strides = array<i32>} : memref<3129x16xf32, #tpu.memory_space<vmem>>, vector<16xf32>,
          tpu.vector_store %arg15[%swap3A_440, %swap3A_441], %max3A_439 {strides = array<i32>} : memref<3129x16xf32, #tpu.memory_space<vmem>>, vector<16xf32>,
          %get3A_443 = arith.index_cast %squeeze3A_427 : i32 to index
          %get3A_444 = arith.constant 0 : index
          %get3A_445 = tpu.vector_load %arg16[%get3A_443, %get3A_444] {strides = array<i32>} : memref<3129x16xf32, #tpu.memory_space<vmem>>, vector<16xf32>,
          %add3A_446 = arith.addf %get3A_445, %get3A_435 : vector<16xf32>
          %swap3A_447 = arith.index_cast %squeeze3A_427 : i32 to index
          %swap3A_448 = arith.constant 0 : index
          %swap3A_449 = tpu.vector_load %arg16[%swap3A_447, %swap3A_448] {strides = array<i32>} : memref<3129x16xf32, #tpu.memory_space<vmem>>, vector<16xf32>,
          tpu.vector_store %arg16[%swap3A_447, %swap3A_448], %add3A_446 {strides = array<i32>} : memref<3129x16xf32, #tpu.memory_space<vmem>>, vector<16xf32>,
          %slice3A_450 = vector.extract_strided_slice %get3A_380 {offsets = [3], sizes = [1], strides = [1]} : vector<16xi32> to vector<1xi32>
          %squeeze3A_451 = vector.extract %slice3A_450[0] : i32 from vector<1xi32>
          %mul3A_452 = arith.constant 16 : i32
          %mul3A_453 = arith.muli %add3A_376, %mul3A_452 : i32
          %add3A_454 = arith.constant 3 : i32
          %add3A_455 = arith.addi %mul3A_453, %add3A_454 : i32
          %get3A_456 = arith.index_cast %rem3A_133 : i32 to index
          %get3A_457 = arith.index_cast %add3A_455 : i32 to index
          %get3A_458 = arith.constant 0 : index
          %get3A_459 = tpu.vector_load %arg12[%get3A_456, %get3A_457, %get3A_458] {strides = array<i32>} : memref<2x128x16xf32, #tpu.memory_space<vmem>>, vector<16xf32>,
          %get3A_460 = arith.index_cast %squeeze3A_451 : i32 to index
          %get3A_461 = arith.constant 0 : index
          %get3A_462 = tpu.vector_load %arg15[%get3A_460, %get3A_461] {strides = array<i32>} : memref<3129x16xf32, #tpu.memory_space<vmem>>, vector<16xf32>,
          %max3A_463 = arith.maximumf %get3A_462, %get3A_459 : vector<16xf32>
          %swap3A_464 = arith.index_cast %squeeze3A_451 : i32 to index
          %swap3A_465 = arith.constant 0 : index
          %swap3A_466 = tpu.vector_load %arg15[%swap3A_464, %swap3A_465] {strides = array<i32>} : memref<3129x16xf32, #tpu.memory_space<vmem>>, vector<16xf32>,
          tpu.vector_store %arg15[%swap3A_464, %swap3A_465], %max3A_463 {strides = array<i32>} : memref<3129x16xf32, #tpu.memory_space<vmem>>, vector<16xf32>,
          %get3A_467 = arith.index_cast %squeeze3A_451 : i32 to index
          %get3A_468 = arith.constant 0 : index
          %get3A_469 = tpu.vector_load %arg16[%get3A_467, %get3A_468] {strides = array<i32>} : memref<3129x16xf32, #tpu.memory_space<vmem>>, vector<16xf32>,
          %add3A_470 = arith.addf %get3A_469, %get3A_459 : vector<16xf32>
          %swap3A_471 = arith.index_cast %squeeze3A_451 : i32 to index
          %swap3A_472 = arith.constant 0 : index
          %swap3A_473 = tpu.vector_load %arg16[%swap3A_471, %swap3A_472] {strides = array<i32>} : memref<3129x16xf32, #tpu.memory_space<vmem>>, vector<16xf32>,
          tpu.vector_store %arg16[%swap3A_471, %swap3A_472], %add3A_470 {strides = array<i32>} : memref<3129x16xf32, #tpu.memory_space<vmem>>, vector<16xf32>,
          %slice3A_474 = vector.extract_strided_slice %get3A_380 {offsets = [4], sizes = [1], strides = [1]} : vector<16xi32> to vector<1xi32>
          %squeeze3A_475 = vector.extract %slice3A_474[0] : i32 from vector<1xi32>
          %mul3A_476 = arith.constant 16 : i32
          %mul3A_477 = arith.muli %add3A_376, %mul3A_476 : i32
          %add3A_478 = arith.constant 4 : i32
          %add3A_479 = arith.addi %mul3A_477, %add3A_478 : i32
          %get3A_480 = arith.index_cast %rem3A_133 : i32 to index
          %get3A_481 = arith.index_cast %add3A_479 : i32 to index
          %get3A_482 = arith.constant 0 : index
          %get3A_483 = tpu.vector_load %arg12[%get3A_480, %get3A_481, %get3A_482] {strides = array<i32>} : memref<2x128x16xf32, #tpu.memory_space<vmem>>, vector<16xf32>,
          %get3A_484 = arith.index_cast %squeeze3A_475 : i32 to index
          %get3A_485 = arith.constant 0 : index
          %get3A_486 = tpu.vector_load %arg15[%get3A_484, %get3A_485] {strides = array<i32>} : memref<3129x16xf32, #tpu.memory_space<vmem>>, vector<16xf32>,
          %max3A_487 = arith.maximumf %get3A_486, %get3A_483 : vector<16xf32>
          %swap3A_488 = arith.index_cast %squeeze3A_475 : i32 to index
          %swap3A_489 = arith.constant 0 : index
          %swap3A_490 = tpu.vector_load %arg15[%swap3A_488, %swap3A_489] {strides = array<i32>} : memref<3129x16xf32, #tpu.memory_space<vmem>>, vector<16xf32>,
          tpu.vector_store %arg15[%swap3A_488, %swap3A_489], %max3A_487 {strides = array<i32>} : memref<3129x16xf32, #tpu.memory_space<vmem>>, vector<16xf32>,
          %get3A_491 = arith.index_cast %squeeze3A_475 : i32 to index
          %get3A_492 = arith.constant 0 : index
          %get3A_493 = tpu.vector_load %arg16[%get3A_491, %get3A_492] {strides = array<i32>} : memref<3129x16xf32, #tpu.memory_space<vmem>>, vector<16xf32>,
          %add3A_494 = arith.addf %get3A_493, %get3A_483 : vector<16xf32>
          %swap3A_495 = arith.index_cast %squeeze3A_475 : i32 to index
          %swap3A_496 = arith.constant 0 : index
          %swap3A_497 = tpu.vector_load %arg16[%swap3A_495, %swap3A_496] {strides = array<i32>} : memref<3129x16xf32, #tpu.memory_space<vmem>>, vector<16xf32>,
          tpu.vector_store %arg16[%swap3A_495, %swap3A_496], %add3A_494 {strides = array<i32>} : memref<3129x16xf32, #tpu.memory_space<vmem>>, vector<16xf32>,
          %slice3A_498 = vector.extract_strided_slice %get3A_380 {offsets = [5], sizes = [1], strides = [1]} : vector<16xi32> to vector<1xi32>
          %squeeze3A_499 = vector.extract %slice3A_498[0] : i32 from vector<1xi32>
          %mul3A_500 = arith.constant 16 : i32
          %mul3A_501 = arith.muli %add3A_376, %mul3A_500 : i32
          %add3A_502 = arith.constant 5 : i32
          %add3A_503 = arith.addi %mul3A_501, %add3A_502 : i32
          %get3A_504 = arith.index_cast %rem3A_133 : i32 to index
          %get3A_505 = arith.index_cast %add3A_503 : i32 to index
          %get3A_506 = arith.constant 0 : index
          %get3A_507 = tpu.vector_load %arg12[%get3A_504, %get3A_505, %get3A_506] {strides = array<i32>} : memref<2x128x16xf32, #tpu.memory_space<vmem>>, vector<16xf32>,
          %get3A_508 = arith.index_cast %squeeze3A_499 : i32 to index
          %get3A_509 = arith.constant 0 : index
          %get3A_510 = tpu.vector_load %arg15[%get3A_508, %get3A_509] {strides = array<i32>} : memref<3129x16xf32, #tpu.memory_space<vmem>>, vector<16xf32>,
          %max3A_511 = arith.maximumf %get3A_510, %get3A_507 : vector<16xf32>
          %swap3A_512 = arith.index_cast %squeeze3A_499 : i32 to index
          %swap3A_513 = arith.constant 0 : index
          %swap3A_514 = tpu.vector_load %arg15[%swap3A_512, %swap3A_513] {strides = array<i32>} : memref<3129x16xf32, #tpu.memory_space<vmem>>, vector<16xf32>,
          tpu.vector_store %arg15[%swap3A_512, %swap3A_513], %max3A_511 {strides = array<i32>} : memref<3129x16xf32, #tpu.memory_space<vmem>>, vector<16xf32>,
          %get3A_515 = arith.index_cast %squeeze3A_499 : i32 to index
          %get3A_516 = arith.constant 0 : index
          %get3A_517 = tpu.vector_load %arg16[%get3A_515, %get3A_516] {strides = array<i32>} : memref<3129x16xf32, #tpu.memory_space<vmem>>, vector<16xf32>,
          %add3A_518 = arith.addf %get3A_517, %get3A_507 : vector<16xf32>
          %swap3A_519 = arith.index_cast %squeeze3A_499 : i32 to index
          %swap3A_520 = arith.constant 0 : index
          %swap3A_521 = tpu.vector_load %arg16[%swap3A_519, %swap3A_520] {strides = array<i32>} : memref<3129x16xf32, #tpu.memory_space<vmem>>, vector<16xf32>,
          tpu.vector_store %arg16[%swap3A_519, %swap3A_520], %add3A_518 {strides = array<i32>} : memref<3129x16xf32, #tpu.memory_space<vmem>>, vector<16xf32>,
          %slice3A_522 = vector.extract_strided_slice %get3A_380 {offsets = [6], sizes = [1], strides = [1]} : vector<16xi32> to vector<1xi32>
          %squeeze3A_523 = vector.extract %slice3A_522[0] : i32 from vector<1xi32>
          %mul3A_524 = arith.constant 16 : i32
          %mul3A_525 = arith.muli %add3A_376, %mul3A_524 : i32
          %add3A_526 = arith.constant 6 : i32
          %add3A_527 = arith.addi %mul3A_525, %add3A_526 : i32
          %get3A_528 = arith.index_cast %rem3A_133 : i32 to index
          %get3A_529 = arith.index_cast %add3A_527 : i32 to index
          %get3A_530 = arith.constant 0 : index
          %get3A_531 = tpu.vector_load %arg12[%get3A_528, %get3A_529, %get3A_530] {strides = array<i32>} : memref<2x128x16xf32, #tpu.memory_space<vmem>>, vector<16xf32>,
          %get3A_532 = arith.index_cast %squeeze3A_523 : i32 to index
          %get3A_533 = arith.constant 0 : index
          %get3A_534 = tpu.vector_load %arg15[%get3A_532, %get3A_533] {strides = array<i32>} : memref<3129x16xf32, #tpu.memory_space<vmem>>, vector<16xf32>,
          %max3A_535 = arith.maximumf %get3A_534, %get3A_531 : vector<16xf32>
          %swap3A_536 = arith.index_cast %squeeze3A_523 : i32 to index
          %swap3A_537 = arith.constant 0 : index
          %swap3A_538 = tpu.vector_load %arg15[%swap3A_536, %swap3A_537] {strides = array<i32>} : memref<3129x16xf32, #tpu.memory_space<vmem>>, vector<16xf32>,
          tpu.vector_store %arg15[%swap3A_536, %swap3A_537], %max3A_535 {strides = array<i32>} : memref<3129x16xf32, #tpu.memory_space<vmem>>, vector<16xf32>,
          %get3A_539 = arith.index_cast %squeeze3A_523 : i32 to index
          %get3A_540 = arith.constant 0 : index
          %get3A_541 = tpu.vector_load %arg16[%get3A_539, %get3A_540] {strides = array<i32>} : memref<3129x16xf32, #tpu.memory_space<vmem>>, vector<16xf32>,
          %add3A_542 = arith.addf %get3A_541, %get3A_531 : vector<16xf32>
          %swap3A_543 = arith.index_cast %squeeze3A_523 : i32 to index
          %swap3A_544 = arith.constant 0 : index
          %swap3A_545 = tpu.vector_load %arg16[%swap3A_543, %swap3A_544] {strides = array<i32>} : memref<3129x16xf32, #tpu.memory_space<vmem>>, vector<16xf32>,
          tpu.vector_store %arg16[%swap3A_543, %swap3A_544], %add3A_542 {strides = array<i32>} : memref<3129x16xf32, #tpu.memory_space<vmem>>, vector<16xf32>,
          %slice3A_546 = vector.extract_strided_slice %get3A_380 {offsets = [7], sizes = [1], strides = [1]} : vector<16xi32> to vector<1xi32>
          %squeeze3A_547 = vector.extract %slice3A_546[0] : i32 from vector<1xi32>
          %mul3A_548 = arith.constant 16 : i32
          %mul3A_549 = arith.muli %add3A_376, %mul3A_548 : i32
          %add3A_550 = arith.constant 7 : i32
          %add3A_551 = arith.addi %mul3A_549, %add3A_550 : i32
          %get3A_552 = arith.index_cast %rem3A_133 : i32 to index
          %get3A_553 = arith.index_cast %add3A_551 : i32 to index
          %get3A_554 = arith.constant 0 : index
          %get3A_555 = tpu.vector_load %arg12[%get3A_552, %get3A_553, %get3A_554] {strides = array<i32>} : memref<2x128x16xf32, #tpu.memory_space<vmem>>, vector<16xf32>,
          %get3A_556 = arith.index_cast %squeeze3A_547 : i32 to index
          %get3A_557 = arith.constant 0 : index
          %get3A_558 = tpu.vector_load %arg15[%get3A_556, %get3A_557] {strides = array<i32>} : memref<3129x16xf32, #tpu.memory_space<vmem>>, vector<16xf32>,
          %max3A_559 = arith.maximumf %get3A_558, %get3A_555 : vector<16xf32>
          %swap3A_560 = arith.index_cast %squeeze3A_547 : i32 to index
          %swap3A_561 = arith.constant 0 : index
          %swap3A_562 = tpu.vector_load %arg15[%swap3A_560, %swap3A_561] {strides = array<i32>} : memref<3129x16xf32, #tpu.memory_space<vmem>>, vector<16xf32>,
          tpu.vector_store %arg15[%swap3A_560, %swap3A_561], %max3A_559 {strides = array<i32>} : memref<3129x16xf32, #tpu.memory_space<vmem>>, vector<16xf32>,
          %get3A_563 = arith.index_cast %squeeze3A_547 : i32 to index
          %get3A_564 = arith.constant 0 : index
          %get3A_565 = tpu.vector_load %arg16[%get3A_563, %get3A_564] {strides = array<i32>} : memref<3129x16xf32, #tpu.memory_space<vmem>>, vector<16xf32>,
          %add3A_566 = arith.addf %get3A_565, %get3A_555 : vector<16xf32>
          %swap3A_567 = arith.index_cast %squeeze3A_547 : i32 to index
          %swap3A_568 = arith.constant 0 : index
          %swap3A_569 = tpu.vector_load %arg16[%swap3A_567, %swap3A_568] {strides = array<i32>} : memref<3129x16xf32, #tpu.memory_space<vmem>>, vector<16xf32>,
          tpu.vector_store %arg16[%swap3A_567, %swap3A_568], %add3A_566 {strides = array<i32>} : memref<3129x16xf32, #tpu.memory_space<vmem>>, vector<16xf32>,
          %slice3A_570 = vector.extract_strided_slice %get3A_380 {offsets = [8], sizes = [1], strides = [1]} : vector<16xi32> to vector<1xi32>
          %squeeze3A_571 = vector.extract %slice3A_570[0] : i32 from vector<1xi32>
          %mul3A_572 = arith.constant 16 : i32
          %mul3A_573 = arith.muli %add3A_376, %mul3A_572 : i32
          %add3A_574 = arith.constant 8 : i32
          %add3A_575 = arith.addi %mul3A_573, %add3A_574 : i32
          %get3A_576 = arith.index_cast %rem3A_133 : i32 to index
          %get3A_577 = arith.index_cast %add3A_575 : i32 to index
          %get3A_578 = arith.constant 0 : index
          %get3A_579 = tpu.vector_load %arg12[%get3A_576, %get3A_577, %get3A_578] {strides = array<i32>} : memref<2x128x16xf32, #tpu.memory_space<vmem>>, vector<16xf32>,
          %get3A_580 = arith.index_cast %squeeze3A_571 : i32 to index
          %get3A_581 = arith.constant 0 : index
          %get3A_582 = tpu.vector_load %arg15[%get3A_580, %get3A_581] {strides = array<i32>} : memref<3129x16xf32, #tpu.memory_space<vmem>>, vector<16xf32>,
          %max3A_583 = arith.maximumf %get3A_582, %get3A_579 : vector<16xf32>
          %swap3A_584 = arith.index_cast %squeeze3A_571 : i32 to index
          %swap3A_585 = arith.constant 0 : index
          %swap3A_586 = tpu.vector_load %arg15[%swap3A_584, %swap3A_585] {strides = array<i32>} : memref<3129x16xf32, #tpu.memory_space<vmem>>, vector<16xf32>,
          tpu.vector_store %arg15[%swap3A_584, %swap3A_585], %max3A_583 {strides = array<i32>} : memref<3129x16xf32, #tpu.memory_space<vmem>>, vector<16xf32>,
          %get3A_587 = arith.index_cast %squeeze3A_571 : i32 to index
          %get3A_588 = arith.constant 0 : index
          %get3A_589 = tpu.vector_load %arg16[%get3A_587, %get3A_588] {strides = array<i32>} : memref<3129x16xf32, #tpu.memory_space<vmem>>, vector<16xf32>,
          %add3A_590 = arith.addf %get3A_589, %get3A_579 : vector<16xf32>
          %swap3A_591 = arith.index_cast %squeeze3A_571 : i32 to index
          %swap3A_592 = arith.constant 0 : index
          %swap3A_593 = tpu.vector_load %arg16[%swap3A_591, %swap3A_592] {strides = array<i32>} : memref<3129x16xf32, #tpu.memory_space<vmem>>, vector<16xf32>,
          tpu.vector_store %arg16[%swap3A_591, %swap3A_592], %add3A_590 {strides = array<i32>} : memref<3129x16xf32, #tpu.memory_space<vmem>>, vector<16xf32>,
          %slice3A_594 = vector.extract_strided_slice %get3A_380 {offsets = [9], sizes = [1], strides = [1]} : vector<16xi32> to vector<1xi32>
          %squeeze3A_595 = vector.extract %slice3A_594[0] : i32 from vector<1xi32>
          %mul3A_596 = arith.constant 16 : i32
          %mul3A_597 = arith.muli %add3A_376, %mul3A_596 : i32
          %add3A_598 = arith.constant 9 : i32
          %add3A_599 = arith.addi %mul3A_597, %add3A_598 : i32
          %get3A_600 = arith.index_cast %rem3A_133 : i32 to index
          %get3A_601 = arith.index_cast %add3A_599 : i32 to index
          %get3A_602 = arith.constant 0 : index
          %get3A_603 = tpu.vector_load %arg12[%get3A_600, %get3A_601, %get3A_602] {strides = array<i32>} : memref<2x128x16xf32, #tpu.memory_space<vmem>>, vector<16xf32>,
          %get3A_604 = arith.index_cast %squeeze3A_595 : i32 to index
          %get3A_605 = arith.constant 0 : index
          %get3A_606 = tpu.vector_load %arg15[%get3A_604, %get3A_605] {strides = array<i32>} : memref<3129x16xf32, #tpu.memory_space<vmem>>, vector<16xf32>,
          %max3A_607 = arith.maximumf %get3A_606, %get3A_603 : vector<16xf32>
          %swap3A_608 = arith.index_cast %squeeze3A_595 : i32 to index
          %swap3A_609 = arith.constant 0 : index
          %swap3A_610 = tpu.vector_load %arg15[%swap3A_608, %swap3A_609] {strides = array<i32>} : memref<3129x16xf32, #tpu.memory_space<vmem>>, vector<16xf32>,
          tpu.vector_store %arg15[%swap3A_608, %swap3A_609], %max3A_607 {strides = array<i32>} : memref<3129x16xf32, #tpu.memory_space<vmem>>, vector<16xf32>,
          %get3A_611 = arith.index_cast %squeeze3A_595 : i32 to index
          %get3A_612 = arith.constant 0 : index
          %get3A_613 = tpu.vector_load %arg16[%get3A_611, %get3A_612] {strides = array<i32>} : memref<3129x16xf32, #tpu.memory_space<vmem>>, vector<16xf32>,
          %add3A_614 = arith.addf %get3A_613, %get3A_603 : vector<16xf32>
          %swap3A_615 = arith.index_cast %squeeze3A_595 : i32 to index
          %swap3A_616 = arith.constant 0 : index
          %swap3A_617 = tpu.vector_load %arg16[%swap3A_615, %swap3A_616] {strides = array<i32>} : memref<3129x16xf32, #tpu.memory_space<vmem>>, vector<16xf32>,
          tpu.vector_store %arg16[%swap3A_615, %swap3A_616], %add3A_614 {strides = array<i32>} : memref<3129x16xf32, #tpu.memory_space<vmem>>, vector<16xf32>,
          %slice3A_618 = vector.extract_strided_slice %get3A_380 {offsets = [10], sizes = [1], strides = [1]} : vector<16xi32> to vector<1xi32>
          %squeeze3A_619 = vector.extract %slice3A_618[0] : i32 from vector<1xi32>
          %mul3A_620 = arith.constant 16 : i32
          %mul3A_621 = arith.muli %add3A_376, %mul3A_620 : i32
          %add3A_622 = arith.constant 10 : i32
          %add3A_623 = arith.addi %mul3A_621, %add3A_622 : i32
          %get3A_624 = arith.index_cast %rem3A_133 : i32 to index
          %get3A_625 = arith.index_cast %add3A_623 : i32 to index
          %get3A_626 = arith.constant 0 : index
          %get3A_627 = tpu.vector_load %arg12[%get3A_624, %get3A_625, %get3A_626] {strides = array<i32>} : memref<2x128x16xf32, #tpu.memory_space<vmem>>, vector<16xf32>,
          %get3A_628 = arith.index_cast %squeeze3A_619 : i32 to index
          %get3A_629 = arith.constant 0 : index
          %get3A_630 = tpu.vector_load %arg15[%get3A_628, %get3A_629] {strides = array<i32>} : memref<3129x16xf32, #tpu.memory_space<vmem>>, vector<16xf32>,
          %max3A_631 = arith.maximumf %get3A_630, %get3A_627 : vector<16xf32>
          %swap3A_632 = arith.index_cast %squeeze3A_619 : i32 to index
          %swap3A_633 = arith.constant 0 : index
          %swap3A_634 = tpu.vector_load %arg15[%swap3A_632, %swap3A_633] {strides = array<i32>} : memref<3129x16xf32, #tpu.memory_space<vmem>>, vector<16xf32>,
          tpu.vector_store %arg15[%swap3A_632, %swap3A_633], %max3A_631 {strides = array<i32>} : memref<3129x16xf32, #tpu.memory_space<vmem>>, vector<16xf32>,
          %get3A_635 = arith.index_cast %squeeze3A_619 : i32 to index
          %get3A_636 = arith.constant 0 : index
          %get3A_637 = tpu.vector_load %arg16[%get3A_635, %get3A_636] {strides = array<i32>} : memref<3129x16xf32, #tpu.memory_space<vmem>>, vector<16xf32>,
          %add3A_638 = arith.addf %get3A_637, %get3A_627 : vector<16xf32>
          %swap3A_639 = arith.index_cast %squeeze3A_619 : i32 to index
          %swap3A_640 = arith.constant 0 : index
          %swap3A_641 = tpu.vector_load %arg16[%swap3A_639, %swap3A_640] {strides = array<i32>} : memref<3129x16xf32, #tpu.memory_space<vmem>>, vector<16xf32>,
          tpu.vector_store %arg16[%swap3A_639, %swap3A_640], %add3A_638 {strides = array<i32>} : memref<3129x16xf32, #tpu.memory_space<vmem>>, vector<16xf32>,
          %slice3A_642 = vector.extract_strided_slice %get3A_380 {offsets = [11], sizes = [1], strides = [1]} : vector<16xi32> to vector<1xi32>
          %squeeze3A_643 = vector.extract %slice3A_642[0] : i32 from vector<1xi32>
          %mul3A_644 = arith.constant 16 : i32
          %mul3A_645 = arith.muli %add3A_376, %mul3A_644 : i32
          %add3A_646 = arith.constant 11 : i32
          %add3A_647 = arith.addi %mul3A_645, %add3A_646 : i32
          %get3A_648 = arith.index_cast %rem3A_133 : i32 to index
          %get3A_649 = arith.index_cast %add3A_647 : i32 to index
          %get3A_650 = arith.constant 0 : index
          %get3A_651 = tpu.vector_load %arg12[%get3A_648, %get3A_649, %get3A_650] {strides = array<i32>} : memref<2x128x16xf32, #tpu.memory_space<vmem>>, vector<16xf32>,
          %get3A_652 = arith.index_cast %squeeze3A_643 : i32 to index
          %get3A_653 = arith.constant 0 : index
          %get3A_654 = tpu.vector_load %arg15[%get3A_652, %get3A_653] {strides = array<i32>} : memref<3129x16xf32, #tpu.memory_space<vmem>>, vector<16xf32>,
          %max3A_655 = arith.maximumf %get3A_654, %get3A_651 : vector<16xf32>
          %swap3A_656 = arith.index_cast %squeeze3A_643 : i32 to index
          %swap3A_657 = arith.constant 0 : index
          %swap3A_658 = tpu.vector_load %arg15[%swap3A_656, %swap3A_657] {strides = array<i32>} : memref<3129x16xf32, #tpu.memory_space<vmem>>, vector<16xf32>,
          tpu.vector_store %arg15[%swap3A_656, %swap3A_657], %max3A_655 {strides = array<i32>} : memref<3129x16xf32, #tpu.memory_space<vmem>>, vector<16xf32>,
          %get3A_659 = arith.index_cast %squeeze3A_643 : i32 to index
          %get3A_660 = arith.constant 0 : index
          %get3A_661 = tpu.vector_load %arg16[%get3A_659, %get3A_660] {strides = array<i32>} : memref<3129x16xf32, #tpu.memory_space<vmem>>, vector<16xf32>,
          %add3A_662 = arith.addf %get3A_661, %get3A_651 : vector<16xf32>
          %swap3A_663 = arith.index_cast %squeeze3A_643 : i32 to index
          %swap3A_664 = arith.constant 0 : index
          %swap3A_665 = tpu.vector_load %arg16[%swap3A_663, %swap3A_664] {strides = array<i32>} : memref<3129x16xf32, #tpu.memory_space<vmem>>, vector<16xf32>,
          tpu.vector_store %arg16[%swap3A_663, %swap3A_664], %add3A_662 {strides = array<i32>} : memref<3129x16xf32, #tpu.memory_space<vmem>>, vector<16xf32>,
          %slice3A_666 = vector.extract_strided_slice %get3A_380 {offsets = [12], sizes = [1], strides = [1]} : vector<16xi32> to vector<1xi32>
          %squeeze3A_667 = vector.extract %slice3A_666[0] : i32 from vector<1xi32>
          %mul3A_668 = arith.constant 16 : i32
          %mul3A_669 = arith.muli %add3A_376, %mul3A_668 : i32
          %add3A_670 = arith.constant 12 : i32
          %add3A_671 = arith.addi %mul3A_669, %add3A_670 : i32
          %get3A_672 = arith.index_cast %rem3A_133 : i32 to index
          %get3A_673 = arith.index_cast %add3A_671 : i32 to index
          %get3A_674 = arith.constant 0 : index
          %get3A_675 = tpu.vector_load %arg12[%get3A_672, %get3A_673, %get3A_674] {strides = array<i32>} : memref<2x128x16xf32, #tpu.memory_space<vmem>>, vector<16xf32>,
          %get3A_676 = arith.index_cast %squeeze3A_667 : i32 to index
          %get3A_677 = arith.constant 0 : index
          %get3A_678 = tpu.vector_load %arg15[%get3A_676, %get3A_677] {strides = array<i32>} : memref<3129x16xf32, #tpu.memory_space<vmem>>, vector<16xf32>,
          %max3A_679 = arith.maximumf %get3A_678, %get3A_675 : vector<16xf32>
          %swap3A_680 = arith.index_cast %squeeze3A_667 : i32 to index
          %swap3A_681 = arith.constant 0 : index
          %swap3A_682 = tpu.vector_load %arg15[%swap3A_680, %swap3A_681] {strides = array<i32>} : memref<3129x16xf32, #tpu.memory_space<vmem>>, vector<16xf32>,
          tpu.vector_store %arg15[%swap3A_680, %swap3A_681], %max3A_679 {strides = array<i32>} : memref<3129x16xf32, #tpu.memory_space<vmem>>, vector<16xf32>,
          %get3A_683 = arith.index_cast %squeeze3A_667 : i32 to index
          %get3A_684 = arith.constant 0 : index
          %get3A_685 = tpu.vector_load %arg16[%get3A_683, %get3A_684] {strides = array<i32>} : memref<3129x16xf32, #tpu.memory_space<vmem>>, vector<16xf32>,
          %add3A_686 = arith.addf %get3A_685, %get3A_675 : vector<16xf32>
          %swap3A_687 = arith.index_cast %squeeze3A_667 : i32 to index
          %swap3A_688 = arith.constant 0 : index
          %swap3A_689 = tpu.vector_load %arg16[%swap3A_687, %swap3A_688] {strides = array<i32>} : memref<3129x16xf32, #tpu.memory_space<vmem>>, vector<16xf32>,
          tpu.vector_store %arg16[%swap3A_687, %swap3A_688], %add3A_686 {strides = array<i32>} : memref<3129x16xf32, #tpu.memory_space<vmem>>, vector<16xf32>,
          %slice3A_690 = vector.extract_strided_slice %get3A_380 {offsets = [13], sizes = [1], strides = [1]} : vector<16xi32> to vector<1xi32>
          %squeeze3A_691 = vector.extract %slice3A_690[0] : i32 from vector<1xi32>
          %mul3A_692 = arith.constant 16 : i32
          %mul3A_693 = arith.muli %add3A_376, %mul3A_692 : i32
          %add3A_694 = arith.constant 13 : i32
          %add3A_695 = arith.addi %mul3A_693, %add3A_694 : i32
          %get3A_696 = arith.index_cast %rem3A_133 : i32 to index
          %get3A_697 = arith.index_cast %add3A_695 : i32 to index
          %get3A_698 = arith.constant 0 : index
          %get3A_699 = tpu.vector_load %arg12[%get3A_696, %get3A_697, %get3A_698] {strides = array<i32>} : memref<2x128x16xf32, #tpu.memory_space<vmem>>, vector<16xf32>,
          %get3A_700 = arith.index_cast %squeeze3A_691 : i32 to index
          %get3A_701 = arith.constant 0 : index
          %get3A_702 = tpu.vector_load %arg15[%get3A_700, %get3A_701] {strides = array<i32>} : memref<3129x16xf32, #tpu.memory_space<vmem>>, vector<16xf32>,
          %max3A_703 = arith.maximumf %get3A_702, %get3A_699 : vector<16xf32>
          %swap3A_704 = arith.index_cast %squeeze3A_691 : i32 to index
          %swap3A_705 = arith.constant 0 : index
          %swap3A_706 = tpu.vector_load %arg15[%swap3A_704, %swap3A_705] {strides = array<i32>} : memref<3129x16xf32, #tpu.memory_space<vmem>>, vector<16xf32>,
          tpu.vector_store %arg15[%swap3A_704, %swap3A_705], %max3A_703 {strides = array<i32>} : memref<3129x16xf32, #tpu.memory_space<vmem>>, vector<16xf32>,
          %get3A_707 = arith.index_cast %squeeze3A_691 : i32 to index
          %get3A_708 = arith.constant 0 : index
          %get3A_709 = tpu.vector_load %arg16[%get3A_707, %get3A_708] {strides = array<i32>} : memref<3129x16xf32, #tpu.memory_space<vmem>>, vector<16xf32>,
          %add3A_710 = arith.addf %get3A_709, %get3A_699 : vector<16xf32>
          %swap3A_711 = arith.index_cast %squeeze3A_691 : i32 to index
          %swap3A_712 = arith.constant 0 : index
          %swap3A_713 = tpu.vector_load %arg16[%swap3A_711, %swap3A_712] {strides = array<i32>} : memref<3129x16xf32, #tpu.memory_space<vmem>>, vector<16xf32>,
          tpu.vector_store %arg16[%swap3A_711, %swap3A_712], %add3A_710 {strides = array<i32>} : memref<3129x16xf32, #tpu.memory_space<vmem>>, vector<16xf32>,
          %slice3A_714 = vector.extract_strided_slice %get3A_380 {offsets = [14], sizes = [1], strides = [1]} : vector<16xi32> to vector<1xi32>
          %squeeze3A_715 = vector.extract %slice3A_714[0] : i32 from vector<1xi32>
          %mul3A_716 = arith.constant 16 : i32
          %mul3A_717 = arith.muli %add3A_376, %mul3A_716 : i32
          %add3A_718 = arith.constant 14 : i32
          %add3A_719 = arith.addi %mul3A_717, %add3A_718 : i32
          %get3A_720 = arith.index_cast %rem3A_133 : i32 to index
          %get3A_721 = arith.index_cast %add3A_719 : i32 to index
          %get3A_722 = arith.constant 0 : index
          %get3A_723 = tpu.vector_load %arg12[%get3A_720, %get3A_721, %get3A_722] {strides = array<i32>} : memref<2x128x16xf32, #tpu.memory_space<vmem>>, vector<16xf32>,
          %get3A_724 = arith.index_cast %squeeze3A_715 : i32 to index
          %get3A_725 = arith.constant 0 : index
          %get3A_726 = tpu.vector_load %arg15[%get3A_724, %get3A_725] {strides = array<i32>} : memref<3129x16xf32, #tpu.memory_space<vmem>>, vector<16xf32>,
          %max3A_727 = arith.maximumf %get3A_726, %get3A_723 : vector<16xf32>
          %swap3A_728 = arith.index_cast %squeeze3A_715 : i32 to index
          %swap3A_729 = arith.constant 0 : index
          %swap3A_730 = tpu.vector_load %arg15[%swap3A_728, %swap3A_729] {strides = array<i32>} : memref<3129x16xf32, #tpu.memory_space<vmem>>, vector<16xf32>,
          tpu.vector_store %arg15[%swap3A_728, %swap3A_729], %max3A_727 {strides = array<i32>} : memref<3129x16xf32, #tpu.memory_space<vmem>>, vector<16xf32>,
          %get3A_731 = arith.index_cast %squeeze3A_715 : i32 to index
          %get3A_732 = arith.constant 0 : index
          %get3A_733 = tpu.vector_load %arg16[%get3A_731, %get3A_732] {strides = array<i32>} : memref<3129x16xf32, #tpu.memory_space<vmem>>, vector<16xf32>,
          %add3A_734 = arith.addf %get3A_733, %get3A_723 : vector<16xf32>
          %swap3A_735 = arith.index_cast %squeeze3A_715 : i32 to index
          %swap3A_736 = arith.constant 0 : index
          %swap3A_737 = tpu.vector_load %arg16[%swap3A_735, %swap3A_736] {strides = array<i32>} : memref<3129x16xf32, #tpu.memory_space<vmem>>, vector<16xf32>,
          tpu.vector_store %arg16[%swap3A_735, %swap3A_736], %add3A_734 {strides = array<i32>} : memref<3129x16xf32, #tpu.memory_space<vmem>>, vector<16xf32>,
          %slice3A_738 = vector.extract_strided_slice %get3A_380 {offsets = [15], sizes = [1], strides = [1]} : vector<16xi32> to vector<1xi32>
          %squeeze3A_739 = vector.extract %slice3A_738[0] : i32 from vector<1xi32>
          %mul3A_740 = arith.constant 16 : i32
          %mul3A_741 = arith.muli %add3A_376, %mul3A_740 : i32
          %add3A_742 = arith.constant 15 : i32
          %add3A_743 = arith.addi %mul3A_741, %add3A_742 : i32
          %get3A_744 = arith.index_cast %rem3A_133 : i32 to index
          %get3A_745 = arith.index_cast %add3A_743 : i32 to index
          %get3A_746 = arith.constant 0 : index
          %get3A_747 = tpu.vector_load %arg12[%get3A_744, %get3A_745, %get3A_746] {strides = array<i32>} : memref<2x128x16xf32, #tpu.memory_space<vmem>>, vector<16xf32>,
          %get3A_748 = arith.index_cast %squeeze3A_739 : i32 to index
          %get3A_749 = arith.constant 0 : index
          %get3A_750 = tpu.vector_load %arg15[%get3A_748, %get3A_749] {strides = array<i32>} : memref<3129x16xf32, #tpu.memory_space<vmem>>, vector<16xf32>,
          %max3A_751 = arith.maximumf %get3A_750, %get3A_747 : vector<16xf32>
          %swap3A_752 = arith.index_cast %squeeze3A_739 : i32 to index
          %swap3A_753 = arith.constant 0 : index
          %swap3A_754 = tpu.vector_load %arg15[%swap3A_752, %swap3A_753] {strides = array<i32>} : memref<3129x16xf32, #tpu.memory_space<vmem>>, vector<16xf32>,
          tpu.vector_store %arg15[%swap3A_752, %swap3A_753], %max3A_751 {strides = array<i32>} : memref<3129x16xf32, #tpu.memory_space<vmem>>, vector<16xf32>,
          %get3A_755 = arith.index_cast %squeeze3A_739 : i32 to index
          %get3A_756 = arith.constant 0 : index
          %get3A_757 = tpu.vector_load %arg16[%get3A_755, %get3A_756] {strides = array<i32>} : memref<3129x16xf32, #tpu.memory_space<vmem>>, vector<16xf32>,
          %add3A_758 = arith.addf %get3A_757, %get3A_747 : vector<16xf32>
          %swap3A_759 = arith.index_cast %squeeze3A_739 : i32 to index
          %swap3A_760 = arith.constant 0 : index
          %swap3A_761 = tpu.vector_load %arg16[%swap3A_759, %swap3A_760] {strides = array<i32>} : memref<3129x16xf32, #tpu.memory_space<vmem>>, vector<16xf32>,
          tpu.vector_store %arg16[%swap3A_759, %swap3A_760], %add3A_758 {strides = array<i32>} : memref<3129x16xf32, #tpu.memory_space<vmem>>, vector<16xf32>,
        }
        %while3A_369 = arith.constant 1 : i32
        scf.for %while3A_374 = %while3A_367 to %while3A_363 step %while3A_369  : i32 {
          %mul3A_375 = arith.muli %while3A_374, %while3A_359 : i32
          %add3A_376 = arith.addi %while3A_360, %mul3A_375 : i32
          %mul3A_377 = arith.constant 16 : i32
          %mul3A_378 = arith.muli %add3A_376, %mul3A_377 : i32
          %get3A_379 = arith.index_cast %mul3A_378 : i32 to index
          %get3A_380 = tpu.vector_load %arg11[%get3A_379] {strides = array<i32>} : memref<128xi32, #tpu.memory_space<vmem>>, vector<16xi32>,
          %slice3A = vector.extract_strided_slice %get3A_380 {offsets = [0], sizes = [1], strides = [1]} : vector<16xi32> to vector<1xi32>
          %squeeze3A = vector.extract %slice3A[0] : i32 from vector<1xi32>
          %mul3A_381 = arith.constant 16 : i32
          %mul3A_382 = arith.muli %add3A_376, %mul3A_381 : i32
          %add3A_383 = arith.constant 0 : i32
          %add3A_384 = arith.addi %mul3A_382, %add3A_383 : i32
          %get3A_385 = arith.index_cast %rem3A_133 : i32 to index
          %get3A_386 = arith.index_cast %add3A_384 : i32 to index
          %get3A_387 = arith.constant 0 : index
          %get3A_388 = tpu.vector_load %arg12[%get3A_385, %get3A_386, %get3A_387] {strides = array<i32>} : memref<2x128x16xf32, #tpu.memory_space<vmem>>, vector<16xf32>,
          %get3A_389 = arith.index_cast %squeeze3A : i32 to index
          %get3A_390 = arith.constant 0 : index
          %get3A_391 = tpu.vector_load %arg15[%get3A_389, %get3A_390] {strides = array<i32>} : memref<3129x16xf32, #tpu.memory_space<vmem>>, vector<16xf32>,
          %max3A = arith.maximumf %get3A_391, %get3A_388 : vector<16xf32>
          %swap3A_392 = arith.index_cast %squeeze3A : i32 to index
          %swap3A_393 = arith.constant 0 : index
          %swap3A_394 = tpu.vector_load %arg15[%swap3A_392, %swap3A_393] {strides = array<i32>} : memref<3129x16xf32, #tpu.memory_space<vmem>>, vector<16xf32>,
          tpu.vector_store %arg15[%swap3A_392, %swap3A_393], %max3A {strides = array<i32>} : memref<3129x16xf32, #tpu.memory_space<vmem>>, vector<16xf32>,
          %get3A_395 = arith.index_cast %squeeze3A : i32 to index
          %get3A_396 = arith.constant 0 : index
          %get3A_397 = tpu.vector_load %arg16[%get3A_395, %get3A_396] {strides = array<i32>} : memref<3129x16xf32, #tpu.memory_space<vmem>>, vector<16xf32>,
          %add3A_398 = arith.addf %get3A_397, %get3A_388 : vector<16xf32>
          %swap3A_399 = arith.index_cast %squeeze3A : i32 to index
          %swap3A_400 = arith.constant 0 : index
          %swap3A_401 = tpu.vector_load %arg16[%swap3A_399, %swap3A_400] {strides = array<i32>} : memref<3129x16xf32, #tpu.memory_space<vmem>>, vector<16xf32>,
          tpu.vector_store %arg16[%swap3A_399, %swap3A_400], %add3A_398 {strides = array<i32>} : memref<3129x16xf32, #tpu.memory_space<vmem>>, vector<16xf32>,
          %slice3A_402 = vector.extract_strided_slice %get3A_380 {offsets = [1], sizes = [1], strides = [1]} : vector<16xi32> to vector<1xi32>
          %squeeze3A_403 = vector.extract %slice3A_402[0] : i32 from vector<1xi32>
          %mul3A_404 = arith.constant 16 : i32
          %mul3A_405 = arith.muli %add3A_376, %mul3A_404 : i32
          %add3A_406 = arith.constant 1 : i32
          %add3A_407 = arith.addi %mul3A_405, %add3A_406 : i32
          %get3A_408 = arith.index_cast %rem3A_133 : i32 to index
          %get3A_409 = arith.index_cast %add3A_407 : i32 to index
          %get3A_410 = arith.constant 0 : index
          %get3A_411 = tpu.vector_load %arg12[%get3A_408, %get3A_409, %get3A_410] {strides = array<i32>} : memref<2x128x16xf32, #tpu.memory_space<vmem>>, vector<16xf32>,
          %get3A_412 = arith.index_cast %squeeze3A_403 : i32 to index
          %get3A_413 = arith.constant 0 : index
          %get3A_414 = tpu.vector_load %arg15[%get3A_412, %get3A_413] {strides = array<i32>} : memref<3129x16xf32, #tpu.memory_space<vmem>>, vector<16xf32>,
          %max3A_415 = arith.maximumf %get3A_414, %get3A_411 : vector<16xf32>
          %swap3A_416 = arith.index_cast %squeeze3A_403 : i32 to index
          %swap3A_417 = arith.constant 0 : index
          %swap3A_418 = tpu.vector_load %arg15[%swap3A_416, %swap3A_417] {strides = array<i32>} : memref<3129x16xf32, #tpu.memory_space<vmem>>, vector<16xf32>,
          tpu.vector_store %arg15[%swap3A_416, %swap3A_417], %max3A_415 {strides = array<i32>} : memref<3129x16xf32, #tpu.memory_space<vmem>>, vector<16xf32>,
          %get3A_419 = arith.index_cast %squeeze3A_403 : i32 to index
          %get3A_420 = arith.constant 0 : index
          %get3A_421 = tpu.vector_load %arg16[%get3A_419, %get3A_420] {strides = array<i32>} : memref<3129x16xf32, #tpu.memory_space<vmem>>, vector<16xf32>,
          %add3A_422 = arith.addf %get3A_421, %get3A_411 : vector<16xf32>
          %swap3A_423 = arith.index_cast %squeeze3A_403 : i32 to index
          %swap3A_424 = arith.constant 0 : index
          %swap3A_425 = tpu.vector_load %arg16[%swap3A_423, %swap3A_424] {strides = array<i32>} : memref<3129x16xf32, #tpu.memory_space<vmem>>, vector<16xf32>,
          tpu.vector_store %arg16[%swap3A_423, %swap3A_424], %add3A_422 {strides = array<i32>} : memref<3129x16xf32, #tpu.memory_space<vmem>>, vector<16xf32>,
          %slice3A_426 = vector.extract_strided_slice %get3A_380 {offsets = [2], sizes = [1], strides = [1]} : vector<16xi32> to vector<1xi32>
          %squeeze3A_427 = vector.extract %slice3A_426[0] : i32 from vector<1xi32>
          %mul3A_428 = arith.constant 16 : i32
          %mul3A_429 = arith.muli %add3A_376, %mul3A_428 : i32
          %add3A_430 = arith.constant 2 : i32
          %add3A_431 = arith.addi %mul3A_429, %add3A_430 : i32
          %get3A_432 = arith.index_cast %rem3A_133 : i32 to index
          %get3A_433 = arith.index_cast %add3A_431 : i32 to index
          %get3A_434 = arith.constant 0 : index
          %get3A_435 = tpu.vector_load %arg12[%get3A_432, %get3A_433, %get3A_434] {strides = array<i32>} : memref<2x128x16xf32, #tpu.memory_space<vmem>>, vector<16xf32>,
          %get3A_436 = arith.index_cast %squeeze3A_427 : i32 to index
          %get3A_437 = arith.constant 0 : index
          %get3A_438 = tpu.vector_load %arg15[%get3A_436, %get3A_437] {strides = array<i32>} : memref<3129x16xf32, #tpu.memory_space<vmem>>, vector<16xf32>,
          %max3A_439 = arith.maximumf %get3A_438, %get3A_435 : vector<16xf32>
          %swap3A_440 = arith.index_cast %squeeze3A_427 : i32 to index
          %swap3A_441 = arith.constant 0 : index
          %swap3A_442 = tpu.vector_load %arg15[%swap3A_440, %swap3A_441] {strides = array<i32>} : memref<3129x16xf32, #tpu.memory_space<vmem>>, vector<16xf32>,
          tpu.vector_store %arg15[%swap3A_440, %swap3A_441], %max3A_439 {strides = array<i32>} : memref<3129x16xf32, #tpu.memory_space<vmem>>, vector<16xf32>,
          %get3A_443 = arith.index_cast %squeeze3A_427 : i32 to index
          %get3A_444 = arith.constant 0 : index
          %get3A_445 = tpu.vector_load %arg16[%get3A_443, %get3A_444] {strides = array<i32>} : memref<3129x16xf32, #tpu.memory_space<vmem>>, vector<16xf32>,
          %add3A_446 = arith.addf %get3A_445, %get3A_435 : vector<16xf32>
          %swap3A_447 = arith.index_cast %squeeze3A_427 : i32 to index
          %swap3A_448 = arith.constant 0 : index
          %swap3A_449 = tpu.vector_load %arg16[%swap3A_447, %swap3A_448] {strides = array<i32>} : memref<3129x16xf32, #tpu.memory_space<vmem>>, vector<16xf32>,
          tpu.vector_store %arg16[%swap3A_447, %swap3A_448], %add3A_446 {strides = array<i32>} : memref<3129x16xf32, #tpu.memory_space<vmem>>, vector<16xf32>,
          %slice3A_450 = vector.extract_strided_slice %get3A_380 {offsets = [3], sizes = [1], strides = [1]} : vector<16xi32> to vector<1xi32>
          %squeeze3A_451 = vector.extract %slice3A_450[0] : i32 from vector<1xi32>
          %mul3A_452 = arith.constant 16 : i32
          %mul3A_453 = arith.muli %add3A_376, %mul3A_452 : i32
          %add3A_454 = arith.constant 3 : i32
          %add3A_455 = arith.addi %mul3A_453, %add3A_454 : i32
          %get3A_456 = arith.index_cast %rem3A_133 : i32 to index
          %get3A_457 = arith.index_cast %add3A_455 : i32 to index
          %get3A_458 = arith.constant 0 : index
          %get3A_459 = tpu.vector_load %arg12[%get3A_456, %get3A_457, %get3A_458] {strides = array<i32>} : memref<2x128x16xf32, #tpu.memory_space<vmem>>, vector<16xf32>,
          %get3A_460 = arith.index_cast %squeeze3A_451 : i32 to index
          %get3A_461 = arith.constant 0 : index
          %get3A_462 = tpu.vector_load %arg15[%get3A_460, %get3A_461] {strides = array<i32>} : memref<3129x16xf32, #tpu.memory_space<vmem>>, vector<16xf32>,
          %max3A_463 = arith.maximumf %get3A_462, %get3A_459 : vector<16xf32>
          %swap3A_464 = arith.index_cast %squeeze3A_451 : i32 to index
          %swap3A_465 = arith.constant 0 : index
          %swap3A_466 = tpu.vector_load %arg15[%swap3A_464, %swap3A_465] {strides = array<i32>} : memref<3129x16xf32, #tpu.memory_space<vmem>>, vector<16xf32>,
          tpu.vector_store %arg15[%swap3A_464, %swap3A_465], %max3A_463 {strides = array<i32>} : memref<3129x16xf32, #tpu.memory_space<vmem>>, vector<16xf32>,
          %get3A_467 = arith.index_cast %squeeze3A_451 : i32 to index
          %get3A_468 = arith.constant 0 : index
          %get3A_469 = tpu.vector_load %arg16[%get3A_467, %get3A_468] {strides = array<i32>} : memref<3129x16xf32, #tpu.memory_space<vmem>>, vector<16xf32>,
          %add3A_470 = arith.addf %get3A_469, %get3A_459 : vector<16xf32>
          %swap3A_471 = arith.index_cast %squeeze3A_451 : i32 to index
          %swap3A_472 = arith.constant 0 : index
          %swap3A_473 = tpu.vector_load %arg16[%swap3A_471, %swap3A_472] {strides = array<i32>} : memref<3129x16xf32, #tpu.memory_space<vmem>>, vector<16xf32>,
          tpu.vector_store %arg16[%swap3A_471, %swap3A_472], %add3A_470 {strides = array<i32>} : memref<3129x16xf32, #tpu.memory_space<vmem>>, vector<16xf32>,
          %slice3A_474 = vector.extract_strided_slice %get3A_380 {offsets = [4], sizes = [1], strides = [1]} : vector<16xi32> to vector<1xi32>
          %squeeze3A_475 = vector.extract %slice3A_474[0] : i32 from vector<1xi32>
          %mul3A_476 = arith.constant 16 : i32
          %mul3A_477 = arith.muli %add3A_376, %mul3A_476 : i32
          %add3A_478 = arith.constant 4 : i32
          %add3A_479 = arith.addi %mul3A_477, %add3A_478 : i32
          %get3A_480 = arith.index_cast %rem3A_133 : i32 to index
          %get3A_481 = arith.index_cast %add3A_479 : i32 to index
          %get3A_482 = arith.constant 0 : index
          %get3A_483 = tpu.vector_load %arg12[%get3A_480, %get3A_481, %get3A_482] {strides = array<i32>} : memref<2x128x16xf32, #tpu.memory_space<vmem>>, vector<16xf32>,
          %get3A_484 = arith.index_cast %squeeze3A_475 : i32 to index
          %get3A_485 = arith.constant 0 : index
          %get3A_486 = tpu.vector_load %arg15[%get3A_484, %get3A_485] {strides = array<i32>} : memref<3129x16xf32, #tpu.memory_space<vmem>>, vector<16xf32>,
          %max3A_487 = arith.maximumf %get3A_486, %get3A_483 : vector<16xf32>
          %swap3A_488 = arith.index_cast %squeeze3A_475 : i32 to index
          %swap3A_489 = arith.constant 0 : index
          %swap3A_490 = tpu.vector_load %arg15[%swap3A_488, %swap3A_489] {strides = array<i32>} : memref<3129x16xf32, #tpu.memory_space<vmem>>, vector<16xf32>,
          tpu.vector_store %arg15[%swap3A_488, %swap3A_489], %max3A_487 {strides = array<i32>} : memref<3129x16xf32, #tpu.memory_space<vmem>>, vector<16xf32>,
          %get3A_491 = arith.index_cast %squeeze3A_475 : i32 to index
          %get3A_492 = arith.constant 0 : index
          %get3A_493 = tpu.vector_load %arg16[%get3A_491, %get3A_492] {strides = array<i32>} : memref<3129x16xf32, #tpu.memory_space<vmem>>, vector<16xf32>,
          %add3A_494 = arith.addf %get3A_493, %get3A_483 : vector<16xf32>
          %swap3A_495 = arith.index_cast %squeeze3A_475 : i32 to index
          %swap3A_496 = arith.constant 0 : index
          %swap3A_497 = tpu.vector_load %arg16[%swap3A_495, %swap3A_496] {strides = array<i32>} : memref<3129x16xf32, #tpu.memory_space<vmem>>, vector<16xf32>,
          tpu.vector_store %arg16[%swap3A_495, %swap3A_496], %add3A_494 {strides = array<i32>} : memref<3129x16xf32, #tpu.memory_space<vmem>>, vector<16xf32>,
          %slice3A_498 = vector.extract_strided_slice %get3A_380 {offsets = [5], sizes = [1], strides = [1]} : vector<16xi32> to vector<1xi32>
          %squeeze3A_499 = vector.extract %slice3A_498[0] : i32 from vector<1xi32>
          %mul3A_500 = arith.constant 16 : i32
          %mul3A_501 = arith.muli %add3A_376, %mul3A_500 : i32
          %add3A_502 = arith.constant 5 : i32
          %add3A_503 = arith.addi %mul3A_501, %add3A_502 : i32
          %get3A_504 = arith.index_cast %rem3A_133 : i32 to index
          %get3A_505 = arith.index_cast %add3A_503 : i32 to index
          %get3A_506 = arith.constant 0 : index
          %get3A_507 = tpu.vector_load %arg12[%get3A_504, %get3A_505, %get3A_506] {strides = array<i32>} : memref<2x128x16xf32, #tpu.memory_space<vmem>>, vector<16xf32>,
          %get3A_508 = arith.index_cast %squeeze3A_499 : i32 to index
          %get3A_509 = arith.constant 0 : index
          %get3A_510 = tpu.vector_load %arg15[%get3A_508, %get3A_509] {strides = array<i32>} : memref<3129x16xf32, #tpu.memory_space<vmem>>, vector<16xf32>,
          %max3A_511 = arith.maximumf %get3A_510, %get3A_507 : vector<16xf32>
          %swap3A_512 = arith.index_cast %squeeze3A_499 : i32 to index
          %swap3A_513 = arith.constant 0 : index
          %swap3A_514 = tpu.vector_load %arg15[%swap3A_512, %swap3A_513] {strides = array<i32>} : memref<3129x16xf32, #tpu.memory_space<vmem>>, vector<16xf32>,
          tpu.vector_store %arg15[%swap3A_512, %swap3A_513], %max3A_511 {strides = array<i32>} : memref<3129x16xf32, #tpu.memory_space<vmem>>, vector<16xf32>,
          %get3A_515 = arith.index_cast %squeeze3A_499 : i32 to index
          %get3A_516 = arith.constant 0 : index
          %get3A_517 = tpu.vector_load %arg16[%get3A_515, %get3A_516] {strides = array<i32>} : memref<3129x16xf32, #tpu.memory_space<vmem>>, vector<16xf32>,
          %add3A_518 = arith.addf %get3A_517, %get3A_507 : vector<16xf32>
          %swap3A_519 = arith.index_cast %squeeze3A_499 : i32 to index
          %swap3A_520 = arith.constant 0 : index
          %swap3A_521 = tpu.vector_load %arg16[%swap3A_519, %swap3A_520] {strides = array<i32>} : memref<3129x16xf32, #tpu.memory_space<vmem>>, vector<16xf32>,
          tpu.vector_store %arg16[%swap3A_519, %swap3A_520], %add3A_518 {strides = array<i32>} : memref<3129x16xf32, #tpu.memory_space<vmem>>, vector<16xf32>,
          %slice3A_522 = vector.extract_strided_slice %get3A_380 {offsets = [6], sizes = [1], strides = [1]} : vector<16xi32> to vector<1xi32>
          %squeeze3A_523 = vector.extract %slice3A_522[0] : i32 from vector<1xi32>
          %mul3A_524 = arith.constant 16 : i32
          %mul3A_525 = arith.muli %add3A_376, %mul3A_524 : i32
          %add3A_526 = arith.constant 6 : i32
          %add3A_527 = arith.addi %mul3A_525, %add3A_526 : i32
          %get3A_528 = arith.index_cast %rem3A_133 : i32 to index
          %get3A_529 = arith.index_cast %add3A_527 : i32 to index
          %get3A_530 = arith.constant 0 : index
          %get3A_531 = tpu.vector_load %arg12[%get3A_528, %get3A_529, %get3A_530] {strides = array<i32>} : memref<2x128x16xf32, #tpu.memory_space<vmem>>, vector<16xf32>,
          %get3A_532 = arith.index_cast %squeeze3A_523 : i32 to index
          %get3A_533 = arith.constant 0 : index
          %get3A_534 = tpu.vector_load %arg15[%get3A_532, %get3A_533] {strides = array<i32>} : memref<3129x16xf32, #tpu.memory_space<vmem>>, vector<16xf32>,
          %max3A_535 = arith.maximumf %get3A_534, %get3A_531 : vector<16xf32>
          %swap3A_536 = arith.index_cast %squeeze3A_523 : i32 to index
          %swap3A_537 = arith.constant 0 : index
          %swap3A_538 = tpu.vector_load %arg15[%swap3A_536, %swap3A_537] {strides = array<i32>} : memref<3129x16xf32, #tpu.memory_space<vmem>>, vector<16xf32>,
          tpu.vector_store %arg15[%swap3A_536, %swap3A_537], %max3A_535 {strides = array<i32>} : memref<3129x16xf32, #tpu.memory_space<vmem>>, vector<16xf32>,
          %get3A_539 = arith.index_cast %squeeze3A_523 : i32 to index
          %get3A_540 = arith.constant 0 : index
          %get3A_541 = tpu.vector_load %arg16[%get3A_539, %get3A_540] {strides = array<i32>} : memref<3129x16xf32, #tpu.memory_space<vmem>>, vector<16xf32>,
          %add3A_542 = arith.addf %get3A_541, %get3A_531 : vector<16xf32>
          %swap3A_543 = arith.index_cast %squeeze3A_523 : i32 to index
          %swap3A_544 = arith.constant 0 : index
          %swap3A_545 = tpu.vector_load %arg16[%swap3A_543, %swap3A_544] {strides = array<i32>} : memref<3129x16xf32, #tpu.memory_space<vmem>>, vector<16xf32>,
          tpu.vector_store %arg16[%swap3A_543, %swap3A_544], %add3A_542 {strides = array<i32>} : memref<3129x16xf32, #tpu.memory_space<vmem>>, vector<16xf32>,
          %slice3A_546 = vector.extract_strided_slice %get3A_380 {offsets = [7], sizes = [1], strides = [1]} : vector<16xi32> to vector<1xi32>
          %squeeze3A_547 = vector.extract %slice3A_546[0] : i32 from vector<1xi32>
          %mul3A_548 = arith.constant 16 : i32
          %mul3A_549 = arith.muli %add3A_376, %mul3A_548 : i32
          %add3A_550 = arith.constant 7 : i32
          %add3A_551 = arith.addi %mul3A_549, %add3A_550 : i32
          %get3A_552 = arith.index_cast %rem3A_133 : i32 to index
          %get3A_553 = arith.index_cast %add3A_551 : i32 to index
          %get3A_554 = arith.constant 0 : index
          %get3A_555 = tpu.vector_load %arg12[%get3A_552, %get3A_553, %get3A_554] {strides = array<i32>} : memref<2x128x16xf32, #tpu.memory_space<vmem>>, vector<16xf32>,
          %get3A_556 = arith.index_cast %squeeze3A_547 : i32 to index
          %get3A_557 = arith.constant 0 : index
          %get3A_558 = tpu.vector_load %arg15[%get3A_556, %get3A_557] {strides = array<i32>} : memref<3129x16xf32, #tpu.memory_space<vmem>>, vector<16xf32>,
          %max3A_559 = arith.maximumf %get3A_558, %get3A_555 : vector<16xf32>
          %swap3A_560 = arith.index_cast %squeeze3A_547 : i32 to index
          %swap3A_561 = arith.constant 0 : index
          %swap3A_562 = tpu.vector_load %arg15[%swap3A_560, %swap3A_561] {strides = array<i32>} : memref<3129x16xf32, #tpu.memory_space<vmem>>, vector<16xf32>,
          tpu.vector_store %arg15[%swap3A_560, %swap3A_561], %max3A_559 {strides = array<i32>} : memref<3129x16xf32, #tpu.memory_space<vmem>>, vector<16xf32>,
          %get3A_563 = arith.index_cast %squeeze3A_547 : i32 to index
          %get3A_564 = arith.constant 0 : index
          %get3A_565 = tpu.vector_load %arg16[%get3A_563, %get3A_564] {strides = array<i32>} : memref<3129x16xf32, #tpu.memory_space<vmem>>, vector<16xf32>,
          %add3A_566 = arith.addf %get3A_565, %get3A_555 : vector<16xf32>
          %swap3A_567 = arith.index_cast %squeeze3A_547 : i32 to index
          %swap3A_568 = arith.constant 0 : index
          %swap3A_569 = tpu.vector_load %arg16[%swap3A_567, %swap3A_568] {strides = array<i32>} : memref<3129x16xf32, #tpu.memory_space<vmem>>, vector<16xf32>,
          tpu.vector_store %arg16[%swap3A_567, %swap3A_568], %add3A_566 {strides = array<i32>} : memref<3129x16xf32, #tpu.memory_space<vmem>>, vector<16xf32>,
          %slice3A_570 = vector.extract_strided_slice %get3A_380 {offsets = [8], sizes = [1], strides = [1]} : vector<16xi32> to vector<1xi32>
          %squeeze3A_571 = vector.extract %slice3A_570[0] : i32 from vector<1xi32>
          %mul3A_572 = arith.constant 16 : i32
          %mul3A_573 = arith.muli %add3A_376, %mul3A_572 : i32
          %add3A_574 = arith.constant 8 : i32
          %add3A_575 = arith.addi %mul3A_573, %add3A_574 : i32
          %get3A_576 = arith.index_cast %rem3A_133 : i32 to index
          %get3A_577 = arith.index_cast %add3A_575 : i32 to index
          %get3A_578 = arith.constant 0 : index
          %get3A_579 = tpu.vector_load %arg12[%get3A_576, %get3A_577, %get3A_578] {strides = array<i32>} : memref<2x128x16xf32, #tpu.memory_space<vmem>>, vector<16xf32>,
          %get3A_580 = arith.index_cast %squeeze3A_571 : i32 to index
          %get3A_581 = arith.constant 0 : index
          %get3A_582 = tpu.vector_load %arg15[%get3A_580, %get3A_581] {strides = array<i32>} : memref<3129x16xf32, #tpu.memory_space<vmem>>, vector<16xf32>,
          %max3A_583 = arith.maximumf %get3A_582, %get3A_579 : vector<16xf32>
          %swap3A_584 = arith.index_cast %squeeze3A_571 : i32 to index
          %swap3A_585 = arith.constant 0 : index
          %swap3A_586 = tpu.vector_load %arg15[%swap3A_584, %swap3A_585] {strides = array<i32>} : memref<3129x16xf32, #tpu.memory_space<vmem>>, vector<16xf32>,
          tpu.vector_store %arg15[%swap3A_584, %swap3A_585], %max3A_583 {strides = array<i32>} : memref<3129x16xf32, #tpu.memory_space<vmem>>, vector<16xf32>,
          %get3A_587 = arith.index_cast %squeeze3A_571 : i32 to index
          %get3A_588 = arith.constant 0 : index
          %get3A_589 = tpu.vector_load %arg16[%get3A_587, %get3A_588] {strides = array<i32>} : memref<3129x16xf32, #tpu.memory_space<vmem>>, vector<16xf32>,
          %add3A_590 = arith.addf %get3A_589, %get3A_579 : vector<16xf32>
          %swap3A_591 = arith.index_cast %squeeze3A_571 : i32 to index
          %swap3A_592 = arith.constant 0 : index
          %swap3A_593 = tpu.vector_load %arg16[%swap3A_591, %swap3A_592] {strides = array<i32>} : memref<3129x16xf32, #tpu.memory_space<vmem>>, vector<16xf32>,
          tpu.vector_store %arg16[%swap3A_591, %swap3A_592], %add3A_590 {strides = array<i32>} : memref<3129x16xf32, #tpu.memory_space<vmem>>, vector<16xf32>,
          %slice3A_594 = vector.extract_strided_slice %get3A_380 {offsets = [9], sizes = [1], strides = [1]} : vector<16xi32> to vector<1xi32>
          %squeeze3A_595 = vector.extract %slice3A_594[0] : i32 from vector<1xi32>
          %mul3A_596 = arith.constant 16 : i32
          %mul3A_597 = arith.muli %add3A_376, %mul3A_596 : i32
          %add3A_598 = arith.constant 9 : i32
          %add3A_599 = arith.addi %mul3A_597, %add3A_598 : i32
          %get3A_600 = arith.index_cast %rem3A_133 : i32 to index
          %get3A_601 = arith.index_cast %add3A_599 : i32 to index
          %get3A_602 = arith.constant 0 : index
          %get3A_603 = tpu.vector_load %arg12[%get3A_600, %get3A_601, %get3A_602] {strides = array<i32>} : memref<2x128x16xf32, #tpu.memory_space<vmem>>, vector<16xf32>,
          %get3A_604 = arith.index_cast %squeeze3A_595 : i32 to index
          %get3A_605 = arith.constant 0 : index
          %get3A_606 = tpu.vector_load %arg15[%get3A_604, %get3A_605] {strides = array<i32>} : memref<3129x16xf32, #tpu.memory_space<vmem>>, vector<16xf32>,
          %max3A_607 = arith.maximumf %get3A_606, %get3A_603 : vector<16xf32>
          %swap3A_608 = arith.index_cast %squeeze3A_595 : i32 to index
          %swap3A_609 = arith.constant 0 : index
          %swap3A_610 = tpu.vector_load %arg15[%swap3A_608, %swap3A_609] {strides = array<i32>} : memref<3129x16xf32, #tpu.memory_space<vmem>>, vector<16xf32>,
          tpu.vector_store %arg15[%swap3A_608, %swap3A_609], %max3A_607 {strides = array<i32>} : memref<3129x16xf32, #tpu.memory_space<vmem>>, vector<16xf32>,
          %get3A_611 = arith.index_cast %squeeze3A_595 : i32 to index
          %get3A_612 = arith.constant 0 : index
          %get3A_613 = tpu.vector_load %arg16[%get3A_611, %get3A_612] {strides = array<i32>} : memref<3129x16xf32, #tpu.memory_space<vmem>>, vector<16xf32>,
          %add3A_614 = arith.addf %get3A_613, %get3A_603 : vector<16xf32>
          %swap3A_615 = arith.index_cast %squeeze3A_595 : i32 to index
          %swap3A_616 = arith.constant 0 : index
          %swap3A_617 = tpu.vector_load %arg16[%swap3A_615, %swap3A_616] {strides = array<i32>} : memref<3129x16xf32, #tpu.memory_space<vmem>>, vector<16xf32>,
          tpu.vector_store %arg16[%swap3A_615, %swap3A_616], %add3A_614 {strides = array<i32>} : memref<3129x16xf32, #tpu.memory_space<vmem>>, vector<16xf32>,
          %slice3A_618 = vector.extract_strided_slice %get3A_380 {offsets = [10], sizes = [1], strides = [1]} : vector<16xi32> to vector<1xi32>
          %squeeze3A_619 = vector.extract %slice3A_618[0] : i32 from vector<1xi32>
          %mul3A_620 = arith.constant 16 : i32
          %mul3A_621 = arith.muli %add3A_376, %mul3A_620 : i32
          %add3A_622 = arith.constant 10 : i32
          %add3A_623 = arith.addi %mul3A_621, %add3A_622 : i32
          %get3A_624 = arith.index_cast %rem3A_133 : i32 to index
          %get3A_625 = arith.index_cast %add3A_623 : i32 to index
          %get3A_626 = arith.constant 0 : index
          %get3A_627 = tpu.vector_load %arg12[%get3A_624, %get3A_625, %get3A_626] {strides = array<i32>} : memref<2x128x16xf32, #tpu.memory_space<vmem>>, vector<16xf32>,
          %get3A_628 = arith.index_cast %squeeze3A_619 : i32 to index
          %get3A_629 = arith.constant 0 : index
          %get3A_630 = tpu.vector_load %arg15[%get3A_628, %get3A_629] {strides = array<i32>} : memref<3129x16xf32, #tpu.memory_space<vmem>>, vector<16xf32>,
          %max3A_631 = arith.maximumf %get3A_630, %get3A_627 : vector<16xf32>
          %swap3A_632 = arith.index_cast %squeeze3A_619 : i32 to index
          %swap3A_633 = arith.constant 0 : index
          %swap3A_634 = tpu.vector_load %arg15[%swap3A_632, %swap3A_633] {strides = array<i32>} : memref<3129x16xf32, #tpu.memory_space<vmem>>, vector<16xf32>,
          tpu.vector_store %arg15[%swap3A_632, %swap3A_633], %max3A_631 {strides = array<i32>} : memref<3129x16xf32, #tpu.memory_space<vmem>>, vector<16xf32>,
          %get3A_635 = arith.index_cast %squeeze3A_619 : i32 to index
          %get3A_636 = arith.constant 0 : index
          %get3A_637 = tpu.vector_load %arg16[%get3A_635, %get3A_636] {strides = array<i32>} : memref<3129x16xf32, #tpu.memory_space<vmem>>, vector<16xf32>,
          %add3A_638 = arith.addf %get3A_637, %get3A_627 : vector<16xf32>
          %swap3A_639 = arith.index_cast %squeeze3A_619 : i32 to index
          %swap3A_640 = arith.constant 0 : index
          %swap3A_641 = tpu.vector_load %arg16[%swap3A_639, %swap3A_640] {strides = array<i32>} : memref<3129x16xf32, #tpu.memory_space<vmem>>, vector<16xf32>,
          tpu.vector_store %arg16[%swap3A_639, %swap3A_640], %add3A_638 {strides = array<i32>} : memref<3129x16xf32, #tpu.memory_space<vmem>>, vector<16xf32>,
          %slice3A_642 = vector.extract_strided_slice %get3A_380 {offsets = [11], sizes = [1], strides = [1]} : vector<16xi32> to vector<1xi32>
          %squeeze3A_643 = vector.extract %slice3A_642[0] : i32 from vector<1xi32>
          %mul3A_644 = arith.constant 16 : i32
          %mul3A_645 = arith.muli %add3A_376, %mul3A_644 : i32
          %add3A_646 = arith.constant 11 : i32
          %add3A_647 = arith.addi %mul3A_645, %add3A_646 : i32
          %get3A_648 = arith.index_cast %rem3A_133 : i32 to index
          %get3A_649 = arith.index_cast %add3A_647 : i32 to index
          %get3A_650 = arith.constant 0 : index
          %get3A_651 = tpu.vector_load %arg12[%get3A_648, %get3A_649, %get3A_650] {strides = array<i32>} : memref<2x128x16xf32, #tpu.memory_space<vmem>>, vector<16xf32>,
          %get3A_652 = arith.index_cast %squeeze3A_643 : i32 to index
          %get3A_653 = arith.constant 0 : index
          %get3A_654 = tpu.vector_load %arg15[%get3A_652, %get3A_653] {strides = array<i32>} : memref<3129x16xf32, #tpu.memory_space<vmem>>, vector<16xf32>,
          %max3A_655 = arith.maximumf %get3A_654, %get3A_651 : vector<16xf32>
          %swap3A_656 = arith.index_cast %squeeze3A_643 : i32 to index
          %swap3A_657 = arith.constant 0 : index
          %swap3A_658 = tpu.vector_load %arg15[%swap3A_656, %swap3A_657] {strides = array<i32>} : memref<3129x16xf32, #tpu.memory_space<vmem>>, vector<16xf32>,
          tpu.vector_store %arg15[%swap3A_656, %swap3A_657], %max3A_655 {strides = array<i32>} : memref<3129x16xf32, #tpu.memory_space<vmem>>, vector<16xf32>,
          %get3A_659 = arith.index_cast %squeeze3A_643 : i32 to index
          %get3A_660 = arith.constant 0 : index
          %get3A_661 = tpu.vector_load %arg16[%get3A_659, %get3A_660] {strides = array<i32>} : memref<3129x16xf32, #tpu.memory_space<vmem>>, vector<16xf32>,
          %add3A_662 = arith.addf %get3A_661, %get3A_651 : vector<16xf32>
          %swap3A_663 = arith.index_cast %squeeze3A_643 : i32 to index
          %swap3A_664 = arith.constant 0 : index
          %swap3A_665 = tpu.vector_load %arg16[%swap3A_663, %swap3A_664] {strides = array<i32>} : memref<3129x16xf32, #tpu.memory_space<vmem>>, vector<16xf32>,
          tpu.vector_store %arg16[%swap3A_663, %swap3A_664], %add3A_662 {strides = array<i32>} : memref<3129x16xf32, #tpu.memory_space<vmem>>, vector<16xf32>,
          %slice3A_666 = vector.extract_strided_slice %get3A_380 {offsets = [12], sizes = [1], strides = [1]} : vector<16xi32> to vector<1xi32>
          %squeeze3A_667 = vector.extract %slice3A_666[0] : i32 from vector<1xi32>
          %mul3A_668 = arith.constant 16 : i32
          %mul3A_669 = arith.muli %add3A_376, %mul3A_668 : i32
          %add3A_670 = arith.constant 12 : i32
          %add3A_671 = arith.addi %mul3A_669, %add3A_670 : i32
          %get3A_672 = arith.index_cast %rem3A_133 : i32 to index
          %get3A_673 = arith.index_cast %add3A_671 : i32 to index
          %get3A_674 = arith.constant 0 : index
          %get3A_675 = tpu.vector_load %arg12[%get3A_672, %get3A_673, %get3A_674] {strides = array<i32>} : memref<2x128x16xf32, #tpu.memory_space<vmem>>, vector<16xf32>,
          %get3A_676 = arith.index_cast %squeeze3A_667 : i32 to index
          %get3A_677 = arith.constant 0 : index
          %get3A_678 = tpu.vector_load %arg15[%get3A_676, %get3A_677] {strides = array<i32>} : memref<3129x16xf32, #tpu.memory_space<vmem>>, vector<16xf32>,
          %max3A_679 = arith.maximumf %get3A_678, %get3A_675 : vector<16xf32>
          %swap3A_680 = arith.index_cast %squeeze3A_667 : i32 to index
          %swap3A_681 = arith.constant 0 : index
          %swap3A_682 = tpu.vector_load %arg15[%swap3A_680, %swap3A_681] {strides = array<i32>} : memref<3129x16xf32, #tpu.memory_space<vmem>>, vector<16xf32>,
          tpu.vector_store %arg15[%swap3A_680, %swap3A_681], %max3A_679 {strides = array<i32>} : memref<3129x16xf32, #tpu.memory_space<vmem>>, vector<16xf32>,
          %get3A_683 = arith.index_cast %squeeze3A_667 : i32 to index
          %get3A_684 = arith.constant 0 : index
          %get3A_685 = tpu.vector_load %arg16[%get3A_683, %get3A_684] {strides = array<i32>} : memref<3129x16xf32, #tpu.memory_space<vmem>>, vector<16xf32>,
          %add3A_686 = arith.addf %get3A_685, %get3A_675 : vector<16xf32>
          %swap3A_687 = arith.index_cast %squeeze3A_667 : i32 to index
          %swap3A_688 = arith.constant 0 : index
          %swap3A_689 = tpu.vector_load %arg16[%swap3A_687, %swap3A_688] {strides = array<i32>} : memref<3129x16xf32, #tpu.memory_space<vmem>>, vector<16xf32>,
          tpu.vector_store %arg16[%swap3A_687, %swap3A_688], %add3A_686 {strides = array<i32>} : memref<3129x16xf32, #tpu.memory_space<vmem>>, vector<16xf32>,
          %slice3A_690 = vector.extract_strided_slice %get3A_380 {offsets = [13], sizes = [1], strides = [1]} : vector<16xi32> to vector<1xi32>
          %squeeze3A_691 = vector.extract %slice3A_690[0] : i32 from vector<1xi32>
          %mul3A_692 = arith.constant 16 : i32
          %mul3A_693 = arith.muli %add3A_376, %mul3A_692 : i32
          %add3A_694 = arith.constant 13 : i32
          %add3A_695 = arith.addi %mul3A_693, %add3A_694 : i32
          %get3A_696 = arith.index_cast %rem3A_133 : i32 to index
          %get3A_697 = arith.index_cast %add3A_695 : i32 to index
          %get3A_698 = arith.constant 0 : index
          %get3A_699 = tpu.vector_load %arg12[%get3A_696, %get3A_697, %get3A_698] {strides = array<i32>} : memref<2x128x16xf32, #tpu.memory_space<vmem>>, vector<16xf32>,
          %get3A_700 = arith.index_cast %squeeze3A_691 : i32 to index
          %get3A_701 = arith.constant 0 : index
          %get3A_702 = tpu.vector_load %arg15[%get3A_700, %get3A_701] {strides = array<i32>} : memref<3129x16xf32, #tpu.memory_space<vmem>>, vector<16xf32>,
          %max3A_703 = arith.maximumf %get3A_702, %get3A_699 : vector<16xf32>
          %swap3A_704 = arith.index_cast %squeeze3A_691 : i32 to index
          %swap3A_705 = arith.constant 0 : index
          %swap3A_706 = tpu.vector_load %arg15[%swap3A_704, %swap3A_705] {strides = array<i32>} : memref<3129x16xf32, #tpu.memory_space<vmem>>, vector<16xf32>,
          tpu.vector_store %arg15[%swap3A_704, %swap3A_705], %max3A_703 {strides = array<i32>} : memref<3129x16xf32, #tpu.memory_space<vmem>>, vector<16xf32>,
          %get3A_707 = arith.index_cast %squeeze3A_691 : i32 to index
          %get3A_708 = arith.constant 0 : index
          %get3A_709 = tpu.vector_load %arg16[%get3A_707, %get3A_708] {strides = array<i32>} : memref<3129x16xf32, #tpu.memory_space<vmem>>, vector<16xf32>,
          %add3A_710 = arith.addf %get3A_709, %get3A_699 : vector<16xf32>
          %swap3A_711 = arith.index_cast %squeeze3A_691 : i32 to index
          %swap3A_712 = arith.constant 0 : index
          %swap3A_713 = tpu.vector_load %arg16[%swap3A_711, %swap3A_712] {strides = array<i32>} : memref<3129x16xf32, #tpu.memory_space<vmem>>, vector<16xf32>,
          tpu.vector_store %arg16[%swap3A_711, %swap3A_712], %add3A_710 {strides = array<i32>} : memref<3129x16xf32, #tpu.memory_space<vmem>>, vector<16xf32>,
          %slice3A_714 = vector.extract_strided_slice %get3A_380 {offsets = [14], sizes = [1], strides = [1]} : vector<16xi32> to vector<1xi32>
          %squeeze3A_715 = vector.extract %slice3A_714[0] : i32 from vector<1xi32>
          %mul3A_716 = arith.constant 16 : i32
          %mul3A_717 = arith.muli %add3A_376, %mul3A_716 : i32
          %add3A_718 = arith.constant 14 : i32
          %add3A_719 = arith.addi %mul3A_717, %add3A_718 : i32
          %get3A_720 = arith.index_cast %rem3A_133 : i32 to index
          %get3A_721 = arith.index_cast %add3A_719 : i32 to index
          %get3A_722 = arith.constant 0 : index
          %get3A_723 = tpu.vector_load %arg12[%get3A_720, %get3A_721, %get3A_722] {strides = array<i32>} : memref<2x128x16xf32, #tpu.memory_space<vmem>>, vector<16xf32>,
          %get3A_724 = arith.index_cast %squeeze3A_715 : i32 to index
          %get3A_725 = arith.constant 0 : index
          %get3A_726 = tpu.vector_load %arg15[%get3A_724, %get3A_725] {strides = array<i32>} : memref<3129x16xf32, #tpu.memory_space<vmem>>, vector<16xf32>,
          %max3A_727 = arith.maximumf %get3A_726, %get3A_723 : vector<16xf32>
          %swap3A_728 = arith.index_cast %squeeze3A_715 : i32 to index
          %swap3A_729 = arith.constant 0 : index
          %swap3A_730 = tpu.vector_load %arg15[%swap3A_728, %swap3A_729] {strides = array<i32>} : memref<3129x16xf32, #tpu.memory_space<vmem>>, vector<16xf32>,
          tpu.vector_store %arg15[%swap3A_728, %swap3A_729], %max3A_727 {strides = array<i32>} : memref<3129x16xf32, #tpu.memory_space<vmem>>, vector<16xf32>,
          %get3A_731 = arith.index_cast %squeeze3A_715 : i32 to index
          %get3A_732 = arith.constant 0 : index
          %get3A_733 = tpu.vector_load %arg16[%get3A_731, %get3A_732] {strides = array<i32>} : memref<3129x16xf32, #tpu.memory_space<vmem>>, vector<16xf32>,
          %add3A_734 = arith.addf %get3A_733, %get3A_723 : vector<16xf32>
          %swap3A_735 = arith.index_cast %squeeze3A_715 : i32 to index
          %swap3A_736 = arith.constant 0 : index
          %swap3A_737 = tpu.vector_load %arg16[%swap3A_735, %swap3A_736] {strides = array<i32>} : memref<3129x16xf32, #tpu.memory_space<vmem>>, vector<16xf32>,
          tpu.vector_store %arg16[%swap3A_735, %swap3A_736], %add3A_734 {strides = array<i32>} : memref<3129x16xf32, #tpu.memory_space<vmem>>, vector<16xf32>,
          %slice3A_738 = vector.extract_strided_slice %get3A_380 {offsets = [15], sizes = [1], strides = [1]} : vector<16xi32> to vector<1xi32>
          %squeeze3A_739 = vector.extract %slice3A_738[0] : i32 from vector<1xi32>
          %mul3A_740 = arith.constant 16 : i32
          %mul3A_741 = arith.muli %add3A_376, %mul3A_740 : i32
          %add3A_742 = arith.constant 15 : i32
          %add3A_743 = arith.addi %mul3A_741, %add3A_742 : i32
          %get3A_744 = arith.index_cast %rem3A_133 : i32 to index
          %get3A_745 = arith.index_cast %add3A_743 : i32 to index
          %get3A_746 = arith.constant 0 : index
          %get3A_747 = tpu.vector_load %arg12[%get3A_744, %get3A_745, %get3A_746] {strides = array<i32>} : memref<2x128x16xf32, #tpu.memory_space<vmem>>, vector<16xf32>,
          %get3A_748 = arith.index_cast %squeeze3A_739 : i32 to index
          %get3A_749 = arith.constant 0 : index
          %get3A_750 = tpu.vector_load %arg15[%get3A_748, %get3A_749] {strides = array<i32>} : memref<3129x16xf32, #tpu.memory_space<vmem>>, vector<16xf32>,
          %max3A_751 = arith.maximumf %get3A_750, %get3A_747 : vector<16xf32>
          %swap3A_752 = arith.index_cast %squeeze3A_739 : i32 to index
          %swap3A_753 = arith.constant 0 : index
          %swap3A_754 = tpu.vector_load %arg15[%swap3A_752, %swap3A_753] {strides = array<i32>} : memref<3129x16xf32, #tpu.memory_space<vmem>>, vector<16xf32>,
          tpu.vector_store %arg15[%swap3A_752, %swap3A_753], %max3A_751 {strides = array<i32>} : memref<3129x16xf32, #tpu.memory_space<vmem>>, vector<16xf32>,
          %get3A_755 = arith.index_cast %squeeze3A_739 : i32 to index
          %get3A_756 = arith.constant 0 : index
          %get3A_757 = tpu.vector_load %arg16[%get3A_755, %get3A_756] {strides = array<i32>} : memref<3129x16xf32, #tpu.memory_space<vmem>>, vector<16xf32>,
          %add3A_758 = arith.addf %get3A_757, %get3A_747 : vector<16xf32>
          %swap3A_759 = arith.index_cast %squeeze3A_739 : i32 to index
          %swap3A_760 = arith.constant 0 : index
          %swap3A_761 = tpu.vector_load %arg16[%swap3A_759, %swap3A_760] {strides = array<i32>} : memref<3129x16xf32, #tpu.memory_space<vmem>>, vector<16xf32>,
          tpu.vector_store %arg16[%swap3A_759, %swap3A_760], %add3A_758 {strides = array<i32>} : memref<3129x16xf32, #tpu.memory_space<vmem>>, vector<16xf32>,
        }
        %dma_wait3A_370 = arith.constant 0 : i32
        %dma_wait3A_371 = tpu.memref_slice %arg10[%dma_wait3A_370] : memref<128xi32, #tpu.memory_space<vmem>> -> memref<128xi32, #tpu.memory_space<vmem>>
        %dma_wait3A_372 = arith.constant 0 : i32
        %dma_wait3A_373 = tpu.memref_slice %arg17[%dma_wait3A_372] : memref<50048xf32, #tpu.memory_space<vmem_shared>> -> memref<50048xf32, #tpu.memory_space<vmem_shared>>
        tpu.wait_indirect_dma semaphore(%arg20 : memref<!tpu.dma_semaphore, #tpu.memory_space<semaphore_mem>>) src(%arg13 : memref<128xf32, #tpu.memory_space<vmem>>) dst(%dma_wait3A_373 : memref<50048xf32, #tpu.memory_space<vmem_shared>>)
      }
      %while3A_128 = arith.constant 1 : i32
      scf.for %while3A_129 = %while3A_126 to %while3A_122 step %while3A_128  : i32 {
        %mul3A_130 = arith.muli %while3A_129, %while3A : i32
        %add3A_131 = arith.addi %while3A_119, %mul3A_130 : i32
        %rem3A_132 = arith.constant 2 : i32
        %rem3A_133 = arith.remsi %add3A_131, %rem3A_132 : i32
        %mul3A_134 = arith.constant 128 : i32
        %mul3A_135 = arith.muli %add3A_131, %mul3A_134 : i32
        %dma_wait3A_136 = arith.constant 0 : i32
        %dma_wait3A_137 = arith.constant 0 : i32
        %dma_wait3A_138 = tpu.memref_slice %arg12[%rem3A_133, %dma_wait3A_136, %dma_wait3A_137] : memref<2x128x16xf32, #tpu.memory_space<vmem>> -> memref<1x128x16xf32, #tpu.memory_space<vmem>>
        %dma_wait3A_139 = tpu.memref_squeeze %dma_wait3A_138 : memref<1x128x16xf32, #tpu.memory_space<vmem>> -> memref<128x16xf32, #tpu.memory_space<vmem>>
        %dma_wait3A_140 = tpu.memref_slice %arg9[%mul3A_135] : memref<5376xi32, #tpu.memory_space<vmem>> -> memref<128xi32, #tpu.memory_space<vmem>>
        %dma_wait3A_141 = arith.constant 0 : i32
        %dma_wait3A_142 = arith.constant 0 : i32
        %dma_wait3A_143 = tpu.memref_slice %arg3[%dma_wait3A_141, %dma_wait3A_142] : memref<3200000x16xf32, #tpu.memory_space<hbm>> -> memref<3200000x16xf32, #tpu.memory_space<hbm>>
        tpu.wait_indirect_dma semaphore(%arg19 : memref<!tpu.dma_semaphore, #tpu.memory_space<semaphore_mem>>) src(%dma_wait3A_143 : memref<3200000x16xf32, #tpu.memory_space<hbm>>) dst(%dma_wait3A_139 : memref<128x16xf32, #tpu.memory_space<vmem>>)
        %add3A_144 = arith.constant 1 : i32
        %add3A_145 = arith.addi %add3A_131, %add3A_144 : i32
        %lt3A_146 = arith.cmpi slt, %add3A_145, %shift_right_arithmetic3A_104 : i32
        %convert_element_type3A_147 = arith.extui %lt3A_146 : i1 to i32
        %cond3A_148 = arith.constant 0 : i32
        %cond3A_149 = arith.cmpi ne, %convert_element_type3A_147, %cond3A_148 : i32
        scf.if %cond3A_149 {
          %mul3A_374 = arith.constant 128 : i32
          %mul3A_375 = arith.muli %add3A_131, %mul3A_374 : i32
          %add3A_376 = arith.constant 128 : i32
          %add3A_377 = arith.addi %mul3A_375, %add3A_376 : i32
          %sub3A_378 = arith.constant 1 : i32
          %sub3A_379 = arith.subi %sub3A_378, %rem3A_133 : i32
          %dma_start3A_380 = arith.constant 0 : i32
          %dma_start3A_381 = arith.constant 0 : i32
          %dma_start3A_382 = tpu.memref_slice %arg12[%sub3A_379, %dma_start3A_380, %dma_start3A_381] : memref<2x128x16xf32, #tpu.memory_space<vmem>> -> memref<1x128x16xf32, #tpu.memory_space<vmem>>
          %dma_start3A_383 = tpu.memref_squeeze %dma_start3A_382 : memref<1x128x16xf32, #tpu.memory_space<vmem>> -> memref<128x16xf32, #tpu.memory_space<vmem>>
          %dma_start3A_384 = tpu.memref_slice %arg9[%add3A_377] : memref<5376xi32, #tpu.memory_space<vmem>> -> memref<128xi32, #tpu.memory_space<vmem>>
          %dma_start3A_385 = arith.constant 0 : i32
          %dma_start3A_386 = arith.constant 0 : i32
          %dma_start3A_387 = tpu.memref_slice %arg3[%dma_start3A_385, %dma_start3A_386] : memref<3200000x16xf32, #tpu.memory_space<hbm>> -> memref<3200000x16xf32, #tpu.memory_space<hbm>>
          tpu.enqueue_indirect_dma source(%dma_start3A_387 : memref<3200000x16xf32, #tpu.memory_space<hbm>>) target(%dma_start3A_383 : memref<128x16xf32, #tpu.memory_space<vmem>>) offsets(%dma_start3A_384 : memref<128xi32, #tpu.memory_space<vmem>>) semaphore(%arg19 : memref<!tpu.dma_semaphore, #tpu.memory_space<semaphore_mem>>)
        } else {
        }
        %mul3A_150 = arith.constant 128 : i32
        %mul3A_151 = arith.muli %add3A_131, %mul3A_150 : i32
        %add3A_152 = arith.constant 0 : i32
        %add3A_153 = arith.addi %mul3A_151, %add3A_152 : i32
        %get3A = arith.index_cast %add3A_153 : i32 to index
        %get3A_154 = tpu.vector_load %arg8[%get3A] {strides = array<i32>} : memref<5376xi32, #tpu.memory_space<vmem>>, vector<16xi32>,
        %ge3A = arith.constant 0 : i32
        %ge3A_155 = vector.broadcast %ge3A : i32 to vector<16xi32>
        %ge3A_156 = arith.cmpi sge, %get3A_154, %ge3A_155 : vector<16xi32>
        %shift_right_arithmetic3A_157 = arith.constant 13 : i32
        %shift_right_arithmetic3A_158 = vector.broadcast %shift_right_arithmetic3A_157 : i32 to vector<16xi32>
        %shift_right_arithmetic3A_159 = arith.shrsi %get3A_154, %shift_right_arithmetic3A_158 : vector<16xi32>
        %add3A_160 = vector.broadcast %mul3A_4 : i32 to vector<16xi32>
        %add3A_161 = arith.addi %shift_right_arithmetic3A_159, %add3A_160 : vector<16xi32>
        %jit3A = arith.constant -1 : i32
        %broadcast_in_dim3A_162 = vector.broadcast %jit3A : i32 to vector<16xi32>
        %select_n3A = arith.select %ge3A_156, %add3A_161, %broadcast_in_dim3A_162 : vector<16xi1>, vector<16xi32>
        %swap3A_163 = arith.constant 0 : index
        %swap3A_164 = tpu.vector_load %arg10[%swap3A_163] {strides = array<i32>} : memref<128xi32, #tpu.memory_space<vmem>>, vector<16xi32>,
        tpu.vector_store %arg10[%swap3A_163], %select_n3A {strides = array<i32>} : memref<128xi32, #tpu.memory_space<vmem>>, vector<16xi32>,
        %jit3A_165 = arith.constant 3128 : i32
        %broadcast_in_dim3A_166 = vector.broadcast %jit3A_165 : i32 to vector<16xi32>
        %select_n3A_167 = arith.select %ge3A_156, %shift_right_arithmetic3A_159, %broadcast_in_dim3A_166 : vector<16xi1>, vector<16xi32>
        %swap3A_168 = arith.constant 0 : index
        %swap3A_169 = tpu.vector_load %arg11[%swap3A_168] {strides = array<i32>} : memref<128xi32, #tpu.memory_space<vmem>>, vector<16xi32>,
        tpu.vector_store %arg11[%swap3A_168], %select_n3A_167 {strides = array<i32>} : memref<128xi32, #tpu.memory_space<vmem>>, vector<16xi32>,
        %mul3A_170 = arith.constant 128 : i32
        %mul3A_171 = arith.muli %add3A_131, %mul3A_170 : i32
        %add3A_172 = arith.constant 16 : i32
        %add3A_173 = arith.addi %mul3A_171, %add3A_172 : i32
        %get3A_174 = arith.index_cast %add3A_173 : i32 to index
        %get3A_175 = tpu.vector_load %arg8[%get3A_174] {strides = array<i32>} : memref<5376xi32, #tpu.memory_space<vmem>>, vector<16xi32>,
        %ge3A_176 = arith.constant 0 : i32
        %ge3A_177 = vector.broadcast %ge3A_176 : i32 to vector<16xi32>
        %ge3A_178 = arith.cmpi sge, %get3A_175, %ge3A_177 : vector<16xi32>
        %shift_right_arithmetic3A_179 = arith.constant 13 : i32
        %shift_right_arithmetic3A_180 = vector.broadcast %shift_right_arithmetic3A_179 : i32 to vector<16xi32>
        %shift_right_arithmetic3A_181 = arith.shrsi %get3A_175, %shift_right_arithmetic3A_180 : vector<16xi32>
        %add3A_182 = vector.broadcast %mul3A_4 : i32 to vector<16xi32>
        %add3A_183 = arith.addi %shift_right_arithmetic3A_181, %add3A_182 : vector<16xi32>
        %jit3A_184 = arith.constant -1 : i32
        %broadcast_in_dim3A_185 = vector.broadcast %jit3A_184 : i32 to vector<16xi32>
        %select_n3A_186 = arith.select %ge3A_178, %add3A_183, %broadcast_in_dim3A_185 : vector<16xi1>, vector<16xi32>
        %swap3A_187 = arith.constant 16 : index
        %swap3A_188 = tpu.vector_load %arg10[%swap3A_187] {strides = array<i32>} : memref<128xi32, #tpu.memory_space<vmem>>, vector<16xi32>,
        tpu.vector_store %arg10[%swap3A_187], %select_n3A_186 {strides = array<i32>} : memref<128xi32, #tpu.memory_space<vmem>>, vector<16xi32>,
        %jit3A_189 = arith.constant 3128 : i32
        %broadcast_in_dim3A_190 = vector.broadcast %jit3A_189 : i32 to vector<16xi32>
        %select_n3A_191 = arith.select %ge3A_178, %shift_right_arithmetic3A_181, %broadcast_in_dim3A_190 : vector<16xi1>, vector<16xi32>
        %swap3A_192 = arith.constant 16 : index
        %swap3A_193 = tpu.vector_load %arg11[%swap3A_192] {strides = array<i32>} : memref<128xi32, #tpu.memory_space<vmem>>, vector<16xi32>,
        tpu.vector_store %arg11[%swap3A_192], %select_n3A_191 {strides = array<i32>} : memref<128xi32, #tpu.memory_space<vmem>>, vector<16xi32>,
        %mul3A_194 = arith.constant 128 : i32
        %mul3A_195 = arith.muli %add3A_131, %mul3A_194 : i32
        %add3A_196 = arith.constant 32 : i32
        %add3A_197 = arith.addi %mul3A_195, %add3A_196 : i32
        %get3A_198 = arith.index_cast %add3A_197 : i32 to index
        %get3A_199 = tpu.vector_load %arg8[%get3A_198] {strides = array<i32>} : memref<5376xi32, #tpu.memory_space<vmem>>, vector<16xi32>,
        %ge3A_200 = arith.constant 0 : i32
        %ge3A_201 = vector.broadcast %ge3A_200 : i32 to vector<16xi32>
        %ge3A_202 = arith.cmpi sge, %get3A_199, %ge3A_201 : vector<16xi32>
        %shift_right_arithmetic3A_203 = arith.constant 13 : i32
        %shift_right_arithmetic3A_204 = vector.broadcast %shift_right_arithmetic3A_203 : i32 to vector<16xi32>
        %shift_right_arithmetic3A_205 = arith.shrsi %get3A_199, %shift_right_arithmetic3A_204 : vector<16xi32>
        %add3A_206 = vector.broadcast %mul3A_4 : i32 to vector<16xi32>
        %add3A_207 = arith.addi %shift_right_arithmetic3A_205, %add3A_206 : vector<16xi32>
        %jit3A_208 = arith.constant -1 : i32
        %broadcast_in_dim3A_209 = vector.broadcast %jit3A_208 : i32 to vector<16xi32>
        %select_n3A_210 = arith.select %ge3A_202, %add3A_207, %broadcast_in_dim3A_209 : vector<16xi1>, vector<16xi32>
        %swap3A_211 = arith.constant 32 : index
        %swap3A_212 = tpu.vector_load %arg10[%swap3A_211] {strides = array<i32>} : memref<128xi32, #tpu.memory_space<vmem>>, vector<16xi32>,
        tpu.vector_store %arg10[%swap3A_211], %select_n3A_210 {strides = array<i32>} : memref<128xi32, #tpu.memory_space<vmem>>, vector<16xi32>,
        %jit3A_213 = arith.constant 3128 : i32
        %broadcast_in_dim3A_214 = vector.broadcast %jit3A_213 : i32 to vector<16xi32>
        %select_n3A_215 = arith.select %ge3A_202, %shift_right_arithmetic3A_205, %broadcast_in_dim3A_214 : vector<16xi1>, vector<16xi32>
        %swap3A_216 = arith.constant 32 : index
        %swap3A_217 = tpu.vector_load %arg11[%swap3A_216] {strides = array<i32>} : memref<128xi32, #tpu.memory_space<vmem>>, vector<16xi32>,
        tpu.vector_store %arg11[%swap3A_216], %select_n3A_215 {strides = array<i32>} : memref<128xi32, #tpu.memory_space<vmem>>, vector<16xi32>,
        %mul3A_218 = arith.constant 128 : i32
        %mul3A_219 = arith.muli %add3A_131, %mul3A_218 : i32
        %add3A_220 = arith.constant 48 : i32
        %add3A_221 = arith.addi %mul3A_219, %add3A_220 : i32
        %get3A_222 = arith.index_cast %add3A_221 : i32 to index
        %get3A_223 = tpu.vector_load %arg8[%get3A_222] {strides = array<i32>} : memref<5376xi32, #tpu.memory_space<vmem>>, vector<16xi32>,
        %ge3A_224 = arith.constant 0 : i32
        %ge3A_225 = vector.broadcast %ge3A_224 : i32 to vector<16xi32>
        %ge3A_226 = arith.cmpi sge, %get3A_223, %ge3A_225 : vector<16xi32>
        %shift_right_arithmetic3A_227 = arith.constant 13 : i32
        %shift_right_arithmetic3A_228 = vector.broadcast %shift_right_arithmetic3A_227 : i32 to vector<16xi32>
        %shift_right_arithmetic3A_229 = arith.shrsi %get3A_223, %shift_right_arithmetic3A_228 : vector<16xi32>
        %add3A_230 = vector.broadcast %mul3A_4 : i32 to vector<16xi32>
        %add3A_231 = arith.addi %shift_right_arithmetic3A_229, %add3A_230 : vector<16xi32>
        %jit3A_232 = arith.constant -1 : i32
        %broadcast_in_dim3A_233 = vector.broadcast %jit3A_232 : i32 to vector<16xi32>
        %select_n3A_234 = arith.select %ge3A_226, %add3A_231, %broadcast_in_dim3A_233 : vector<16xi1>, vector<16xi32>
        %swap3A_235 = arith.constant 48 : index
        %swap3A_236 = tpu.vector_load %arg10[%swap3A_235] {strides = array<i32>} : memref<128xi32, #tpu.memory_space<vmem>>, vector<16xi32>,
        tpu.vector_store %arg10[%swap3A_235], %select_n3A_234 {strides = array<i32>} : memref<128xi32, #tpu.memory_space<vmem>>, vector<16xi32>,
        %jit3A_237 = arith.constant 3128 : i32
        %broadcast_in_dim3A_238 = vector.broadcast %jit3A_237 : i32 to vector<16xi32>
        %select_n3A_239 = arith.select %ge3A_226, %shift_right_arithmetic3A_229, %broadcast_in_dim3A_238 : vector<16xi1>, vector<16xi32>
        %swap3A_240 = arith.constant 48 : index
        %swap3A_241 = tpu.vector_load %arg11[%swap3A_240] {strides = array<i32>} : memref<128xi32, #tpu.memory_space<vmem>>, vector<16xi32>,
        tpu.vector_store %arg11[%swap3A_240], %select_n3A_239 {strides = array<i32>} : memref<128xi32, #tpu.memory_space<vmem>>, vector<16xi32>,
        %mul3A_242 = arith.constant 128 : i32
        %mul3A_243 = arith.muli %add3A_131, %mul3A_242 : i32
        %add3A_244 = arith.constant 64 : i32
        %add3A_245 = arith.addi %mul3A_243, %add3A_244 : i32
        %get3A_246 = arith.index_cast %add3A_245 : i32 to index
        %get3A_247 = tpu.vector_load %arg8[%get3A_246] {strides = array<i32>} : memref<5376xi32, #tpu.memory_space<vmem>>, vector<16xi32>,
        %ge3A_248 = arith.constant 0 : i32
        %ge3A_249 = vector.broadcast %ge3A_248 : i32 to vector<16xi32>
        %ge3A_250 = arith.cmpi sge, %get3A_247, %ge3A_249 : vector<16xi32>
        %shift_right_arithmetic3A_251 = arith.constant 13 : i32
        %shift_right_arithmetic3A_252 = vector.broadcast %shift_right_arithmetic3A_251 : i32 to vector<16xi32>
        %shift_right_arithmetic3A_253 = arith.shrsi %get3A_247, %shift_right_arithmetic3A_252 : vector<16xi32>
        %add3A_254 = vector.broadcast %mul3A_4 : i32 to vector<16xi32>
        %add3A_255 = arith.addi %shift_right_arithmetic3A_253, %add3A_254 : vector<16xi32>
        %jit3A_256 = arith.constant -1 : i32
        %broadcast_in_dim3A_257 = vector.broadcast %jit3A_256 : i32 to vector<16xi32>
        %select_n3A_258 = arith.select %ge3A_250, %add3A_255, %broadcast_in_dim3A_257 : vector<16xi1>, vector<16xi32>
        %swap3A_259 = arith.constant 64 : index
        %swap3A_260 = tpu.vector_load %arg10[%swap3A_259] {strides = array<i32>} : memref<128xi32, #tpu.memory_space<vmem>>, vector<16xi32>,
        tpu.vector_store %arg10[%swap3A_259], %select_n3A_258 {strides = array<i32>} : memref<128xi32, #tpu.memory_space<vmem>>, vector<16xi32>,
        %jit3A_261 = arith.constant 3128 : i32
        %broadcast_in_dim3A_262 = vector.broadcast %jit3A_261 : i32 to vector<16xi32>
        %select_n3A_263 = arith.select %ge3A_250, %shift_right_arithmetic3A_253, %broadcast_in_dim3A_262 : vector<16xi1>, vector<16xi32>
        %swap3A_264 = arith.constant 64 : index
        %swap3A_265 = tpu.vector_load %arg11[%swap3A_264] {strides = array<i32>} : memref<128xi32, #tpu.memory_space<vmem>>, vector<16xi32>,
        tpu.vector_store %arg11[%swap3A_264], %select_n3A_263 {strides = array<i32>} : memref<128xi32, #tpu.memory_space<vmem>>, vector<16xi32>,
        %mul3A_266 = arith.constant 128 : i32
        %mul3A_267 = arith.muli %add3A_131, %mul3A_266 : i32
        %add3A_268 = arith.constant 80 : i32
        %add3A_269 = arith.addi %mul3A_267, %add3A_268 : i32
        %get3A_270 = arith.index_cast %add3A_269 : i32 to index
        %get3A_271 = tpu.vector_load %arg8[%get3A_270] {strides = array<i32>} : memref<5376xi32, #tpu.memory_space<vmem>>, vector<16xi32>,
        %ge3A_272 = arith.constant 0 : i32
        %ge3A_273 = vector.broadcast %ge3A_272 : i32 to vector<16xi32>
        %ge3A_274 = arith.cmpi sge, %get3A_271, %ge3A_273 : vector<16xi32>
        %shift_right_arithmetic3A_275 = arith.constant 13 : i32
        %shift_right_arithmetic3A_276 = vector.broadcast %shift_right_arithmetic3A_275 : i32 to vector<16xi32>
        %shift_right_arithmetic3A_277 = arith.shrsi %get3A_271, %shift_right_arithmetic3A_276 : vector<16xi32>
        %add3A_278 = vector.broadcast %mul3A_4 : i32 to vector<16xi32>
        %add3A_279 = arith.addi %shift_right_arithmetic3A_277, %add3A_278 : vector<16xi32>
        %jit3A_280 = arith.constant -1 : i32
        %broadcast_in_dim3A_281 = vector.broadcast %jit3A_280 : i32 to vector<16xi32>
        %select_n3A_282 = arith.select %ge3A_274, %add3A_279, %broadcast_in_dim3A_281 : vector<16xi1>, vector<16xi32>
        %swap3A_283 = arith.constant 80 : index
        %swap3A_284 = tpu.vector_load %arg10[%swap3A_283] {strides = array<i32>} : memref<128xi32, #tpu.memory_space<vmem>>, vector<16xi32>,
        tpu.vector_store %arg10[%swap3A_283], %select_n3A_282 {strides = array<i32>} : memref<128xi32, #tpu.memory_space<vmem>>, vector<16xi32>,
        %jit3A_285 = arith.constant 3128 : i32
        %broadcast_in_dim3A_286 = vector.broadcast %jit3A_285 : i32 to vector<16xi32>
        %select_n3A_287 = arith.select %ge3A_274, %shift_right_arithmetic3A_277, %broadcast_in_dim3A_286 : vector<16xi1>, vector<16xi32>
        %swap3A_288 = arith.constant 80 : index
        %swap3A_289 = tpu.vector_load %arg11[%swap3A_288] {strides = array<i32>} : memref<128xi32, #tpu.memory_space<vmem>>, vector<16xi32>,
        tpu.vector_store %arg11[%swap3A_288], %select_n3A_287 {strides = array<i32>} : memref<128xi32, #tpu.memory_space<vmem>>, vector<16xi32>,
        %mul3A_290 = arith.constant 128 : i32
        %mul3A_291 = arith.muli %add3A_131, %mul3A_290 : i32
        %add3A_292 = arith.constant 96 : i32
        %add3A_293 = arith.addi %mul3A_291, %add3A_292 : i32
        %get3A_294 = arith.index_cast %add3A_293 : i32 to index
        %get3A_295 = tpu.vector_load %arg8[%get3A_294] {strides = array<i32>} : memref<5376xi32, #tpu.memory_space<vmem>>, vector<16xi32>,
        %ge3A_296 = arith.constant 0 : i32
        %ge3A_297 = vector.broadcast %ge3A_296 : i32 to vector<16xi32>
        %ge3A_298 = arith.cmpi sge, %get3A_295, %ge3A_297 : vector<16xi32>
        %shift_right_arithmetic3A_299 = arith.constant 13 : i32
        %shift_right_arithmetic3A_300 = vector.broadcast %shift_right_arithmetic3A_299 : i32 to vector<16xi32>
        %shift_right_arithmetic3A_301 = arith.shrsi %get3A_295, %shift_right_arithmetic3A_300 : vector<16xi32>
        %add3A_302 = vector.broadcast %mul3A_4 : i32 to vector<16xi32>
        %add3A_303 = arith.addi %shift_right_arithmetic3A_301, %add3A_302 : vector<16xi32>
        %jit3A_304 = arith.constant -1 : i32
        %broadcast_in_dim3A_305 = vector.broadcast %jit3A_304 : i32 to vector<16xi32>
        %select_n3A_306 = arith.select %ge3A_298, %add3A_303, %broadcast_in_dim3A_305 : vector<16xi1>, vector<16xi32>
        %swap3A_307 = arith.constant 96 : index
        %swap3A_308 = tpu.vector_load %arg10[%swap3A_307] {strides = array<i32>} : memref<128xi32, #tpu.memory_space<vmem>>, vector<16xi32>,
        tpu.vector_store %arg10[%swap3A_307], %select_n3A_306 {strides = array<i32>} : memref<128xi32, #tpu.memory_space<vmem>>, vector<16xi32>,
        %jit3A_309 = arith.constant 3128 : i32
        %broadcast_in_dim3A_310 = vector.broadcast %jit3A_309 : i32 to vector<16xi32>
        %select_n3A_311 = arith.select %ge3A_298, %shift_right_arithmetic3A_301, %broadcast_in_dim3A_310 : vector<16xi1>, vector<16xi32>
        %swap3A_312 = arith.constant 96 : index
        %swap3A_313 = tpu.vector_load %arg11[%swap3A_312] {strides = array<i32>} : memref<128xi32, #tpu.memory_space<vmem>>, vector<16xi32>,
        tpu.vector_store %arg11[%swap3A_312], %select_n3A_311 {strides = array<i32>} : memref<128xi32, #tpu.memory_space<vmem>>, vector<16xi32>,
        %mul3A_314 = arith.constant 128 : i32
        %mul3A_315 = arith.muli %add3A_131, %mul3A_314 : i32
        %add3A_316 = arith.constant 112 : i32
        %add3A_317 = arith.addi %mul3A_315, %add3A_316 : i32
        %get3A_318 = arith.index_cast %add3A_317 : i32 to index
        %get3A_319 = tpu.vector_load %arg8[%get3A_318] {strides = array<i32>} : memref<5376xi32, #tpu.memory_space<vmem>>, vector<16xi32>,
        %ge3A_320 = arith.constant 0 : i32
        %ge3A_321 = vector.broadcast %ge3A_320 : i32 to vector<16xi32>
        %ge3A_322 = arith.cmpi sge, %get3A_319, %ge3A_321 : vector<16xi32>
        %shift_right_arithmetic3A_323 = arith.constant 13 : i32
        %shift_right_arithmetic3A_324 = vector.broadcast %shift_right_arithmetic3A_323 : i32 to vector<16xi32>
        %shift_right_arithmetic3A_325 = arith.shrsi %get3A_319, %shift_right_arithmetic3A_324 : vector<16xi32>
        %add3A_326 = vector.broadcast %mul3A_4 : i32 to vector<16xi32>
        %add3A_327 = arith.addi %shift_right_arithmetic3A_325, %add3A_326 : vector<16xi32>
        %jit3A_328 = arith.constant -1 : i32
        %broadcast_in_dim3A_329 = vector.broadcast %jit3A_328 : i32 to vector<16xi32>
        %select_n3A_330 = arith.select %ge3A_322, %add3A_327, %broadcast_in_dim3A_329 : vector<16xi1>, vector<16xi32>
        %swap3A_331 = arith.constant 112 : index
        %swap3A_332 = tpu.vector_load %arg10[%swap3A_331] {strides = array<i32>} : memref<128xi32, #tpu.memory_space<vmem>>, vector<16xi32>,
        tpu.vector_store %arg10[%swap3A_331], %select_n3A_330 {strides = array<i32>} : memref<128xi32, #tpu.memory_space<vmem>>, vector<16xi32>,
        %jit3A_333 = arith.constant 3128 : i32
        %broadcast_in_dim3A_334 = vector.broadcast %jit3A_333 : i32 to vector<16xi32>
        %select_n3A_335 = arith.select %ge3A_322, %shift_right_arithmetic3A_325, %broadcast_in_dim3A_334 : vector<16xi1>, vector<16xi32>
        %swap3A_336 = arith.constant 112 : index
        %swap3A_337 = tpu.vector_load %arg11[%swap3A_336] {strides = array<i32>} : memref<128xi32, #tpu.memory_space<vmem>>, vector<16xi32>,
        tpu.vector_store %arg11[%swap3A_336], %select_n3A_335 {strides = array<i32>} : memref<128xi32, #tpu.memory_space<vmem>>, vector<16xi32>,
        %dma_start3A_338 = arith.constant 0 : i32
        %dma_start3A_339 = tpu.memref_slice %arg10[%dma_start3A_338] : memref<128xi32, #tpu.memory_space<vmem>> -> memref<128xi32, #tpu.memory_space<vmem>>
        %dma_start3A_340 = arith.constant 0 : i32
        %dma_start3A_341 = tpu.memref_slice %arg17[%dma_start3A_340] : memref<50048xf32, #tpu.memory_space<vmem_shared>> -> memref<50048xf32, #tpu.memory_space<vmem_shared>>
        %dma_start3A_342 = arith.constant -1 : i32
        tpu.enqueue_indirect_dma source(%arg13 : memref<128xf32, #tpu.memory_space<vmem>>) target(%dma_start3A_341 : memref<50048xf32, #tpu.memory_space<vmem_shared>>) offsets(%dma_start3A_339 : memref<128xi32, #tpu.memory_space<vmem>>) offset_filter(%dma_start3A_342) semaphore(%arg20 : memref<!tpu.dma_semaphore, #tpu.memory_space<semaphore_mem>>) {add = true}
        %mul3A_343 = arith.constant 128 : i32
        %mul3A_344 = arith.muli %add3A_131, %mul3A_343 : i32
        %sub3A_345 = arith.subi %parallel_loop3A_70, %mul3A_344 : i32
        %add3A_346 = arith.constant 15 : i32
        %add3A_347 = arith.addi %sub3A_345, %add3A_346 : i32
        %shift_right_arithmetic3A_348 = arith.constant 4 : i32
        %shift_right_arithmetic3A_349 = arith.shrsi %add3A_347, %shift_right_arithmetic3A_348 : i32
        %min3A = arith.constant 8 : i32
        %min3A_350 = arith.minsi %shift_right_arithmetic3A_349, %min3A : i32
        %sub3A_351 = arith.constant 0 : i32
        %sub3A_352 = arith.subi %min3A_350, %sub3A_351 : i32
        %sub3A_353 = arith.constant 1 : i32
        %sub3A_354 = arith.constant 1 : i32
        %sub3A_355 = arith.subi %sub3A_353, %sub3A_354 : i32
        %add3A_356 = arith.addi %sub3A_352, %sub3A_355 : i32
        %div3A_357 = arith.constant 1 : i32
        %div3A_358 = arith.divsi %add3A_356, %div3A_357 : i32
        %while3A_359 = arith.constant 1 : i32
        %while3A_360 = arith.constant 0 : i32
        %while3A_361 = arith.constant 0 : i32
        %while3A_362 = arith.subi %div3A_358, %while3A_361 : i32
        %while3A_363 = arith.addi %while3A_361, %while3A_362 : i32
        %while3A_364 = arith.constant 1 : i32
        %while3A_365 = arith.divsi %while3A_362, %while3A_364 : i32
        %while3A_366 = arith.muli %while3A_365, %while3A_364 : i32
        %while3A_367 = arith.addi %while3A_361, %while3A_366 : i32
        %while3A_368 = arith.constant 1 : i32
        scf.for %while3A_374 = %while3A_361 to %while3A_367 step %while3A_368  : i32 {
          %mul3A_375 = arith.muli %while3A_374, %while3A_359 : i32
          %add3A_376 = arith.addi %while3A_360, %mul3A_375 : i32
          %mul3A_377 = arith.constant 16 : i32
          %mul3A_378 = arith.muli %add3A_376, %mul3A_377 : i32
          %get3A_379 = arith.index_cast %mul3A_378 : i32 to index
          %get3A_380 = tpu.vector_load %arg11[%get3A_379] {strides = array<i32>} : memref<128xi32, #tpu.memory_space<vmem>>, vector<16xi32>,
          %slice3A = vector.extract_strided_slice %get3A_380 {offsets = [0], sizes = [1], strides = [1]} : vector<16xi32> to vector<1xi32>
          %squeeze3A = vector.extract %slice3A[0] : i32 from vector<1xi32>
          %mul3A_381 = arith.constant 16 : i32
          %mul3A_382 = arith.muli %add3A_376, %mul3A_381 : i32
          %add3A_383 = arith.constant 0 : i32
          %add3A_384 = arith.addi %mul3A_382, %add3A_383 : i32
          %get3A_385 = arith.index_cast %rem3A_133 : i32 to index
          %get3A_386 = arith.index_cast %add3A_384 : i32 to index
          %get3A_387 = arith.constant 0 : index
          %get3A_388 = tpu.vector_load %arg12[%get3A_385, %get3A_386, %get3A_387] {strides = array<i32>} : memref<2x128x16xf32, #tpu.memory_space<vmem>>, vector<16xf32>,
          %get3A_389 = arith.index_cast %squeeze3A : i32 to index
          %get3A_390 = arith.constant 0 : index
          %get3A_391 = tpu.vector_load %arg15[%get3A_389, %get3A_390] {strides = array<i32>} : memref<3129x16xf32, #tpu.memory_space<vmem>>, vector<16xf32>,
          %max3A = arith.maximumf %get3A_391, %get3A_388 : vector<16xf32>
          %swap3A_392 = arith.index_cast %squeeze3A : i32 to index
          %swap3A_393 = arith.constant 0 : index
          %swap3A_394 = tpu.vector_load %arg15[%swap3A_392, %swap3A_393] {strides = array<i32>} : memref<3129x16xf32, #tpu.memory_space<vmem>>, vector<16xf32>,
          tpu.vector_store %arg15[%swap3A_392, %swap3A_393], %max3A {strides = array<i32>} : memref<3129x16xf32, #tpu.memory_space<vmem>>, vector<16xf32>,
          %get3A_395 = arith.index_cast %squeeze3A : i32 to index
          %get3A_396 = arith.constant 0 : index
          %get3A_397 = tpu.vector_load %arg16[%get3A_395, %get3A_396] {strides = array<i32>} : memref<3129x16xf32, #tpu.memory_space<vmem>>, vector<16xf32>,
          %add3A_398 = arith.addf %get3A_397, %get3A_388 : vector<16xf32>
          %swap3A_399 = arith.index_cast %squeeze3A : i32 to index
          %swap3A_400 = arith.constant 0 : index
          %swap3A_401 = tpu.vector_load %arg16[%swap3A_399, %swap3A_400] {strides = array<i32>} : memref<3129x16xf32, #tpu.memory_space<vmem>>, vector<16xf32>,
          tpu.vector_store %arg16[%swap3A_399, %swap3A_400], %add3A_398 {strides = array<i32>} : memref<3129x16xf32, #tpu.memory_space<vmem>>, vector<16xf32>,
          %slice3A_402 = vector.extract_strided_slice %get3A_380 {offsets = [1], sizes = [1], strides = [1]} : vector<16xi32> to vector<1xi32>
          %squeeze3A_403 = vector.extract %slice3A_402[0] : i32 from vector<1xi32>
          %mul3A_404 = arith.constant 16 : i32
          %mul3A_405 = arith.muli %add3A_376, %mul3A_404 : i32
          %add3A_406 = arith.constant 1 : i32
          %add3A_407 = arith.addi %mul3A_405, %add3A_406 : i32
          %get3A_408 = arith.index_cast %rem3A_133 : i32 to index
          %get3A_409 = arith.index_cast %add3A_407 : i32 to index
          %get3A_410 = arith.constant 0 : index
          %get3A_411 = tpu.vector_load %arg12[%get3A_408, %get3A_409, %get3A_410] {strides = array<i32>} : memref<2x128x16xf32, #tpu.memory_space<vmem>>, vector<16xf32>,
          %get3A_412 = arith.index_cast %squeeze3A_403 : i32 to index
          %get3A_413 = arith.constant 0 : index
          %get3A_414 = tpu.vector_load %arg15[%get3A_412, %get3A_413] {strides = array<i32>} : memref<3129x16xf32, #tpu.memory_space<vmem>>, vector<16xf32>,
          %max3A_415 = arith.maximumf %get3A_414, %get3A_411 : vector<16xf32>
          %swap3A_416 = arith.index_cast %squeeze3A_403 : i32 to index
          %swap3A_417 = arith.constant 0 : index
          %swap3A_418 = tpu.vector_load %arg15[%swap3A_416, %swap3A_417] {strides = array<i32>} : memref<3129x16xf32, #tpu.memory_space<vmem>>, vector<16xf32>,
          tpu.vector_store %arg15[%swap3A_416, %swap3A_417], %max3A_415 {strides = array<i32>} : memref<3129x16xf32, #tpu.memory_space<vmem>>, vector<16xf32>,
          %get3A_419 = arith.index_cast %squeeze3A_403 : i32 to index
          %get3A_420 = arith.constant 0 : index
          %get3A_421 = tpu.vector_load %arg16[%get3A_419, %get3A_420] {strides = array<i32>} : memref<3129x16xf32, #tpu.memory_space<vmem>>, vector<16xf32>,
          %add3A_422 = arith.addf %get3A_421, %get3A_411 : vector<16xf32>
          %swap3A_423 = arith.index_cast %squeeze3A_403 : i32 to index
          %swap3A_424 = arith.constant 0 : index
          %swap3A_425 = tpu.vector_load %arg16[%swap3A_423, %swap3A_424] {strides = array<i32>} : memref<3129x16xf32, #tpu.memory_space<vmem>>, vector<16xf32>,
          tpu.vector_store %arg16[%swap3A_423, %swap3A_424], %add3A_422 {strides = array<i32>} : memref<3129x16xf32, #tpu.memory_space<vmem>>, vector<16xf32>,
          %slice3A_426 = vector.extract_strided_slice %get3A_380 {offsets = [2], sizes = [1], strides = [1]} : vector<16xi32> to vector<1xi32>
          %squeeze3A_427 = vector.extract %slice3A_426[0] : i32 from vector<1xi32>
          %mul3A_428 = arith.constant 16 : i32
          %mul3A_429 = arith.muli %add3A_376, %mul3A_428 : i32
          %add3A_430 = arith.constant 2 : i32
          %add3A_431 = arith.addi %mul3A_429, %add3A_430 : i32
          %get3A_432 = arith.index_cast %rem3A_133 : i32 to index
          %get3A_433 = arith.index_cast %add3A_431 : i32 to index
          %get3A_434 = arith.constant 0 : index
          %get3A_435 = tpu.vector_load %arg12[%get3A_432, %get3A_433, %get3A_434] {strides = array<i32>} : memref<2x128x16xf32, #tpu.memory_space<vmem>>, vector<16xf32>,
          %get3A_436 = arith.index_cast %squeeze3A_427 : i32 to index
          %get3A_437 = arith.constant 0 : index
          %get3A_438 = tpu.vector_load %arg15[%get3A_436, %get3A_437] {strides = array<i32>} : memref<3129x16xf32, #tpu.memory_space<vmem>>, vector<16xf32>,
          %max3A_439 = arith.maximumf %get3A_438, %get3A_435 : vector<16xf32>
          %swap3A_440 = arith.index_cast %squeeze3A_427 : i32 to index
          %swap3A_441 = arith.constant 0 : index
          %swap3A_442 = tpu.vector_load %arg15[%swap3A_440, %swap3A_441] {strides = array<i32>} : memref<3129x16xf32, #tpu.memory_space<vmem>>, vector<16xf32>,
          tpu.vector_store %arg15[%swap3A_440, %swap3A_441], %max3A_439 {strides = array<i32>} : memref<3129x16xf32, #tpu.memory_space<vmem>>, vector<16xf32>,
          %get3A_443 = arith.index_cast %squeeze3A_427 : i32 to index
          %get3A_444 = arith.constant 0 : index
          %get3A_445 = tpu.vector_load %arg16[%get3A_443, %get3A_444] {strides = array<i32>} : memref<3129x16xf32, #tpu.memory_space<vmem>>, vector<16xf32>,
          %add3A_446 = arith.addf %get3A_445, %get3A_435 : vector<16xf32>
          %swap3A_447 = arith.index_cast %squeeze3A_427 : i32 to index
          %swap3A_448 = arith.constant 0 : index
          %swap3A_449 = tpu.vector_load %arg16[%swap3A_447, %swap3A_448] {strides = array<i32>} : memref<3129x16xf32, #tpu.memory_space<vmem>>, vector<16xf32>,
          tpu.vector_store %arg16[%swap3A_447, %swap3A_448], %add3A_446 {strides = array<i32>} : memref<3129x16xf32, #tpu.memory_space<vmem>>, vector<16xf32>,
          %slice3A_450 = vector.extract_strided_slice %get3A_380 {offsets = [3], sizes = [1], strides = [1]} : vector<16xi32> to vector<1xi32>
          %squeeze3A_451 = vector.extract %slice3A_450[0] : i32 from vector<1xi32>
          %mul3A_452 = arith.constant 16 : i32
          %mul3A_453 = arith.muli %add3A_376, %mul3A_452 : i32
          %add3A_454 = arith.constant 3 : i32
          %add3A_455 = arith.addi %mul3A_453, %add3A_454 : i32
          %get3A_456 = arith.index_cast %rem3A_133 : i32 to index
          %get3A_457 = arith.index_cast %add3A_455 : i32 to index
          %get3A_458 = arith.constant 0 : index
          %get3A_459 = tpu.vector_load %arg12[%get3A_456, %get3A_457, %get3A_458] {strides = array<i32>} : memref<2x128x16xf32, #tpu.memory_space<vmem>>, vector<16xf32>,
          %get3A_460 = arith.index_cast %squeeze3A_451 : i32 to index
          %get3A_461 = arith.constant 0 : index
          %get3A_462 = tpu.vector_load %arg15[%get3A_460, %get3A_461] {strides = array<i32>} : memref<3129x16xf32, #tpu.memory_space<vmem>>, vector<16xf32>,
          %max3A_463 = arith.maximumf %get3A_462, %get3A_459 : vector<16xf32>
          %swap3A_464 = arith.index_cast %squeeze3A_451 : i32 to index
          %swap3A_465 = arith.constant 0 : index
          %swap3A_466 = tpu.vector_load %arg15[%swap3A_464, %swap3A_465] {strides = array<i32>} : memref<3129x16xf32, #tpu.memory_space<vmem>>, vector<16xf32>,
          tpu.vector_store %arg15[%swap3A_464, %swap3A_465], %max3A_463 {strides = array<i32>} : memref<3129x16xf32, #tpu.memory_space<vmem>>, vector<16xf32>,
          %get3A_467 = arith.index_cast %squeeze3A_451 : i32 to index
          %get3A_468 = arith.constant 0 : index
          %get3A_469 = tpu.vector_load %arg16[%get3A_467, %get3A_468] {strides = array<i32>} : memref<3129x16xf32, #tpu.memory_space<vmem>>, vector<16xf32>,
          %add3A_470 = arith.addf %get3A_469, %get3A_459 : vector<16xf32>
          %swap3A_471 = arith.index_cast %squeeze3A_451 : i32 to index
          %swap3A_472 = arith.constant 0 : index
          %swap3A_473 = tpu.vector_load %arg16[%swap3A_471, %swap3A_472] {strides = array<i32>} : memref<3129x16xf32, #tpu.memory_space<vmem>>, vector<16xf32>,
          tpu.vector_store %arg16[%swap3A_471, %swap3A_472], %add3A_470 {strides = array<i32>} : memref<3129x16xf32, #tpu.memory_space<vmem>>, vector<16xf32>,
          %slice3A_474 = vector.extract_strided_slice %get3A_380 {offsets = [4], sizes = [1], strides = [1]} : vector<16xi32> to vector<1xi32>
          %squeeze3A_475 = vector.extract %slice3A_474[0] : i32 from vector<1xi32>
          %mul3A_476 = arith.constant 16 : i32
          %mul3A_477 = arith.muli %add3A_376, %mul3A_476 : i32
          %add3A_478 = arith.constant 4 : i32
          %add3A_479 = arith.addi %mul3A_477, %add3A_478 : i32
          %get3A_480 = arith.index_cast %rem3A_133 : i32 to index
          %get3A_481 = arith.index_cast %add3A_479 : i32 to index
          %get3A_482 = arith.constant 0 : index
          %get3A_483 = tpu.vector_load %arg12[%get3A_480, %get3A_481, %get3A_482] {strides = array<i32>} : memref<2x128x16xf32, #tpu.memory_space<vmem>>, vector<16xf32>,
          %get3A_484 = arith.index_cast %squeeze3A_475 : i32 to index
          %get3A_485 = arith.constant 0 : index
          %get3A_486 = tpu.vector_load %arg15[%get3A_484, %get3A_485] {strides = array<i32>} : memref<3129x16xf32, #tpu.memory_space<vmem>>, vector<16xf32>,
          %max3A_487 = arith.maximumf %get3A_486, %get3A_483 : vector<16xf32>
          %swap3A_488 = arith.index_cast %squeeze3A_475 : i32 to index
          %swap3A_489 = arith.constant 0 : index
          %swap3A_490 = tpu.vector_load %arg15[%swap3A_488, %swap3A_489] {strides = array<i32>} : memref<3129x16xf32, #tpu.memory_space<vmem>>, vector<16xf32>,
          tpu.vector_store %arg15[%swap3A_488, %swap3A_489], %max3A_487 {strides = array<i32>} : memref<3129x16xf32, #tpu.memory_space<vmem>>, vector<16xf32>,
          %get3A_491 = arith.index_cast %squeeze3A_475 : i32 to index
          %get3A_492 = arith.constant 0 : index
          %get3A_493 = tpu.vector_load %arg16[%get3A_491, %get3A_492] {strides = array<i32>} : memref<3129x16xf32, #tpu.memory_space<vmem>>, vector<16xf32>,
          %add3A_494 = arith.addf %get3A_493, %get3A_483 : vector<16xf32>
          %swap3A_495 = arith.index_cast %squeeze3A_475 : i32 to index
          %swap3A_496 = arith.constant 0 : index
          %swap3A_497 = tpu.vector_load %arg16[%swap3A_495, %swap3A_496] {strides = array<i32>} : memref<3129x16xf32, #tpu.memory_space<vmem>>, vector<16xf32>,
          tpu.vector_store %arg16[%swap3A_495, %swap3A_496], %add3A_494 {strides = array<i32>} : memref<3129x16xf32, #tpu.memory_space<vmem>>, vector<16xf32>,
          %slice3A_498 = vector.extract_strided_slice %get3A_380 {offsets = [5], sizes = [1], strides = [1]} : vector<16xi32> to vector<1xi32>
          %squeeze3A_499 = vector.extract %slice3A_498[0] : i32 from vector<1xi32>
          %mul3A_500 = arith.constant 16 : i32
          %mul3A_501 = arith.muli %add3A_376, %mul3A_500 : i32
          %add3A_502 = arith.constant 5 : i32
          %add3A_503 = arith.addi %mul3A_501, %add3A_502 : i32
          %get3A_504 = arith.index_cast %rem3A_133 : i32 to index
          %get3A_505 = arith.index_cast %add3A_503 : i32 to index
          %get3A_506 = arith.constant 0 : index
          %get3A_507 = tpu.vector_load %arg12[%get3A_504, %get3A_505, %get3A_506] {strides = array<i32>} : memref<2x128x16xf32, #tpu.memory_space<vmem>>, vector<16xf32>,
          %get3A_508 = arith.index_cast %squeeze3A_499 : i32 to index
          %get3A_509 = arith.constant 0 : index
          %get3A_510 = tpu.vector_load %arg15[%get3A_508, %get3A_509] {strides = array<i32>} : memref<3129x16xf32, #tpu.memory_space<vmem>>, vector<16xf32>,
          %max3A_511 = arith.maximumf %get3A_510, %get3A_507 : vector<16xf32>
          %swap3A_512 = arith.index_cast %squeeze3A_499 : i32 to index
          %swap3A_513 = arith.constant 0 : index
          %swap3A_514 = tpu.vector_load %arg15[%swap3A_512, %swap3A_513] {strides = array<i32>} : memref<3129x16xf32, #tpu.memory_space<vmem>>, vector<16xf32>,
          tpu.vector_store %arg15[%swap3A_512, %swap3A_513], %max3A_511 {strides = array<i32>} : memref<3129x16xf32, #tpu.memory_space<vmem>>, vector<16xf32>,
          %get3A_515 = arith.index_cast %squeeze3A_499 : i32 to index
          %get3A_516 = arith.constant 0 : index
          %get3A_517 = tpu.vector_load %arg16[%get3A_515, %get3A_516] {strides = array<i32>} : memref<3129x16xf32, #tpu.memory_space<vmem>>, vector<16xf32>,
          %add3A_518 = arith.addf %get3A_517, %get3A_507 : vector<16xf32>
          %swap3A_519 = arith.index_cast %squeeze3A_499 : i32 to index
          %swap3A_520 = arith.constant 0 : index
          %swap3A_521 = tpu.vector_load %arg16[%swap3A_519, %swap3A_520] {strides = array<i32>} : memref<3129x16xf32, #tpu.memory_space<vmem>>, vector<16xf32>,
          tpu.vector_store %arg16[%swap3A_519, %swap3A_520], %add3A_518 {strides = array<i32>} : memref<3129x16xf32, #tpu.memory_space<vmem>>, vector<16xf32>,
          %slice3A_522 = vector.extract_strided_slice %get3A_380 {offsets = [6], sizes = [1], strides = [1]} : vector<16xi32> to vector<1xi32>
          %squeeze3A_523 = vector.extract %slice3A_522[0] : i32 from vector<1xi32>
          %mul3A_524 = arith.constant 16 : i32
          %mul3A_525 = arith.muli %add3A_376, %mul3A_524 : i32
          %add3A_526 = arith.constant 6 : i32
          %add3A_527 = arith.addi %mul3A_525, %add3A_526 : i32
          %get3A_528 = arith.index_cast %rem3A_133 : i32 to index
          %get3A_529 = arith.index_cast %add3A_527 : i32 to index
          %get3A_530 = arith.constant 0 : index
          %get3A_531 = tpu.vector_load %arg12[%get3A_528, %get3A_529, %get3A_530] {strides = array<i32>} : memref<2x128x16xf32, #tpu.memory_space<vmem>>, vector<16xf32>,
          %get3A_532 = arith.index_cast %squeeze3A_523 : i32 to index
          %get3A_533 = arith.constant 0 : index
          %get3A_534 = tpu.vector_load %arg15[%get3A_532, %get3A_533] {strides = array<i32>} : memref<3129x16xf32, #tpu.memory_space<vmem>>, vector<16xf32>,
          %max3A_535 = arith.maximumf %get3A_534, %get3A_531 : vector<16xf32>
          %swap3A_536 = arith.index_cast %squeeze3A_523 : i32 to index
          %swap3A_537 = arith.constant 0 : index
          %swap3A_538 = tpu.vector_load %arg15[%swap3A_536, %swap3A_537] {strides = array<i32>} : memref<3129x16xf32, #tpu.memory_space<vmem>>, vector<16xf32>,
          tpu.vector_store %arg15[%swap3A_536, %swap3A_537], %max3A_535 {strides = array<i32>} : memref<3129x16xf32, #tpu.memory_space<vmem>>, vector<16xf32>,
          %get3A_539 = arith.index_cast %squeeze3A_523 : i32 to index
          %get3A_540 = arith.constant 0 : index
          %get3A_541 = tpu.vector_load %arg16[%get3A_539, %get3A_540] {strides = array<i32>} : memref<3129x16xf32, #tpu.memory_space<vmem>>, vector<16xf32>,
          %add3A_542 = arith.addf %get3A_541, %get3A_531 : vector<16xf32>
          %swap3A_543 = arith.index_cast %squeeze3A_523 : i32 to index
          %swap3A_544 = arith.constant 0 : index
          %swap3A_545 = tpu.vector_load %arg16[%swap3A_543, %swap3A_544] {strides = array<i32>} : memref<3129x16xf32, #tpu.memory_space<vmem>>, vector<16xf32>,
          tpu.vector_store %arg16[%swap3A_543, %swap3A_544], %add3A_542 {strides = array<i32>} : memref<3129x16xf32, #tpu.memory_space<vmem>>, vector<16xf32>,
          %slice3A_546 = vector.extract_strided_slice %get3A_380 {offsets = [7], sizes = [1], strides = [1]} : vector<16xi32> to vector<1xi32>
          %squeeze3A_547 = vector.extract %slice3A_546[0] : i32 from vector<1xi32>
          %mul3A_548 = arith.constant 16 : i32
          %mul3A_549 = arith.muli %add3A_376, %mul3A_548 : i32
          %add3A_550 = arith.constant 7 : i32
          %add3A_551 = arith.addi %mul3A_549, %add3A_550 : i32
          %get3A_552 = arith.index_cast %rem3A_133 : i32 to index
          %get3A_553 = arith.index_cast %add3A_551 : i32 to index
          %get3A_554 = arith.constant 0 : index
          %get3A_555 = tpu.vector_load %arg12[%get3A_552, %get3A_553, %get3A_554] {strides = array<i32>} : memref<2x128x16xf32, #tpu.memory_space<vmem>>, vector<16xf32>,
          %get3A_556 = arith.index_cast %squeeze3A_547 : i32 to index
          %get3A_557 = arith.constant 0 : index
          %get3A_558 = tpu.vector_load %arg15[%get3A_556, %get3A_557] {strides = array<i32>} : memref<3129x16xf32, #tpu.memory_space<vmem>>, vector<16xf32>,
          %max3A_559 = arith.maximumf %get3A_558, %get3A_555 : vector<16xf32>
          %swap3A_560 = arith.index_cast %squeeze3A_547 : i32 to index
          %swap3A_561 = arith.constant 0 : index
          %swap3A_562 = tpu.vector_load %arg15[%swap3A_560, %swap3A_561] {strides = array<i32>} : memref<3129x16xf32, #tpu.memory_space<vmem>>, vector<16xf32>,
          tpu.vector_store %arg15[%swap3A_560, %swap3A_561], %max3A_559 {strides = array<i32>} : memref<3129x16xf32, #tpu.memory_space<vmem>>, vector<16xf32>,
          %get3A_563 = arith.index_cast %squeeze3A_547 : i32 to index
          %get3A_564 = arith.constant 0 : index
          %get3A_565 = tpu.vector_load %arg16[%get3A_563, %get3A_564] {strides = array<i32>} : memref<3129x16xf32, #tpu.memory_space<vmem>>, vector<16xf32>,
          %add3A_566 = arith.addf %get3A_565, %get3A_555 : vector<16xf32>
          %swap3A_567 = arith.index_cast %squeeze3A_547 : i32 to index
          %swap3A_568 = arith.constant 0 : index
          %swap3A_569 = tpu.vector_load %arg16[%swap3A_567, %swap3A_568] {strides = array<i32>} : memref<3129x16xf32, #tpu.memory_space<vmem>>, vector<16xf32>,
          tpu.vector_store %arg16[%swap3A_567, %swap3A_568], %add3A_566 {strides = array<i32>} : memref<3129x16xf32, #tpu.memory_space<vmem>>, vector<16xf32>,
          %slice3A_570 = vector.extract_strided_slice %get3A_380 {offsets = [8], sizes = [1], strides = [1]} : vector<16xi32> to vector<1xi32>
          %squeeze3A_571 = vector.extract %slice3A_570[0] : i32 from vector<1xi32>
          %mul3A_572 = arith.constant 16 : i32
          %mul3A_573 = arith.muli %add3A_376, %mul3A_572 : i32
          %add3A_574 = arith.constant 8 : i32
          %add3A_575 = arith.addi %mul3A_573, %add3A_574 : i32
          %get3A_576 = arith.index_cast %rem3A_133 : i32 to index
          %get3A_577 = arith.index_cast %add3A_575 : i32 to index
          %get3A_578 = arith.constant 0 : index
          %get3A_579 = tpu.vector_load %arg12[%get3A_576, %get3A_577, %get3A_578] {strides = array<i32>} : memref<2x128x16xf32, #tpu.memory_space<vmem>>, vector<16xf32>,
          %get3A_580 = arith.index_cast %squeeze3A_571 : i32 to index
          %get3A_581 = arith.constant 0 : index
          %get3A_582 = tpu.vector_load %arg15[%get3A_580, %get3A_581] {strides = array<i32>} : memref<3129x16xf32, #tpu.memory_space<vmem>>, vector<16xf32>,
          %max3A_583 = arith.maximumf %get3A_582, %get3A_579 : vector<16xf32>
          %swap3A_584 = arith.index_cast %squeeze3A_571 : i32 to index
          %swap3A_585 = arith.constant 0 : index
          %swap3A_586 = tpu.vector_load %arg15[%swap3A_584, %swap3A_585] {strides = array<i32>} : memref<3129x16xf32, #tpu.memory_space<vmem>>, vector<16xf32>,
          tpu.vector_store %arg15[%swap3A_584, %swap3A_585], %max3A_583 {strides = array<i32>} : memref<3129x16xf32, #tpu.memory_space<vmem>>, vector<16xf32>,
          %get3A_587 = arith.index_cast %squeeze3A_571 : i32 to index
          %get3A_588 = arith.constant 0 : index
          %get3A_589 = tpu.vector_load %arg16[%get3A_587, %get3A_588] {strides = array<i32>} : memref<3129x16xf32, #tpu.memory_space<vmem>>, vector<16xf32>,
          %add3A_590 = arith.addf %get3A_589, %get3A_579 : vector<16xf32>
          %swap3A_591 = arith.index_cast %squeeze3A_571 : i32 to index
          %swap3A_592 = arith.constant 0 : index
          %swap3A_593 = tpu.vector_load %arg16[%swap3A_591, %swap3A_592] {strides = array<i32>} : memref<3129x16xf32, #tpu.memory_space<vmem>>, vector<16xf32>,
          tpu.vector_store %arg16[%swap3A_591, %swap3A_592], %add3A_590 {strides = array<i32>} : memref<3129x16xf32, #tpu.memory_space<vmem>>, vector<16xf32>,
          %slice3A_594 = vector.extract_strided_slice %get3A_380 {offsets = [9], sizes = [1], strides = [1]} : vector<16xi32> to vector<1xi32>
          %squeeze3A_595 = vector.extract %slice3A_594[0] : i32 from vector<1xi32>
          %mul3A_596 = arith.constant 16 : i32
          %mul3A_597 = arith.muli %add3A_376, %mul3A_596 : i32
          %add3A_598 = arith.constant 9 : i32
          %add3A_599 = arith.addi %mul3A_597, %add3A_598 : i32
          %get3A_600 = arith.index_cast %rem3A_133 : i32 to index
          %get3A_601 = arith.index_cast %add3A_599 : i32 to index
          %get3A_602 = arith.constant 0 : index
          %get3A_603 = tpu.vector_load %arg12[%get3A_600, %get3A_601, %get3A_602] {strides = array<i32>} : memref<2x128x16xf32, #tpu.memory_space<vmem>>, vector<16xf32>,
          %get3A_604 = arith.index_cast %squeeze3A_595 : i32 to index
          %get3A_605 = arith.constant 0 : index
          %get3A_606 = tpu.vector_load %arg15[%get3A_604, %get3A_605] {strides = array<i32>} : memref<3129x16xf32, #tpu.memory_space<vmem>>, vector<16xf32>,
          %max3A_607 = arith.maximumf %get3A_606, %get3A_603 : vector<16xf32>
          %swap3A_608 = arith.index_cast %squeeze3A_595 : i32 to index
          %swap3A_609 = arith.constant 0 : index
          %swap3A_610 = tpu.vector_load %arg15[%swap3A_608, %swap3A_609] {strides = array<i32>} : memref<3129x16xf32, #tpu.memory_space<vmem>>, vector<16xf32>,
          tpu.vector_store %arg15[%swap3A_608, %swap3A_609], %max3A_607 {strides = array<i32>} : memref<3129x16xf32, #tpu.memory_space<vmem>>, vector<16xf32>,
          %get3A_611 = arith.index_cast %squeeze3A_595 : i32 to index
          %get3A_612 = arith.constant 0 : index
          %get3A_613 = tpu.vector_load %arg16[%get3A_611, %get3A_612] {strides = array<i32>} : memref<3129x16xf32, #tpu.memory_space<vmem>>, vector<16xf32>,
          %add3A_614 = arith.addf %get3A_613, %get3A_603 : vector<16xf32>
          %swap3A_615 = arith.index_cast %squeeze3A_595 : i32 to index
          %swap3A_616 = arith.constant 0 : index
          %swap3A_617 = tpu.vector_load %arg16[%swap3A_615, %swap3A_616] {strides = array<i32>} : memref<3129x16xf32, #tpu.memory_space<vmem>>, vector<16xf32>,
          tpu.vector_store %arg16[%swap3A_615, %swap3A_616], %add3A_614 {strides = array<i32>} : memref<3129x16xf32, #tpu.memory_space<vmem>>, vector<16xf32>,
          %slice3A_618 = vector.extract_strided_slice %get3A_380 {offsets = [10], sizes = [1], strides = [1]} : vector<16xi32> to vector<1xi32>
          %squeeze3A_619 = vector.extract %slice3A_618[0] : i32 from vector<1xi32>
          %mul3A_620 = arith.constant 16 : i32
          %mul3A_621 = arith.muli %add3A_376, %mul3A_620 : i32
          %add3A_622 = arith.constant 10 : i32
          %add3A_623 = arith.addi %mul3A_621, %add3A_622 : i32
          %get3A_624 = arith.index_cast %rem3A_133 : i32 to index
          %get3A_625 = arith.index_cast %add3A_623 : i32 to index
          %get3A_626 = arith.constant 0 : index
          %get3A_627 = tpu.vector_load %arg12[%get3A_624, %get3A_625, %get3A_626] {strides = array<i32>} : memref<2x128x16xf32, #tpu.memory_space<vmem>>, vector<16xf32>,
          %get3A_628 = arith.index_cast %squeeze3A_619 : i32 to index
          %get3A_629 = arith.constant 0 : index
          %get3A_630 = tpu.vector_load %arg15[%get3A_628, %get3A_629] {strides = array<i32>} : memref<3129x16xf32, #tpu.memory_space<vmem>>, vector<16xf32>,
          %max3A_631 = arith.maximumf %get3A_630, %get3A_627 : vector<16xf32>
          %swap3A_632 = arith.index_cast %squeeze3A_619 : i32 to index
          %swap3A_633 = arith.constant 0 : index
          %swap3A_634 = tpu.vector_load %arg15[%swap3A_632, %swap3A_633] {strides = array<i32>} : memref<3129x16xf32, #tpu.memory_space<vmem>>, vector<16xf32>,
          tpu.vector_store %arg15[%swap3A_632, %swap3A_633], %max3A_631 {strides = array<i32>} : memref<3129x16xf32, #tpu.memory_space<vmem>>, vector<16xf32>,
          %get3A_635 = arith.index_cast %squeeze3A_619 : i32 to index
          %get3A_636 = arith.constant 0 : index
          %get3A_637 = tpu.vector_load %arg16[%get3A_635, %get3A_636] {strides = array<i32>} : memref<3129x16xf32, #tpu.memory_space<vmem>>, vector<16xf32>,
          %add3A_638 = arith.addf %get3A_637, %get3A_627 : vector<16xf32>
          %swap3A_639 = arith.index_cast %squeeze3A_619 : i32 to index
          %swap3A_640 = arith.constant 0 : index
          %swap3A_641 = tpu.vector_load %arg16[%swap3A_639, %swap3A_640] {strides = array<i32>} : memref<3129x16xf32, #tpu.memory_space<vmem>>, vector<16xf32>,
          tpu.vector_store %arg16[%swap3A_639, %swap3A_640], %add3A_638 {strides = array<i32>} : memref<3129x16xf32, #tpu.memory_space<vmem>>, vector<16xf32>,
          %slice3A_642 = vector.extract_strided_slice %get3A_380 {offsets = [11], sizes = [1], strides = [1]} : vector<16xi32> to vector<1xi32>
          %squeeze3A_643 = vector.extract %slice3A_642[0] : i32 from vector<1xi32>
          %mul3A_644 = arith.constant 16 : i32
          %mul3A_645 = arith.muli %add3A_376, %mul3A_644 : i32
          %add3A_646 = arith.constant 11 : i32
          %add3A_647 = arith.addi %mul3A_645, %add3A_646 : i32
          %get3A_648 = arith.index_cast %rem3A_133 : i32 to index
          %get3A_649 = arith.index_cast %add3A_647 : i32 to index
          %get3A_650 = arith.constant 0 : index
          %get3A_651 = tpu.vector_load %arg12[%get3A_648, %get3A_649, %get3A_650] {strides = array<i32>} : memref<2x128x16xf32, #tpu.memory_space<vmem>>, vector<16xf32>,
          %get3A_652 = arith.index_cast %squeeze3A_643 : i32 to index
          %get3A_653 = arith.constant 0 : index
          %get3A_654 = tpu.vector_load %arg15[%get3A_652, %get3A_653] {strides = array<i32>} : memref<3129x16xf32, #tpu.memory_space<vmem>>, vector<16xf32>,
          %max3A_655 = arith.maximumf %get3A_654, %get3A_651 : vector<16xf32>
          %swap3A_656 = arith.index_cast %squeeze3A_643 : i32 to index
          %swap3A_657 = arith.constant 0 : index
          %swap3A_658 = tpu.vector_load %arg15[%swap3A_656, %swap3A_657] {strides = array<i32>} : memref<3129x16xf32, #tpu.memory_space<vmem>>, vector<16xf32>,
          tpu.vector_store %arg15[%swap3A_656, %swap3A_657], %max3A_655 {strides = array<i32>} : memref<3129x16xf32, #tpu.memory_space<vmem>>, vector<16xf32>,
          %get3A_659 = arith.index_cast %squeeze3A_643 : i32 to index
          %get3A_660 = arith.constant 0 : index
          %get3A_661 = tpu.vector_load %arg16[%get3A_659, %get3A_660] {strides = array<i32>} : memref<3129x16xf32, #tpu.memory_space<vmem>>, vector<16xf32>,
          %add3A_662 = arith.addf %get3A_661, %get3A_651 : vector<16xf32>
          %swap3A_663 = arith.index_cast %squeeze3A_643 : i32 to index
          %swap3A_664 = arith.constant 0 : index
          %swap3A_665 = tpu.vector_load %arg16[%swap3A_663, %swap3A_664] {strides = array<i32>} : memref<3129x16xf32, #tpu.memory_space<vmem>>, vector<16xf32>,
          tpu.vector_store %arg16[%swap3A_663, %swap3A_664], %add3A_662 {strides = array<i32>} : memref<3129x16xf32, #tpu.memory_space<vmem>>, vector<16xf32>,
          %slice3A_666 = vector.extract_strided_slice %get3A_380 {offsets = [12], sizes = [1], strides = [1]} : vector<16xi32> to vector<1xi32>
          %squeeze3A_667 = vector.extract %slice3A_666[0] : i32 from vector<1xi32>
          %mul3A_668 = arith.constant 16 : i32
          %mul3A_669 = arith.muli %add3A_376, %mul3A_668 : i32
          %add3A_670 = arith.constant 12 : i32
          %add3A_671 = arith.addi %mul3A_669, %add3A_670 : i32
          %get3A_672 = arith.index_cast %rem3A_133 : i32 to index
          %get3A_673 = arith.index_cast %add3A_671 : i32 to index
          %get3A_674 = arith.constant 0 : index
          %get3A_675 = tpu.vector_load %arg12[%get3A_672, %get3A_673, %get3A_674] {strides = array<i32>} : memref<2x128x16xf32, #tpu.memory_space<vmem>>, vector<16xf32>,
          %get3A_676 = arith.index_cast %squeeze3A_667 : i32 to index
          %get3A_677 = arith.constant 0 : index
          %get3A_678 = tpu.vector_load %arg15[%get3A_676, %get3A_677] {strides = array<i32>} : memref<3129x16xf32, #tpu.memory_space<vmem>>, vector<16xf32>,
          %max3A_679 = arith.maximumf %get3A_678, %get3A_675 : vector<16xf32>
          %swap3A_680 = arith.index_cast %squeeze3A_667 : i32 to index
          %swap3A_681 = arith.constant 0 : index
          %swap3A_682 = tpu.vector_load %arg15[%swap3A_680, %swap3A_681] {strides = array<i32>} : memref<3129x16xf32, #tpu.memory_space<vmem>>, vector<16xf32>,
          tpu.vector_store %arg15[%swap3A_680, %swap3A_681], %max3A_679 {strides = array<i32>} : memref<3129x16xf32, #tpu.memory_space<vmem>>, vector<16xf32>,
          %get3A_683 = arith.index_cast %squeeze3A_667 : i32 to index
          %get3A_684 = arith.constant 0 : index
          %get3A_685 = tpu.vector_load %arg16[%get3A_683, %get3A_684] {strides = array<i32>} : memref<3129x16xf32, #tpu.memory_space<vmem>>, vector<16xf32>,
          %add3A_686 = arith.addf %get3A_685, %get3A_675 : vector<16xf32>
          %swap3A_687 = arith.index_cast %squeeze3A_667 : i32 to index
          %swap3A_688 = arith.constant 0 : index
          %swap3A_689 = tpu.vector_load %arg16[%swap3A_687, %swap3A_688] {strides = array<i32>} : memref<3129x16xf32, #tpu.memory_space<vmem>>, vector<16xf32>,
          tpu.vector_store %arg16[%swap3A_687, %swap3A_688], %add3A_686 {strides = array<i32>} : memref<3129x16xf32, #tpu.memory_space<vmem>>, vector<16xf32>,
          %slice3A_690 = vector.extract_strided_slice %get3A_380 {offsets = [13], sizes = [1], strides = [1]} : vector<16xi32> to vector<1xi32>
          %squeeze3A_691 = vector.extract %slice3A_690[0] : i32 from vector<1xi32>
          %mul3A_692 = arith.constant 16 : i32
          %mul3A_693 = arith.muli %add3A_376, %mul3A_692 : i32
          %add3A_694 = arith.constant 13 : i32
          %add3A_695 = arith.addi %mul3A_693, %add3A_694 : i32
          %get3A_696 = arith.index_cast %rem3A_133 : i32 to index
          %get3A_697 = arith.index_cast %add3A_695 : i32 to index
          %get3A_698 = arith.constant 0 : index
          %get3A_699 = tpu.vector_load %arg12[%get3A_696, %get3A_697, %get3A_698] {strides = array<i32>} : memref<2x128x16xf32, #tpu.memory_space<vmem>>, vector<16xf32>,
          %get3A_700 = arith.index_cast %squeeze3A_691 : i32 to index
          %get3A_701 = arith.constant 0 : index
          %get3A_702 = tpu.vector_load %arg15[%get3A_700, %get3A_701] {strides = array<i32>} : memref<3129x16xf32, #tpu.memory_space<vmem>>, vector<16xf32>,
          %max3A_703 = arith.maximumf %get3A_702, %get3A_699 : vector<16xf32>
          %swap3A_704 = arith.index_cast %squeeze3A_691 : i32 to index
          %swap3A_705 = arith.constant 0 : index
          %swap3A_706 = tpu.vector_load %arg15[%swap3A_704, %swap3A_705] {strides = array<i32>} : memref<3129x16xf32, #tpu.memory_space<vmem>>, vector<16xf32>,
          tpu.vector_store %arg15[%swap3A_704, %swap3A_705], %max3A_703 {strides = array<i32>} : memref<3129x16xf32, #tpu.memory_space<vmem>>, vector<16xf32>,
          %get3A_707 = arith.index_cast %squeeze3A_691 : i32 to index
          %get3A_708 = arith.constant 0 : index
          %get3A_709 = tpu.vector_load %arg16[%get3A_707, %get3A_708] {strides = array<i32>} : memref<3129x16xf32, #tpu.memory_space<vmem>>, vector<16xf32>,
          %add3A_710 = arith.addf %get3A_709, %get3A_699 : vector<16xf32>
          %swap3A_711 = arith.index_cast %squeeze3A_691 : i32 to index
          %swap3A_712 = arith.constant 0 : index
          %swap3A_713 = tpu.vector_load %arg16[%swap3A_711, %swap3A_712] {strides = array<i32>} : memref<3129x16xf32, #tpu.memory_space<vmem>>, vector<16xf32>,
          tpu.vector_store %arg16[%swap3A_711, %swap3A_712], %add3A_710 {strides = array<i32>} : memref<3129x16xf32, #tpu.memory_space<vmem>>, vector<16xf32>,
          %slice3A_714 = vector.extract_strided_slice %get3A_380 {offsets = [14], sizes = [1], strides = [1]} : vector<16xi32> to vector<1xi32>
          %squeeze3A_715 = vector.extract %slice3A_714[0] : i32 from vector<1xi32>
          %mul3A_716 = arith.constant 16 : i32
          %mul3A_717 = arith.muli %add3A_376, %mul3A_716 : i32
          %add3A_718 = arith.constant 14 : i32
          %add3A_719 = arith.addi %mul3A_717, %add3A_718 : i32
          %get3A_720 = arith.index_cast %rem3A_133 : i32 to index
          %get3A_721 = arith.index_cast %add3A_719 : i32 to index
          %get3A_722 = arith.constant 0 : index
          %get3A_723 = tpu.vector_load %arg12[%get3A_720, %get3A_721, %get3A_722] {strides = array<i32>} : memref<2x128x16xf32, #tpu.memory_space<vmem>>, vector<16xf32>,
          %get3A_724 = arith.index_cast %squeeze3A_715 : i32 to index
          %get3A_725 = arith.constant 0 : index
          %get3A_726 = tpu.vector_load %arg15[%get3A_724, %get3A_725] {strides = array<i32>} : memref<3129x16xf32, #tpu.memory_space<vmem>>, vector<16xf32>,
          %max3A_727 = arith.maximumf %get3A_726, %get3A_723 : vector<16xf32>
          %swap3A_728 = arith.index_cast %squeeze3A_715 : i32 to index
          %swap3A_729 = arith.constant 0 : index
          %swap3A_730 = tpu.vector_load %arg15[%swap3A_728, %swap3A_729] {strides = array<i32>} : memref<3129x16xf32, #tpu.memory_space<vmem>>, vector<16xf32>,
          tpu.vector_store %arg15[%swap3A_728, %swap3A_729], %max3A_727 {strides = array<i32>} : memref<3129x16xf32, #tpu.memory_space<vmem>>, vector<16xf32>,
          %get3A_731 = arith.index_cast %squeeze3A_715 : i32 to index
          %get3A_732 = arith.constant 0 : index
          %get3A_733 = tpu.vector_load %arg16[%get3A_731, %get3A_732] {strides = array<i32>} : memref<3129x16xf32, #tpu.memory_space<vmem>>, vector<16xf32>,
          %add3A_734 = arith.addf %get3A_733, %get3A_723 : vector<16xf32>
          %swap3A_735 = arith.index_cast %squeeze3A_715 : i32 to index
          %swap3A_736 = arith.constant 0 : index
          %swap3A_737 = tpu.vector_load %arg16[%swap3A_735, %swap3A_736] {strides = array<i32>} : memref<3129x16xf32, #tpu.memory_space<vmem>>, vector<16xf32>,
          tpu.vector_store %arg16[%swap3A_735, %swap3A_736], %add3A_734 {strides = array<i32>} : memref<3129x16xf32, #tpu.memory_space<vmem>>, vector<16xf32>,
          %slice3A_738 = vector.extract_strided_slice %get3A_380 {offsets = [15], sizes = [1], strides = [1]} : vector<16xi32> to vector<1xi32>
          %squeeze3A_739 = vector.extract %slice3A_738[0] : i32 from vector<1xi32>
          %mul3A_740 = arith.constant 16 : i32
          %mul3A_741 = arith.muli %add3A_376, %mul3A_740 : i32
          %add3A_742 = arith.constant 15 : i32
          %add3A_743 = arith.addi %mul3A_741, %add3A_742 : i32
          %get3A_744 = arith.index_cast %rem3A_133 : i32 to index
          %get3A_745 = arith.index_cast %add3A_743 : i32 to index
          %get3A_746 = arith.constant 0 : index
          %get3A_747 = tpu.vector_load %arg12[%get3A_744, %get3A_745, %get3A_746] {strides = array<i32>} : memref<2x128x16xf32, #tpu.memory_space<vmem>>, vector<16xf32>,
          %get3A_748 = arith.index_cast %squeeze3A_739 : i32 to index
          %get3A_749 = arith.constant 0 : index
          %get3A_750 = tpu.vector_load %arg15[%get3A_748, %get3A_749] {strides = array<i32>} : memref<3129x16xf32, #tpu.memory_space<vmem>>, vector<16xf32>,
          %max3A_751 = arith.maximumf %get3A_750, %get3A_747 : vector<16xf32>
          %swap3A_752 = arith.index_cast %squeeze3A_739 : i32 to index
          %swap3A_753 = arith.constant 0 : index
          %swap3A_754 = tpu.vector_load %arg15[%swap3A_752, %swap3A_753] {strides = array<i32>} : memref<3129x16xf32, #tpu.memory_space<vmem>>, vector<16xf32>,
          tpu.vector_store %arg15[%swap3A_752, %swap3A_753], %max3A_751 {strides = array<i32>} : memref<3129x16xf32, #tpu.memory_space<vmem>>, vector<16xf32>,
          %get3A_755 = arith.index_cast %squeeze3A_739 : i32 to index
          %get3A_756 = arith.constant 0 : index
          %get3A_757 = tpu.vector_load %arg16[%get3A_755, %get3A_756] {strides = array<i32>} : memref<3129x16xf32, #tpu.memory_space<vmem>>, vector<16xf32>,
          %add3A_758 = arith.addf %get3A_757, %get3A_747 : vector<16xf32>
          %swap3A_759 = arith.index_cast %squeeze3A_739 : i32 to index
          %swap3A_760 = arith.constant 0 : index
          %swap3A_761 = tpu.vector_load %arg16[%swap3A_759, %swap3A_760] {strides = array<i32>} : memref<3129x16xf32, #tpu.memory_space<vmem>>, vector<16xf32>,
          tpu.vector_store %arg16[%swap3A_759, %swap3A_760], %add3A_758 {strides = array<i32>} : memref<3129x16xf32, #tpu.memory_space<vmem>>, vector<16xf32>,
        }
        %while3A_369 = arith.constant 1 : i32
        scf.for %while3A_374 = %while3A_367 to %while3A_363 step %while3A_369  : i32 {
          %mul3A_375 = arith.muli %while3A_374, %while3A_359 : i32
          %add3A_376 = arith.addi %while3A_360, %mul3A_375 : i32
          %mul3A_377 = arith.constant 16 : i32
          %mul3A_378 = arith.muli %add3A_376, %mul3A_377 : i32
          %get3A_379 = arith.index_cast %mul3A_378 : i32 to index
          %get3A_380 = tpu.vector_load %arg11[%get3A_379] {strides = array<i32>} : memref<128xi32, #tpu.memory_space<vmem>>, vector<16xi32>,
          %slice3A = vector.extract_strided_slice %get3A_380 {offsets = [0], sizes = [1], strides = [1]} : vector<16xi32> to vector<1xi32>
          %squeeze3A = vector.extract %slice3A[0] : i32 from vector<1xi32>
          %mul3A_381 = arith.constant 16 : i32
          %mul3A_382 = arith.muli %add3A_376, %mul3A_381 : i32
          %add3A_383 = arith.constant 0 : i32
          %add3A_384 = arith.addi %mul3A_382, %add3A_383 : i32
          %get3A_385 = arith.index_cast %rem3A_133 : i32 to index
          %get3A_386 = arith.index_cast %add3A_384 : i32 to index
          %get3A_387 = arith.constant 0 : index
          %get3A_388 = tpu.vector_load %arg12[%get3A_385, %get3A_386, %get3A_387] {strides = array<i32>} : memref<2x128x16xf32, #tpu.memory_space<vmem>>, vector<16xf32>,
          %get3A_389 = arith.index_cast %squeeze3A : i32 to index
          %get3A_390 = arith.constant 0 : index
          %get3A_391 = tpu.vector_load %arg15[%get3A_389, %get3A_390] {strides = array<i32>} : memref<3129x16xf32, #tpu.memory_space<vmem>>, vector<16xf32>,
          %max3A = arith.maximumf %get3A_391, %get3A_388 : vector<16xf32>
          %swap3A_392 = arith.index_cast %squeeze3A : i32 to index
          %swap3A_393 = arith.constant 0 : index
          %swap3A_394 = tpu.vector_load %arg15[%swap3A_392, %swap3A_393] {strides = array<i32>} : memref<3129x16xf32, #tpu.memory_space<vmem>>, vector<16xf32>,
          tpu.vector_store %arg15[%swap3A_392, %swap3A_393], %max3A {strides = array<i32>} : memref<3129x16xf32, #tpu.memory_space<vmem>>, vector<16xf32>,
          %get3A_395 = arith.index_cast %squeeze3A : i32 to index
          %get3A_396 = arith.constant 0 : index
          %get3A_397 = tpu.vector_load %arg16[%get3A_395, %get3A_396] {strides = array<i32>} : memref<3129x16xf32, #tpu.memory_space<vmem>>, vector<16xf32>,
          %add3A_398 = arith.addf %get3A_397, %get3A_388 : vector<16xf32>
          %swap3A_399 = arith.index_cast %squeeze3A : i32 to index
          %swap3A_400 = arith.constant 0 : index
          %swap3A_401 = tpu.vector_load %arg16[%swap3A_399, %swap3A_400] {strides = array<i32>} : memref<3129x16xf32, #tpu.memory_space<vmem>>, vector<16xf32>,
          tpu.vector_store %arg16[%swap3A_399, %swap3A_400], %add3A_398 {strides = array<i32>} : memref<3129x16xf32, #tpu.memory_space<vmem>>, vector<16xf32>,
          %slice3A_402 = vector.extract_strided_slice %get3A_380 {offsets = [1], sizes = [1], strides = [1]} : vector<16xi32> to vector<1xi32>
          %squeeze3A_403 = vector.extract %slice3A_402[0] : i32 from vector<1xi32>
          %mul3A_404 = arith.constant 16 : i32
          %mul3A_405 = arith.muli %add3A_376, %mul3A_404 : i32
          %add3A_406 = arith.constant 1 : i32
          %add3A_407 = arith.addi %mul3A_405, %add3A_406 : i32
          %get3A_408 = arith.index_cast %rem3A_133 : i32 to index
          %get3A_409 = arith.index_cast %add3A_407 : i32 to index
          %get3A_410 = arith.constant 0 : index
          %get3A_411 = tpu.vector_load %arg12[%get3A_408, %get3A_409, %get3A_410] {strides = array<i32>} : memref<2x128x16xf32, #tpu.memory_space<vmem>>, vector<16xf32>,
          %get3A_412 = arith.index_cast %squeeze3A_403 : i32 to index
          %get3A_413 = arith.constant 0 : index
          %get3A_414 = tpu.vector_load %arg15[%get3A_412, %get3A_413] {strides = array<i32>} : memref<3129x16xf32, #tpu.memory_space<vmem>>, vector<16xf32>,
          %max3A_415 = arith.maximumf %get3A_414, %get3A_411 : vector<16xf32>
          %swap3A_416 = arith.index_cast %squeeze3A_403 : i32 to index
          %swap3A_417 = arith.constant 0 : index
          %swap3A_418 = tpu.vector_load %arg15[%swap3A_416, %swap3A_417] {strides = array<i32>} : memref<3129x16xf32, #tpu.memory_space<vmem>>, vector<16xf32>,
          tpu.vector_store %arg15[%swap3A_416, %swap3A_417], %max3A_415 {strides = array<i32>} : memref<3129x16xf32, #tpu.memory_space<vmem>>, vector<16xf32>,
          %get3A_419 = arith.index_cast %squeeze3A_403 : i32 to index
          %get3A_420 = arith.constant 0 : index
          %get3A_421 = tpu.vector_load %arg16[%get3A_419, %get3A_420] {strides = array<i32>} : memref<3129x16xf32, #tpu.memory_space<vmem>>, vector<16xf32>,
          %add3A_422 = arith.addf %get3A_421, %get3A_411 : vector<16xf32>
          %swap3A_423 = arith.index_cast %squeeze3A_403 : i32 to index
          %swap3A_424 = arith.constant 0 : index
          %swap3A_425 = tpu.vector_load %arg16[%swap3A_423, %swap3A_424] {strides = array<i32>} : memref<3129x16xf32, #tpu.memory_space<vmem>>, vector<16xf32>,
          tpu.vector_store %arg16[%swap3A_423, %swap3A_424], %add3A_422 {strides = array<i32>} : memref<3129x16xf32, #tpu.memory_space<vmem>>, vector<16xf32>,
          %slice3A_426 = vector.extract_strided_slice %get3A_380 {offsets = [2], sizes = [1], strides = [1]} : vector<16xi32> to vector<1xi32>
          %squeeze3A_427 = vector.extract %slice3A_426[0] : i32 from vector<1xi32>
          %mul3A_428 = arith.constant 16 : i32
          %mul3A_429 = arith.muli %add3A_376, %mul3A_428 : i32
          %add3A_430 = arith.constant 2 : i32
          %add3A_431 = arith.addi %mul3A_429, %add3A_430 : i32
          %get3A_432 = arith.index_cast %rem3A_133 : i32 to index
          %get3A_433 = arith.index_cast %add3A_431 : i32 to index
          %get3A_434 = arith.constant 0 : index
          %get3A_435 = tpu.vector_load %arg12[%get3A_432, %get3A_433, %get3A_434] {strides = array<i32>} : memref<2x128x16xf32, #tpu.memory_space<vmem>>, vector<16xf32>,
          %get3A_436 = arith.index_cast %squeeze3A_427 : i32 to index
          %get3A_437 = arith.constant 0 : index
          %get3A_438 = tpu.vector_load %arg15[%get3A_436, %get3A_437] {strides = array<i32>} : memref<3129x16xf32, #tpu.memory_space<vmem>>, vector<16xf32>,
          %max3A_439 = arith.maximumf %get3A_438, %get3A_435 : vector<16xf32>
          %swap3A_440 = arith.index_cast %squeeze3A_427 : i32 to index
          %swap3A_441 = arith.constant 0 : index
          %swap3A_442 = tpu.vector_load %arg15[%swap3A_440, %swap3A_441] {strides = array<i32>} : memref<3129x16xf32, #tpu.memory_space<vmem>>, vector<16xf32>,
          tpu.vector_store %arg15[%swap3A_440, %swap3A_441], %max3A_439 {strides = array<i32>} : memref<3129x16xf32, #tpu.memory_space<vmem>>, vector<16xf32>,
          %get3A_443 = arith.index_cast %squeeze3A_427 : i32 to index
          %get3A_444 = arith.constant 0 : index
          %get3A_445 = tpu.vector_load %arg16[%get3A_443, %get3A_444] {strides = array<i32>} : memref<3129x16xf32, #tpu.memory_space<vmem>>, vector<16xf32>,
          %add3A_446 = arith.addf %get3A_445, %get3A_435 : vector<16xf32>
          %swap3A_447 = arith.index_cast %squeeze3A_427 : i32 to index
          %swap3A_448 = arith.constant 0 : index
          %swap3A_449 = tpu.vector_load %arg16[%swap3A_447, %swap3A_448] {strides = array<i32>} : memref<3129x16xf32, #tpu.memory_space<vmem>>, vector<16xf32>,
          tpu.vector_store %arg16[%swap3A_447, %swap3A_448], %add3A_446 {strides = array<i32>} : memref<3129x16xf32, #tpu.memory_space<vmem>>, vector<16xf32>,
          %slice3A_450 = vector.extract_strided_slice %get3A_380 {offsets = [3], sizes = [1], strides = [1]} : vector<16xi32> to vector<1xi32>
          %squeeze3A_451 = vector.extract %slice3A_450[0] : i32 from vector<1xi32>
          %mul3A_452 = arith.constant 16 : i32
          %mul3A_453 = arith.muli %add3A_376, %mul3A_452 : i32
          %add3A_454 = arith.constant 3 : i32
          %add3A_455 = arith.addi %mul3A_453, %add3A_454 : i32
          %get3A_456 = arith.index_cast %rem3A_133 : i32 to index
          %get3A_457 = arith.index_cast %add3A_455 : i32 to index
          %get3A_458 = arith.constant 0 : index
          %get3A_459 = tpu.vector_load %arg12[%get3A_456, %get3A_457, %get3A_458] {strides = array<i32>} : memref<2x128x16xf32, #tpu.memory_space<vmem>>, vector<16xf32>,
          %get3A_460 = arith.index_cast %squeeze3A_451 : i32 to index
          %get3A_461 = arith.constant 0 : index
          %get3A_462 = tpu.vector_load %arg15[%get3A_460, %get3A_461] {strides = array<i32>} : memref<3129x16xf32, #tpu.memory_space<vmem>>, vector<16xf32>,
          %max3A_463 = arith.maximumf %get3A_462, %get3A_459 : vector<16xf32>
          %swap3A_464 = arith.index_cast %squeeze3A_451 : i32 to index
          %swap3A_465 = arith.constant 0 : index
          %swap3A_466 = tpu.vector_load %arg15[%swap3A_464, %swap3A_465] {strides = array<i32>} : memref<3129x16xf32, #tpu.memory_space<vmem>>, vector<16xf32>,
          tpu.vector_store %arg15[%swap3A_464, %swap3A_465], %max3A_463 {strides = array<i32>} : memref<3129x16xf32, #tpu.memory_space<vmem>>, vector<16xf32>,
          %get3A_467 = arith.index_cast %squeeze3A_451 : i32 to index
          %get3A_468 = arith.constant 0 : index
          %get3A_469 = tpu.vector_load %arg16[%get3A_467, %get3A_468] {strides = array<i32>} : memref<3129x16xf32, #tpu.memory_space<vmem>>, vector<16xf32>,
          %add3A_470 = arith.addf %get3A_469, %get3A_459 : vector<16xf32>
          %swap3A_471 = arith.index_cast %squeeze3A_451 : i32 to index
          %swap3A_472 = arith.constant 0 : index
          %swap3A_473 = tpu.vector_load %arg16[%swap3A_471, %swap3A_472] {strides = array<i32>} : memref<3129x16xf32, #tpu.memory_space<vmem>>, vector<16xf32>,
          tpu.vector_store %arg16[%swap3A_471, %swap3A_472], %add3A_470 {strides = array<i32>} : memref<3129x16xf32, #tpu.memory_space<vmem>>, vector<16xf32>,
          %slice3A_474 = vector.extract_strided_slice %get3A_380 {offsets = [4], sizes = [1], strides = [1]} : vector<16xi32> to vector<1xi32>
          %squeeze3A_475 = vector.extract %slice3A_474[0] : i32 from vector<1xi32>
          %mul3A_476 = arith.constant 16 : i32
          %mul3A_477 = arith.muli %add3A_376, %mul3A_476 : i32
          %add3A_478 = arith.constant 4 : i32
          %add3A_479 = arith.addi %mul3A_477, %add3A_478 : i32
          %get3A_480 = arith.index_cast %rem3A_133 : i32 to index
          %get3A_481 = arith.index_cast %add3A_479 : i32 to index
          %get3A_482 = arith.constant 0 : index
          %get3A_483 = tpu.vector_load %arg12[%get3A_480, %get3A_481, %get3A_482] {strides = array<i32>} : memref<2x128x16xf32, #tpu.memory_space<vmem>>, vector<16xf32>,
          %get3A_484 = arith.index_cast %squeeze3A_475 : i32 to index
          %get3A_485 = arith.constant 0 : index
          %get3A_486 = tpu.vector_load %arg15[%get3A_484, %get3A_485] {strides = array<i32>} : memref<3129x16xf32, #tpu.memory_space<vmem>>, vector<16xf32>,
          %max3A_487 = arith.maximumf %get3A_486, %get3A_483 : vector<16xf32>
          %swap3A_488 = arith.index_cast %squeeze3A_475 : i32 to index
          %swap3A_489 = arith.constant 0 : index
          %swap3A_490 = tpu.vector_load %arg15[%swap3A_488, %swap3A_489] {strides = array<i32>} : memref<3129x16xf32, #tpu.memory_space<vmem>>, vector<16xf32>,
          tpu.vector_store %arg15[%swap3A_488, %swap3A_489], %max3A_487 {strides = array<i32>} : memref<3129x16xf32, #tpu.memory_space<vmem>>, vector<16xf32>,
          %get3A_491 = arith.index_cast %squeeze3A_475 : i32 to index
          %get3A_492 = arith.constant 0 : index
          %get3A_493 = tpu.vector_load %arg16[%get3A_491, %get3A_492] {strides = array<i32>} : memref<3129x16xf32, #tpu.memory_space<vmem>>, vector<16xf32>,
          %add3A_494 = arith.addf %get3A_493, %get3A_483 : vector<16xf32>
          %swap3A_495 = arith.index_cast %squeeze3A_475 : i32 to index
          %swap3A_496 = arith.constant 0 : index
          %swap3A_497 = tpu.vector_load %arg16[%swap3A_495, %swap3A_496] {strides = array<i32>} : memref<3129x16xf32, #tpu.memory_space<vmem>>, vector<16xf32>,
          tpu.vector_store %arg16[%swap3A_495, %swap3A_496], %add3A_494 {strides = array<i32>} : memref<3129x16xf32, #tpu.memory_space<vmem>>, vector<16xf32>,
          %slice3A_498 = vector.extract_strided_slice %get3A_380 {offsets = [5], sizes = [1], strides = [1]} : vector<16xi32> to vector<1xi32>
          %squeeze3A_499 = vector.extract %slice3A_498[0] : i32 from vector<1xi32>
          %mul3A_500 = arith.constant 16 : i32
          %mul3A_501 = arith.muli %add3A_376, %mul3A_500 : i32
          %add3A_502 = arith.constant 5 : i32
          %add3A_503 = arith.addi %mul3A_501, %add3A_502 : i32
          %get3A_504 = arith.index_cast %rem3A_133 : i32 to index
          %get3A_505 = arith.index_cast %add3A_503 : i32 to index
          %get3A_506 = arith.constant 0 : index
          %get3A_507 = tpu.vector_load %arg12[%get3A_504, %get3A_505, %get3A_506] {strides = array<i32>} : memref<2x128x16xf32, #tpu.memory_space<vmem>>, vector<16xf32>,
          %get3A_508 = arith.index_cast %squeeze3A_499 : i32 to index
          %get3A_509 = arith.constant 0 : index
          %get3A_510 = tpu.vector_load %arg15[%get3A_508, %get3A_509] {strides = array<i32>} : memref<3129x16xf32, #tpu.memory_space<vmem>>, vector<16xf32>,
          %max3A_511 = arith.maximumf %get3A_510, %get3A_507 : vector<16xf32>
          %swap3A_512 = arith.index_cast %squeeze3A_499 : i32 to index
          %swap3A_513 = arith.constant 0 : index
          %swap3A_514 = tpu.vector_load %arg15[%swap3A_512, %swap3A_513] {strides = array<i32>} : memref<3129x16xf32, #tpu.memory_space<vmem>>, vector<16xf32>,
          tpu.vector_store %arg15[%swap3A_512, %swap3A_513], %max3A_511 {strides = array<i32>} : memref<3129x16xf32, #tpu.memory_space<vmem>>, vector<16xf32>,
          %get3A_515 = arith.index_cast %squeeze3A_499 : i32 to index
          %get3A_516 = arith.constant 0 : index
          %get3A_517 = tpu.vector_load %arg16[%get3A_515, %get3A_516] {strides = array<i32>} : memref<3129x16xf32, #tpu.memory_space<vmem>>, vector<16xf32>,
          %add3A_518 = arith.addf %get3A_517, %get3A_507 : vector<16xf32>
          %swap3A_519 = arith.index_cast %squeeze3A_499 : i32 to index
          %swap3A_520 = arith.constant 0 : index
          %swap3A_521 = tpu.vector_load %arg16[%swap3A_519, %swap3A_520] {strides = array<i32>} : memref<3129x16xf32, #tpu.memory_space<vmem>>, vector<16xf32>,
          tpu.vector_store %arg16[%swap3A_519, %swap3A_520], %add3A_518 {strides = array<i32>} : memref<3129x16xf32, #tpu.memory_space<vmem>>, vector<16xf32>,
          %slice3A_522 = vector.extract_strided_slice %get3A_380 {offsets = [6], sizes = [1], strides = [1]} : vector<16xi32> to vector<1xi32>
          %squeeze3A_523 = vector.extract %slice3A_522[0] : i32 from vector<1xi32>
          %mul3A_524 = arith.constant 16 : i32
          %mul3A_525 = arith.muli %add3A_376, %mul3A_524 : i32
          %add3A_526 = arith.constant 6 : i32
          %add3A_527 = arith.addi %mul3A_525, %add3A_526 : i32
          %get3A_528 = arith.index_cast %rem3A_133 : i32 to index
          %get3A_529 = arith.index_cast %add3A_527 : i32 to index
          %get3A_530 = arith.constant 0 : index
          %get3A_531 = tpu.vector_load %arg12[%get3A_528, %get3A_529, %get3A_530] {strides = array<i32>} : memref<2x128x16xf32, #tpu.memory_space<vmem>>, vector<16xf32>,
          %get3A_532 = arith.index_cast %squeeze3A_523 : i32 to index
          %get3A_533 = arith.constant 0 : index
          %get3A_534 = tpu.vector_load %arg15[%get3A_532, %get3A_533] {strides = array<i32>} : memref<3129x16xf32, #tpu.memory_space<vmem>>, vector<16xf32>,
          %max3A_535 = arith.maximumf %get3A_534, %get3A_531 : vector<16xf32>
          %swap3A_536 = arith.index_cast %squeeze3A_523 : i32 to index
          %swap3A_537 = arith.constant 0 : index
          %swap3A_538 = tpu.vector_load %arg15[%swap3A_536, %swap3A_537] {strides = array<i32>} : memref<3129x16xf32, #tpu.memory_space<vmem>>, vector<16xf32>,
          tpu.vector_store %arg15[%swap3A_536, %swap3A_537], %max3A_535 {strides = array<i32>} : memref<3129x16xf32, #tpu.memory_space<vmem>>, vector<16xf32>,
          %get3A_539 = arith.index_cast %squeeze3A_523 : i32 to index
          %get3A_540 = arith.constant 0 : index
          %get3A_541 = tpu.vector_load %arg16[%get3A_539, %get3A_540] {strides = array<i32>} : memref<3129x16xf32, #tpu.memory_space<vmem>>, vector<16xf32>,
          %add3A_542 = arith.addf %get3A_541, %get3A_531 : vector<16xf32>
          %swap3A_543 = arith.index_cast %squeeze3A_523 : i32 to index
          %swap3A_544 = arith.constant 0 : index
          %swap3A_545 = tpu.vector_load %arg16[%swap3A_543, %swap3A_544] {strides = array<i32>} : memref<3129x16xf32, #tpu.memory_space<vmem>>, vector<16xf32>,
          tpu.vector_store %arg16[%swap3A_543, %swap3A_544], %add3A_542 {strides = array<i32>} : memref<3129x16xf32, #tpu.memory_space<vmem>>, vector<16xf32>,
          %slice3A_546 = vector.extract_strided_slice %get3A_380 {offsets = [7], sizes = [1], strides = [1]} : vector<16xi32> to vector<1xi32>
          %squeeze3A_547 = vector.extract %slice3A_546[0] : i32 from vector<1xi32>
          %mul3A_548 = arith.constant 16 : i32
          %mul3A_549 = arith.muli %add3A_376, %mul3A_548 : i32
          %add3A_550 = arith.constant 7 : i32
          %add3A_551 = arith.addi %mul3A_549, %add3A_550 : i32
          %get3A_552 = arith.index_cast %rem3A_133 : i32 to index
          %get3A_553 = arith.index_cast %add3A_551 : i32 to index
          %get3A_554 = arith.constant 0 : index
          %get3A_555 = tpu.vector_load %arg12[%get3A_552, %get3A_553, %get3A_554] {strides = array<i32>} : memref<2x128x16xf32, #tpu.memory_space<vmem>>, vector<16xf32>,
          %get3A_556 = arith.index_cast %squeeze3A_547 : i32 to index
          %get3A_557 = arith.constant 0 : index
          %get3A_558 = tpu.vector_load %arg15[%get3A_556, %get3A_557] {strides = array<i32>} : memref<3129x16xf32, #tpu.memory_space<vmem>>, vector<16xf32>,
          %max3A_559 = arith.maximumf %get3A_558, %get3A_555 : vector<16xf32>
          %swap3A_560 = arith.index_cast %squeeze3A_547 : i32 to index
          %swap3A_561 = arith.constant 0 : index
          %swap3A_562 = tpu.vector_load %arg15[%swap3A_560, %swap3A_561] {strides = array<i32>} : memref<3129x16xf32, #tpu.memory_space<vmem>>, vector<16xf32>,
          tpu.vector_store %arg15[%swap3A_560, %swap3A_561], %max3A_559 {strides = array<i32>} : memref<3129x16xf32, #tpu.memory_space<vmem>>, vector<16xf32>,
          %get3A_563 = arith.index_cast %squeeze3A_547 : i32 to index
          %get3A_564 = arith.constant 0 : index
          %get3A_565 = tpu.vector_load %arg16[%get3A_563, %get3A_564] {strides = array<i32>} : memref<3129x16xf32, #tpu.memory_space<vmem>>, vector<16xf32>,
          %add3A_566 = arith.addf %get3A_565, %get3A_555 : vector<16xf32>
          %swap3A_567 = arith.index_cast %squeeze3A_547 : i32 to index
          %swap3A_568 = arith.constant 0 : index
          %swap3A_569 = tpu.vector_load %arg16[%swap3A_567, %swap3A_568] {strides = array<i32>} : memref<3129x16xf32, #tpu.memory_space<vmem>>, vector<16xf32>,
          tpu.vector_store %arg16[%swap3A_567, %swap3A_568], %add3A_566 {strides = array<i32>} : memref<3129x16xf32, #tpu.memory_space<vmem>>, vector<16xf32>,
          %slice3A_570 = vector.extract_strided_slice %get3A_380 {offsets = [8], sizes = [1], strides = [1]} : vector<16xi32> to vector<1xi32>
          %squeeze3A_571 = vector.extract %slice3A_570[0] : i32 from vector<1xi32>
          %mul3A_572 = arith.constant 16 : i32
          %mul3A_573 = arith.muli %add3A_376, %mul3A_572 : i32
          %add3A_574 = arith.constant 8 : i32
          %add3A_575 = arith.addi %mul3A_573, %add3A_574 : i32
          %get3A_576 = arith.index_cast %rem3A_133 : i32 to index
          %get3A_577 = arith.index_cast %add3A_575 : i32 to index
          %get3A_578 = arith.constant 0 : index
          %get3A_579 = tpu.vector_load %arg12[%get3A_576, %get3A_577, %get3A_578] {strides = array<i32>} : memref<2x128x16xf32, #tpu.memory_space<vmem>>, vector<16xf32>,
          %get3A_580 = arith.index_cast %squeeze3A_571 : i32 to index
          %get3A_581 = arith.constant 0 : index
          %get3A_582 = tpu.vector_load %arg15[%get3A_580, %get3A_581] {strides = array<i32>} : memref<3129x16xf32, #tpu.memory_space<vmem>>, vector<16xf32>,
          %max3A_583 = arith.maximumf %get3A_582, %get3A_579 : vector<16xf32>
          %swap3A_584 = arith.index_cast %squeeze3A_571 : i32 to index
          %swap3A_585 = arith.constant 0 : index
          %swap3A_586 = tpu.vector_load %arg15[%swap3A_584, %swap3A_585] {strides = array<i32>} : memref<3129x16xf32, #tpu.memory_space<vmem>>, vector<16xf32>,
          tpu.vector_store %arg15[%swap3A_584, %swap3A_585], %max3A_583 {strides = array<i32>} : memref<3129x16xf32, #tpu.memory_space<vmem>>, vector<16xf32>,
          %get3A_587 = arith.index_cast %squeeze3A_571 : i32 to index
          %get3A_588 = arith.constant 0 : index
          %get3A_589 = tpu.vector_load %arg16[%get3A_587, %get3A_588] {strides = array<i32>} : memref<3129x16xf32, #tpu.memory_space<vmem>>, vector<16xf32>,
          %add3A_590 = arith.addf %get3A_589, %get3A_579 : vector<16xf32>
          %swap3A_591 = arith.index_cast %squeeze3A_571 : i32 to index
          %swap3A_592 = arith.constant 0 : index
          %swap3A_593 = tpu.vector_load %arg16[%swap3A_591, %swap3A_592] {strides = array<i32>} : memref<3129x16xf32, #tpu.memory_space<vmem>>, vector<16xf32>,
          tpu.vector_store %arg16[%swap3A_591, %swap3A_592], %add3A_590 {strides = array<i32>} : memref<3129x16xf32, #tpu.memory_space<vmem>>, vector<16xf32>,
          %slice3A_594 = vector.extract_strided_slice %get3A_380 {offsets = [9], sizes = [1], strides = [1]} : vector<16xi32> to vector<1xi32>
          %squeeze3A_595 = vector.extract %slice3A_594[0] : i32 from vector<1xi32>
          %mul3A_596 = arith.constant 16 : i32
          %mul3A_597 = arith.muli %add3A_376, %mul3A_596 : i32
          %add3A_598 = arith.constant 9 : i32
          %add3A_599 = arith.addi %mul3A_597, %add3A_598 : i32
          %get3A_600 = arith.index_cast %rem3A_133 : i32 to index
          %get3A_601 = arith.index_cast %add3A_599 : i32 to index
          %get3A_602 = arith.constant 0 : index
          %get3A_603 = tpu.vector_load %arg12[%get3A_600, %get3A_601, %get3A_602] {strides = array<i32>} : memref<2x128x16xf32, #tpu.memory_space<vmem>>, vector<16xf32>,
          %get3A_604 = arith.index_cast %squeeze3A_595 : i32 to index
          %get3A_605 = arith.constant 0 : index
          %get3A_606 = tpu.vector_load %arg15[%get3A_604, %get3A_605] {strides = array<i32>} : memref<3129x16xf32, #tpu.memory_space<vmem>>, vector<16xf32>,
          %max3A_607 = arith.maximumf %get3A_606, %get3A_603 : vector<16xf32>
          %swap3A_608 = arith.index_cast %squeeze3A_595 : i32 to index
          %swap3A_609 = arith.constant 0 : index
          %swap3A_610 = tpu.vector_load %arg15[%swap3A_608, %swap3A_609] {strides = array<i32>} : memref<3129x16xf32, #tpu.memory_space<vmem>>, vector<16xf32>,
          tpu.vector_store %arg15[%swap3A_608, %swap3A_609], %max3A_607 {strides = array<i32>} : memref<3129x16xf32, #tpu.memory_space<vmem>>, vector<16xf32>,
          %get3A_611 = arith.index_cast %squeeze3A_595 : i32 to index
          %get3A_612 = arith.constant 0 : index
          %get3A_613 = tpu.vector_load %arg16[%get3A_611, %get3A_612] {strides = array<i32>} : memref<3129x16xf32, #tpu.memory_space<vmem>>, vector<16xf32>,
          %add3A_614 = arith.addf %get3A_613, %get3A_603 : vector<16xf32>
          %swap3A_615 = arith.index_cast %squeeze3A_595 : i32 to index
          %swap3A_616 = arith.constant 0 : index
          %swap3A_617 = tpu.vector_load %arg16[%swap3A_615, %swap3A_616] {strides = array<i32>} : memref<3129x16xf32, #tpu.memory_space<vmem>>, vector<16xf32>,
          tpu.vector_store %arg16[%swap3A_615, %swap3A_616], %add3A_614 {strides = array<i32>} : memref<3129x16xf32, #tpu.memory_space<vmem>>, vector<16xf32>,
          %slice3A_618 = vector.extract_strided_slice %get3A_380 {offsets = [10], sizes = [1], strides = [1]} : vector<16xi32> to vector<1xi32>
          %squeeze3A_619 = vector.extract %slice3A_618[0] : i32 from vector<1xi32>
          %mul3A_620 = arith.constant 16 : i32
          %mul3A_621 = arith.muli %add3A_376, %mul3A_620 : i32
          %add3A_622 = arith.constant 10 : i32
          %add3A_623 = arith.addi %mul3A_621, %add3A_622 : i32
          %get3A_624 = arith.index_cast %rem3A_133 : i32 to index
          %get3A_625 = arith.index_cast %add3A_623 : i32 to index
          %get3A_626 = arith.constant 0 : index
          %get3A_627 = tpu.vector_load %arg12[%get3A_624, %get3A_625, %get3A_626] {strides = array<i32>} : memref<2x128x16xf32, #tpu.memory_space<vmem>>, vector<16xf32>,
          %get3A_628 = arith.index_cast %squeeze3A_619 : i32 to index
          %get3A_629 = arith.constant 0 : index
          %get3A_630 = tpu.vector_load %arg15[%get3A_628, %get3A_629] {strides = array<i32>} : memref<3129x16xf32, #tpu.memory_space<vmem>>, vector<16xf32>,
          %max3A_631 = arith.maximumf %get3A_630, %get3A_627 : vector<16xf32>
          %swap3A_632 = arith.index_cast %squeeze3A_619 : i32 to index
          %swap3A_633 = arith.constant 0 : index
          %swap3A_634 = tpu.vector_load %arg15[%swap3A_632, %swap3A_633] {strides = array<i32>} : memref<3129x16xf32, #tpu.memory_space<vmem>>, vector<16xf32>,
          tpu.vector_store %arg15[%swap3A_632, %swap3A_633], %max3A_631 {strides = array<i32>} : memref<3129x16xf32, #tpu.memory_space<vmem>>, vector<16xf32>,
          %get3A_635 = arith.index_cast %squeeze3A_619 : i32 to index
          %get3A_636 = arith.constant 0 : index
          %get3A_637 = tpu.vector_load %arg16[%get3A_635, %get3A_636] {strides = array<i32>} : memref<3129x16xf32, #tpu.memory_space<vmem>>, vector<16xf32>,
          %add3A_638 = arith.addf %get3A_637, %get3A_627 : vector<16xf32>
          %swap3A_639 = arith.index_cast %squeeze3A_619 : i32 to index
          %swap3A_640 = arith.constant 0 : index
          %swap3A_641 = tpu.vector_load %arg16[%swap3A_639, %swap3A_640] {strides = array<i32>} : memref<3129x16xf32, #tpu.memory_space<vmem>>, vector<16xf32>,
          tpu.vector_store %arg16[%swap3A_639, %swap3A_640], %add3A_638 {strides = array<i32>} : memref<3129x16xf32, #tpu.memory_space<vmem>>, vector<16xf32>,
          %slice3A_642 = vector.extract_strided_slice %get3A_380 {offsets = [11], sizes = [1], strides = [1]} : vector<16xi32> to vector<1xi32>
          %squeeze3A_643 = vector.extract %slice3A_642[0] : i32 from vector<1xi32>
          %mul3A_644 = arith.constant 16 : i32
          %mul3A_645 = arith.muli %add3A_376, %mul3A_644 : i32
          %add3A_646 = arith.constant 11 : i32
          %add3A_647 = arith.addi %mul3A_645, %add3A_646 : i32
          %get3A_648 = arith.index_cast %rem3A_133 : i32 to index
          %get3A_649 = arith.index_cast %add3A_647 : i32 to index
          %get3A_650 = arith.constant 0 : index
          %get3A_651 = tpu.vector_load %arg12[%get3A_648, %get3A_649, %get3A_650] {strides = array<i32>} : memref<2x128x16xf32, #tpu.memory_space<vmem>>, vector<16xf32>,
          %get3A_652 = arith.index_cast %squeeze3A_643 : i32 to index
          %get3A_653 = arith.constant 0 : index
          %get3A_654 = tpu.vector_load %arg15[%get3A_652, %get3A_653] {strides = array<i32>} : memref<3129x16xf32, #tpu.memory_space<vmem>>, vector<16xf32>,
          %max3A_655 = arith.maximumf %get3A_654, %get3A_651 : vector<16xf32>
          %swap3A_656 = arith.index_cast %squeeze3A_643 : i32 to index
          %swap3A_657 = arith.constant 0 : index
          %swap3A_658 = tpu.vector_load %arg15[%swap3A_656, %swap3A_657] {strides = array<i32>} : memref<3129x16xf32, #tpu.memory_space<vmem>>, vector<16xf32>,
          tpu.vector_store %arg15[%swap3A_656, %swap3A_657], %max3A_655 {strides = array<i32>} : memref<3129x16xf32, #tpu.memory_space<vmem>>, vector<16xf32>,
          %get3A_659 = arith.index_cast %squeeze3A_643 : i32 to index
          %get3A_660 = arith.constant 0 : index
          %get3A_661 = tpu.vector_load %arg16[%get3A_659, %get3A_660] {strides = array<i32>} : memref<3129x16xf32, #tpu.memory_space<vmem>>, vector<16xf32>,
          %add3A_662 = arith.addf %get3A_661, %get3A_651 : vector<16xf32>
          %swap3A_663 = arith.index_cast %squeeze3A_643 : i32 to index
          %swap3A_664 = arith.constant 0 : index
          %swap3A_665 = tpu.vector_load %arg16[%swap3A_663, %swap3A_664] {strides = array<i32>} : memref<3129x16xf32, #tpu.memory_space<vmem>>, vector<16xf32>,
          tpu.vector_store %arg16[%swap3A_663, %swap3A_664], %add3A_662 {strides = array<i32>} : memref<3129x16xf32, #tpu.memory_space<vmem>>, vector<16xf32>,
          %slice3A_666 = vector.extract_strided_slice %get3A_380 {offsets = [12], sizes = [1], strides = [1]} : vector<16xi32> to vector<1xi32>
          %squeeze3A_667 = vector.extract %slice3A_666[0] : i32 from vector<1xi32>
          %mul3A_668 = arith.constant 16 : i32
          %mul3A_669 = arith.muli %add3A_376, %mul3A_668 : i32
          %add3A_670 = arith.constant 12 : i32
          %add3A_671 = arith.addi %mul3A_669, %add3A_670 : i32
          %get3A_672 = arith.index_cast %rem3A_133 : i32 to index
          %get3A_673 = arith.index_cast %add3A_671 : i32 to index
          %get3A_674 = arith.constant 0 : index
          %get3A_675 = tpu.vector_load %arg12[%get3A_672, %get3A_673, %get3A_674] {strides = array<i32>} : memref<2x128x16xf32, #tpu.memory_space<vmem>>, vector<16xf32>,
          %get3A_676 = arith.index_cast %squeeze3A_667 : i32 to index
          %get3A_677 = arith.constant 0 : index
          %get3A_678 = tpu.vector_load %arg15[%get3A_676, %get3A_677] {strides = array<i32>} : memref<3129x16xf32, #tpu.memory_space<vmem>>, vector<16xf32>,
          %max3A_679 = arith.maximumf %get3A_678, %get3A_675 : vector<16xf32>
          %swap3A_680 = arith.index_cast %squeeze3A_667 : i32 to index
          %swap3A_681 = arith.constant 0 : index
          %swap3A_682 = tpu.vector_load %arg15[%swap3A_680, %swap3A_681] {strides = array<i32>} : memref<3129x16xf32, #tpu.memory_space<vmem>>, vector<16xf32>,
          tpu.vector_store %arg15[%swap3A_680, %swap3A_681], %max3A_679 {strides = array<i32>} : memref<3129x16xf32, #tpu.memory_space<vmem>>, vector<16xf32>,
          %get3A_683 = arith.index_cast %squeeze3A_667 : i32 to index
          %get3A_684 = arith.constant 0 : index
          %get3A_685 = tpu.vector_load %arg16[%get3A_683, %get3A_684] {strides = array<i32>} : memref<3129x16xf32, #tpu.memory_space<vmem>>, vector<16xf32>,
          %add3A_686 = arith.addf %get3A_685, %get3A_675 : vector<16xf32>
          %swap3A_687 = arith.index_cast %squeeze3A_667 : i32 to index
          %swap3A_688 = arith.constant 0 : index
          %swap3A_689 = tpu.vector_load %arg16[%swap3A_687, %swap3A_688] {strides = array<i32>} : memref<3129x16xf32, #tpu.memory_space<vmem>>, vector<16xf32>,
          tpu.vector_store %arg16[%swap3A_687, %swap3A_688], %add3A_686 {strides = array<i32>} : memref<3129x16xf32, #tpu.memory_space<vmem>>, vector<16xf32>,
          %slice3A_690 = vector.extract_strided_slice %get3A_380 {offsets = [13], sizes = [1], strides = [1]} : vector<16xi32> to vector<1xi32>
          %squeeze3A_691 = vector.extract %slice3A_690[0] : i32 from vector<1xi32>
          %mul3A_692 = arith.constant 16 : i32
          %mul3A_693 = arith.muli %add3A_376, %mul3A_692 : i32
          %add3A_694 = arith.constant 13 : i32
          %add3A_695 = arith.addi %mul3A_693, %add3A_694 : i32
          %get3A_696 = arith.index_cast %rem3A_133 : i32 to index
          %get3A_697 = arith.index_cast %add3A_695 : i32 to index
          %get3A_698 = arith.constant 0 : index
          %get3A_699 = tpu.vector_load %arg12[%get3A_696, %get3A_697, %get3A_698] {strides = array<i32>} : memref<2x128x16xf32, #tpu.memory_space<vmem>>, vector<16xf32>,
          %get3A_700 = arith.index_cast %squeeze3A_691 : i32 to index
          %get3A_701 = arith.constant 0 : index
          %get3A_702 = tpu.vector_load %arg15[%get3A_700, %get3A_701] {strides = array<i32>} : memref<3129x16xf32, #tpu.memory_space<vmem>>, vector<16xf32>,
          %max3A_703 = arith.maximumf %get3A_702, %get3A_699 : vector<16xf32>
          %swap3A_704 = arith.index_cast %squeeze3A_691 : i32 to index
          %swap3A_705 = arith.constant 0 : index
          %swap3A_706 = tpu.vector_load %arg15[%swap3A_704, %swap3A_705] {strides = array<i32>} : memref<3129x16xf32, #tpu.memory_space<vmem>>, vector<16xf32>,
          tpu.vector_store %arg15[%swap3A_704, %swap3A_705], %max3A_703 {strides = array<i32>} : memref<3129x16xf32, #tpu.memory_space<vmem>>, vector<16xf32>,
          %get3A_707 = arith.index_cast %squeeze3A_691 : i32 to index
          %get3A_708 = arith.constant 0 : index
          %get3A_709 = tpu.vector_load %arg16[%get3A_707, %get3A_708] {strides = array<i32>} : memref<3129x16xf32, #tpu.memory_space<vmem>>, vector<16xf32>,
          %add3A_710 = arith.addf %get3A_709, %get3A_699 : vector<16xf32>
          %swap3A_711 = arith.index_cast %squeeze3A_691 : i32 to index
          %swap3A_712 = arith.constant 0 : index
          %swap3A_713 = tpu.vector_load %arg16[%swap3A_711, %swap3A_712] {strides = array<i32>} : memref<3129x16xf32, #tpu.memory_space<vmem>>, vector<16xf32>,
          tpu.vector_store %arg16[%swap3A_711, %swap3A_712], %add3A_710 {strides = array<i32>} : memref<3129x16xf32, #tpu.memory_space<vmem>>, vector<16xf32>,
          %slice3A_714 = vector.extract_strided_slice %get3A_380 {offsets = [14], sizes = [1], strides = [1]} : vector<16xi32> to vector<1xi32>
          %squeeze3A_715 = vector.extract %slice3A_714[0] : i32 from vector<1xi32>
          %mul3A_716 = arith.constant 16 : i32
          %mul3A_717 = arith.muli %add3A_376, %mul3A_716 : i32
          %add3A_718 = arith.constant 14 : i32
          %add3A_719 = arith.addi %mul3A_717, %add3A_718 : i32
          %get3A_720 = arith.index_cast %rem3A_133 : i32 to index
          %get3A_721 = arith.index_cast %add3A_719 : i32 to index
          %get3A_722 = arith.constant 0 : index
          %get3A_723 = tpu.vector_load %arg12[%get3A_720, %get3A_721, %get3A_722] {strides = array<i32>} : memref<2x128x16xf32, #tpu.memory_space<vmem>>, vector<16xf32>,
          %get3A_724 = arith.index_cast %squeeze3A_715 : i32 to index
          %get3A_725 = arith.constant 0 : index
          %get3A_726 = tpu.vector_load %arg15[%get3A_724, %get3A_725] {strides = array<i32>} : memref<3129x16xf32, #tpu.memory_space<vmem>>, vector<16xf32>,
          %max3A_727 = arith.maximumf %get3A_726, %get3A_723 : vector<16xf32>
          %swap3A_728 = arith.index_cast %squeeze3A_715 : i32 to index
          %swap3A_729 = arith.constant 0 : index
          %swap3A_730 = tpu.vector_load %arg15[%swap3A_728, %swap3A_729] {strides = array<i32>} : memref<3129x16xf32, #tpu.memory_space<vmem>>, vector<16xf32>,
          tpu.vector_store %arg15[%swap3A_728, %swap3A_729], %max3A_727 {strides = array<i32>} : memref<3129x16xf32, #tpu.memory_space<vmem>>, vector<16xf32>,
          %get3A_731 = arith.index_cast %squeeze3A_715 : i32 to index
          %get3A_732 = arith.constant 0 : index
          %get3A_733 = tpu.vector_load %arg16[%get3A_731, %get3A_732] {strides = array<i32>} : memref<3129x16xf32, #tpu.memory_space<vmem>>, vector<16xf32>,
          %add3A_734 = arith.addf %get3A_733, %get3A_723 : vector<16xf32>
          %swap3A_735 = arith.index_cast %squeeze3A_715 : i32 to index
          %swap3A_736 = arith.constant 0 : index
          %swap3A_737 = tpu.vector_load %arg16[%swap3A_735, %swap3A_736] {strides = array<i32>} : memref<3129x16xf32, #tpu.memory_space<vmem>>, vector<16xf32>,
          tpu.vector_store %arg16[%swap3A_735, %swap3A_736], %add3A_734 {strides = array<i32>} : memref<3129x16xf32, #tpu.memory_space<vmem>>, vector<16xf32>,
          %slice3A_738 = vector.extract_strided_slice %get3A_380 {offsets = [15], sizes = [1], strides = [1]} : vector<16xi32> to vector<1xi32>
          %squeeze3A_739 = vector.extract %slice3A_738[0] : i32 from vector<1xi32>
          %mul3A_740 = arith.constant 16 : i32
          %mul3A_741 = arith.muli %add3A_376, %mul3A_740 : i32
          %add3A_742 = arith.constant 15 : i32
          %add3A_743 = arith.addi %mul3A_741, %add3A_742 : i32
          %get3A_744 = arith.index_cast %rem3A_133 : i32 to index
          %get3A_745 = arith.index_cast %add3A_743 : i32 to index
          %get3A_746 = arith.constant 0 : index
          %get3A_747 = tpu.vector_load %arg12[%get3A_744, %get3A_745, %get3A_746] {strides = array<i32>} : memref<2x128x16xf32, #tpu.memory_space<vmem>>, vector<16xf32>,
          %get3A_748 = arith.index_cast %squeeze3A_739 : i32 to index
          %get3A_749 = arith.constant 0 : index
          %get3A_750 = tpu.vector_load %arg15[%get3A_748, %get3A_749] {strides = array<i32>} : memref<3129x16xf32, #tpu.memory_space<vmem>>, vector<16xf32>,
          %max3A_751 = arith.maximumf %get3A_750, %get3A_747 : vector<16xf32>
          %swap3A_752 = arith.index_cast %squeeze3A_739 : i32 to index
          %swap3A_753 = arith.constant 0 : index
          %swap3A_754 = tpu.vector_load %arg15[%swap3A_752, %swap3A_753] {strides = array<i32>} : memref<3129x16xf32, #tpu.memory_space<vmem>>, vector<16xf32>,
          tpu.vector_store %arg15[%swap3A_752, %swap3A_753], %max3A_751 {strides = array<i32>} : memref<3129x16xf32, #tpu.memory_space<vmem>>, vector<16xf32>,
          %get3A_755 = arith.index_cast %squeeze3A_739 : i32 to index
          %get3A_756 = arith.constant 0 : index
          %get3A_757 = tpu.vector_load %arg16[%get3A_755, %get3A_756] {strides = array<i32>} : memref<3129x16xf32, #tpu.memory_space<vmem>>, vector<16xf32>,
          %add3A_758 = arith.addf %get3A_757, %get3A_747 : vector<16xf32>
          %swap3A_759 = arith.index_cast %squeeze3A_739 : i32 to index
          %swap3A_760 = arith.constant 0 : index
          %swap3A_761 = tpu.vector_load %arg16[%swap3A_759, %swap3A_760] {strides = array<i32>} : memref<3129x16xf32, #tpu.memory_space<vmem>>, vector<16xf32>,
          tpu.vector_store %arg16[%swap3A_759, %swap3A_760], %add3A_758 {strides = array<i32>} : memref<3129x16xf32, #tpu.memory_space<vmem>>, vector<16xf32>,
        }
        %dma_wait3A_370 = arith.constant 0 : i32
        %dma_wait3A_371 = tpu.memref_slice %arg10[%dma_wait3A_370] : memref<128xi32, #tpu.memory_space<vmem>> -> memref<128xi32, #tpu.memory_space<vmem>>
        %dma_wait3A_372 = arith.constant 0 : i32
        %dma_wait3A_373 = tpu.memref_slice %arg17[%dma_wait3A_372] : memref<50048xf32, #tpu.memory_space<vmem_shared>> -> memref<50048xf32, #tpu.memory_space<vmem_shared>>
        tpu.wait_indirect_dma semaphore(%arg20 : memref<!tpu.dma_semaphore, #tpu.memory_space<semaphore_mem>>) src(%arg13 : memref<128xf32, #tpu.memory_space<vmem>>) dst(%dma_wait3A_373 : memref<50048xf32, #tpu.memory_space<vmem_shared>>)
      }
    }
    %scan3A_46 = arith.constant 625 : i32
    %barrier3A_47 = arith.constant 0 : index
    tpu.barrier barrier_id(%barrier3A_47)
    "tpu.region"() ({
      %run_scoped3A = tpu.sem_alloc : memref<!tpu.dma_semaphore, #tpu.memory_space<semaphore_mem>>
      %dma_start3A_48 = arith.constant 0 : i32
      %dma_start3A_49 = arith.constant 0 : i32
      %dma_start3A_50 = tpu.memref_slice %arg16[%dma_start3A_48, %dma_start3A_49] : memref<3129x16xf32, #tpu.memory_space<vmem>> -> memref<3128x16xf32, #tpu.memory_space<vmem>>
      %dma_start3A_51 = arith.constant 0 : i32
      %dma_start3A_52 = tpu.memref_slice %arg4[%mul3A_2, %dma_start3A_51] : memref<100096x16xf32, #tpu.memory_space<hbm>> -> memref<3128x16xf32, #tpu.memory_space<hbm>>
      %dma_start3A_53 = arith.constant 0 : i32
      %dma_start3A_54 = tpu.memref_slice %arg4[%mul3A_2, %dma_start3A_53] : memref<100096x16xf32, #tpu.memory_space<hbm>> -> memref<3128x16xf32, #tpu.memory_space<hbm>>
      %dma_start3A_55 = arith.constant 0 : i32
      %dma_start3A_56 = arith.constant 0 : i32
      %dma_start3A_57 = tpu.memref_slice %arg16[%dma_start3A_55, %dma_start3A_56] : memref<3129x16xf32, #tpu.memory_space<vmem>> -> memref<3128x16xf32, #tpu.memory_space<vmem>>
      tpu.enqueue_dma source(%dma_start3A_57 : memref<3128x16xf32, #tpu.memory_space<vmem>>) target(%dma_start3A_54 : memref<3128x16xf32, #tpu.memory_space<hbm>>) target_semaphore(%run_scoped3A : memref<!tpu.dma_semaphore, #tpu.memory_space<semaphore_mem>>)
      %dma_wait3A = arith.constant 0 : i32
      %dma_wait3A_58 = arith.constant 0 : i32
      %dma_wait3A_59 = tpu.memref_slice %arg16[%dma_wait3A, %dma_wait3A_58] : memref<3129x16xf32, #tpu.memory_space<vmem>> -> memref<3128x16xf32, #tpu.memory_space<vmem>>
      %dma_wait3A_60 = arith.constant 0 : i32
      %dma_wait3A_61 = tpu.memref_slice %arg4[%mul3A_2, %dma_wait3A_60] : memref<100096x16xf32, #tpu.memory_space<hbm>> -> memref<3128x16xf32, #tpu.memory_space<hbm>>
      %dma_wait3A_62 = arith.constant 0 : i32
      %dma_wait3A_63 = tpu.memref_slice %arg4[%mul3A_2, %dma_wait3A_62] : memref<100096x16xf32, #tpu.memory_space<hbm>> -> memref<3128x16xf32, #tpu.memory_space<hbm>>
      %dma_wait3A_64 = arith.constant 0 : i32
      %dma_wait3A_65 = arith.constant 0 : i32
      %dma_wait3A_66 = tpu.memref_slice %arg16[%dma_wait3A_64, %dma_wait3A_65] : memref<3129x16xf32, #tpu.memory_space<vmem>> -> memref<3128x16xf32, #tpu.memory_space<vmem>>
      tpu.wait_dma2 semaphore(%run_scoped3A : memref<!tpu.dma_semaphore, #tpu.memory_space<semaphore_mem>>) src(%dma_wait3A_66 : memref<3128x16xf32, #tpu.memory_space<vmem>>) dst(%dma_wait3A_63 : memref<3128x16xf32, #tpu.memory_space<hbm>>)
      tpu.yield
    }) : () -> ()
    "tpu.region"() ({
      %run_scoped3A = tpu.sem_alloc : memref<!tpu.dma_semaphore, #tpu.memory_space<semaphore_mem>>
      %dma_start3A_48 = arith.constant 0 : i32
      %dma_start3A_49 = arith.constant 0 : i32
      %dma_start3A_50 = tpu.memref_slice %arg15[%dma_start3A_48, %dma_start3A_49] : memref<3129x16xf32, #tpu.memory_space<vmem>> -> memref<3128x16xf32, #tpu.memory_space<vmem>>
      %dma_start3A_51 = arith.constant 0 : i32
      %dma_start3A_52 = tpu.memref_slice %arg5[%mul3A_2, %dma_start3A_51] : memref<100096x16xf32, #tpu.memory_space<hbm>> -> memref<3128x16xf32, #tpu.memory_space<hbm>>
      %dma_start3A_53 = arith.constant 0 : i32
      %dma_start3A_54 = tpu.memref_slice %arg5[%mul3A_2, %dma_start3A_53] : memref<100096x16xf32, #tpu.memory_space<hbm>> -> memref<3128x16xf32, #tpu.memory_space<hbm>>
      %dma_start3A_55 = arith.constant 0 : i32
      %dma_start3A_56 = arith.constant 0 : i32
      %dma_start3A_57 = tpu.memref_slice %arg15[%dma_start3A_55, %dma_start3A_56] : memref<3129x16xf32, #tpu.memory_space<vmem>> -> memref<3128x16xf32, #tpu.memory_space<vmem>>
      tpu.enqueue_dma source(%dma_start3A_57 : memref<3128x16xf32, #tpu.memory_space<vmem>>) target(%dma_start3A_54 : memref<3128x16xf32, #tpu.memory_space<hbm>>) target_semaphore(%run_scoped3A : memref<!tpu.dma_semaphore, #tpu.memory_space<semaphore_mem>>)
      %dma_wait3A = arith.constant 0 : i32
      %dma_wait3A_58 = arith.constant 0 : i32
      %dma_wait3A_59 = tpu.memref_slice %arg15[%dma_wait3A, %dma_wait3A_58] : memref<3129x16xf32, #tpu.memory_space<vmem>> -> memref<3128x16xf32, #tpu.memory_space<vmem>>
      %dma_wait3A_60 = arith.constant 0 : i32
      %dma_wait3A_61 = tpu.memref_slice %arg5[%mul3A_2, %dma_wait3A_60] : memref<100096x16xf32, #tpu.memory_space<hbm>> -> memref<3128x16xf32, #tpu.memory_space<hbm>>
      %dma_wait3A_62 = arith.constant 0 : i32
      %dma_wait3A_63 = tpu.memref_slice %arg5[%mul3A_2, %dma_wait3A_62] : memref<100096x16xf32, #tpu.memory_space<hbm>> -> memref<3128x16xf32, #tpu.memory_space<hbm>>
      %dma_wait3A_64 = arith.constant 0 : i32
      %dma_wait3A_65 = arith.constant 0 : i32
      %dma_wait3A_66 = tpu.memref_slice %arg15[%dma_wait3A_64, %dma_wait3A_65] : memref<3129x16xf32, #tpu.memory_space<vmem>> -> memref<3128x16xf32, #tpu.memory_space<vmem>>
      tpu.wait_dma2 semaphore(%run_scoped3A : memref<!tpu.dma_semaphore, #tpu.memory_space<semaphore_mem>>) src(%dma_wait3A_66 : memref<3128x16xf32, #tpu.memory_space<vmem>>) dst(%dma_wait3A_63 : memref<3128x16xf32, #tpu.memory_space<hbm>>)
      tpu.yield
    }) : () -> ()
    "tpu.region"() ({
      %run_scoped3A = tpu.sem_alloc : memref<!tpu.dma_semaphore, #tpu.memory_space<semaphore_mem>>
      %dma_start3A_48 = tpu.memref_slice %arg6[%mul3A_2] : memref<100096xf32, #tpu.memory_space<hbm>> -> memref<3128xf32, #tpu.memory_space<hbm>>
      %dma_start3A_49 = tpu.memref_slice %arg17[%mul3A_4] : memref<50048xf32, #tpu.memory_space<vmem_shared>> -> memref<3128xf32, #tpu.memory_space<vmem_shared>>
      tpu.enqueue_dma source(%dma_start3A_49 : memref<3128xf32, #tpu.memory_space<vmem_shared>>) target(%dma_start3A_48 : memref<3128xf32, #tpu.memory_space<hbm>>) target_semaphore(%run_scoped3A : memref<!tpu.dma_semaphore, #tpu.memory_space<semaphore_mem>>)
      %dma_wait3A = tpu.memref_slice %arg6[%mul3A_2] : memref<100096xf32, #tpu.memory_space<hbm>> -> memref<3128xf32, #tpu.memory_space<hbm>>
      %dma_wait3A_50 = tpu.memref_slice %arg17[%mul3A_4] : memref<50048xf32, #tpu.memory_space<vmem_shared>> -> memref<3128xf32, #tpu.memory_space<vmem_shared>>
      tpu.wait_dma2 semaphore(%run_scoped3A : memref<!tpu.dma_semaphore, #tpu.memory_space<semaphore_mem>>) src(%dma_wait3A_50 : memref<3128xf32, #tpu.memory_space<vmem_shared>>) dst(%dma_wait3A : memref<3128xf32, #tpu.memory_space<hbm>>)
      tpu.yield
    }) : () -> ()
    return
  }
}

module attributes {stable_mosaic.version = 14 : i64} {
  func.func @_mlp_body(%arg0: i32, %arg1: memref<2000x16xf32, #tpu.memory_space<vmem>>, %arg2: memref<2000x16xf32, #tpu.memory_space<vmem>>, %arg3: memref<2000x1xf32, #tpu.memory_space<vmem>>, %arg4: memref<48x128xf32, #tpu.memory_space<vmem>>, %arg5: memref<1x128xf32, #tpu.memory_space<vmem>>, %arg6: memref<128x128xf32, #tpu.memory_space<vmem>>, %arg7: memref<1x128xf32, #tpu.memory_space<vmem>>, %arg8: memref<2000x128xf32, #tpu.memory_space<vmem>>) attributes {dimension_semantics = [#tpu.dimension_semantics<arbitrary>], iteration_bounds = array<i64: 50>, scalar_prefetch = 0 : i64, scratch_operands = 0 : i64, tpu.core_type = #tpu.core_type<tc>, window_params = [{transform_indices = @transform_0, window_bounds = array<i64: 2000, 16>}, {transform_indices = @transform_1, window_bounds = array<i64: 2000, 16>}, {transform_indices = @transform_2, window_bounds = array<i64: 2000, 1>}, {pipeline_mode = #tpu.pipeline_mode<synchronous>, transform_indices = @transform_3, window_bounds = array<i64: 48, 128>}, {pipeline_mode = #tpu.pipeline_mode<synchronous>, transform_indices = @transform_4, window_bounds = array<i64: 1, 128>}, {pipeline_mode = #tpu.pipeline_mode<synchronous>, transform_indices = @transform_5, window_bounds = array<i64: 128, 128>}, {pipeline_mode = #tpu.pipeline_mode<synchronous>, transform_indices = @transform_6, window_bounds = array<i64: 1, 128>}, {transform_indices = @transform_7, window_bounds = array<i64: 2000, 128>}]} {
    %get3A = arith.constant 0 : index
    %get3A_0 = arith.constant 0 : index
    %get3A_1 = vector.load %arg1[%get3A, %get3A_0] : memref<2000x16xf32, #tpu.memory_space<vmem>>, vector<2000x16xf32>
    %get3A_2 = arith.constant 0 : index
    %get3A_3 = arith.constant 0 : index
    %get3A_4 = vector.load %arg3[%get3A_2, %get3A_3] : memref<2000x1xf32, #tpu.memory_space<vmem>>, vector<2000x1xf32>
    %gt3A = arith.constant 0.000000e+00 : f32
    %gt3A_5 = vector.broadcast %gt3A : f32 to vector<2000x1xf32>
    %gt3A_6 = arith.cmpf ogt, %get3A_4, %gt3A_5 : vector<2000x1xf32>
    %get3A_7 = arith.constant 0 : index
    %get3A_8 = arith.constant 0 : index
    %get3A_9 = vector.load %arg2[%get3A_7, %get3A_8] : memref<2000x16xf32, #tpu.memory_space<vmem>>, vector<2000x16xf32>
    %jit3A = arith.constant 0.000000e+00 : f32
    %broadcast_in_dim3A = vector.shape_cast %gt3A_6 : vector<2000x1xi1> to vector<2000x1xi1>
    %broadcast_in_dim3A_10 = vector.broadcast %broadcast_in_dim3A : vector<2000x1xi1> to vector<2000x16xi1>
    %broadcast_in_dim3A_11 = vector.broadcast %jit3A : f32 to vector<2000x16xf32>
    %select_n3A = arith.select %broadcast_in_dim3A_10, %get3A_9, %broadcast_in_dim3A_11 : vector<2000x16xi1>, vector<2000x16xf32>
    %max3A = arith.constant 1.000000e+00 : f32
    %max3A_12 = vector.broadcast %max3A : f32 to vector<2000x1xf32>
    %max3A_13 = arith.maximumf %get3A_4, %max3A_12 : vector<2000x1xf32>
    %div3A = vector.broadcast %max3A_13 : vector<2000x1xf32> to vector<2000x16xf32>
    %div3A_14 = arith.divf %get3A_1, %div3A : vector<2000x16xf32>
    %get3A_15 = arith.constant 0 : index
    %get3A_16 = arith.constant 0 : index
    %get3A_17 = vector.load %arg4[%get3A_15, %get3A_16] : memref<48x128xf32, #tpu.memory_space<vmem>>, vector<48x128xf32>
    %slice3A = vector.extract_strided_slice %get3A_17 {offsets = [0, 0], sizes = [16, 128], strides = [1, 1]} : vector<48x128xf32> to vector<16x128xf32>
    %dot_general3A = arith.constant dense<0.000000e+00> : vector<2000x128xf32>
    %dot_general3A_18 = tpu.matmul %get3A_1, %slice3A, %dot_general3A {dimension_numbers = #tpu.dot_dimension_numbers<[1], [0], [0], [1], [0, 0, 1, 1], [], []>, transpose_lhs_hint = false} : vector<2000x16xf32>, vector<16x128xf32>, vector<2000x128xf32> -> vector<2000x128xf32>
    %slice3A_19 = vector.extract_strided_slice %get3A_17 {offsets = [16, 0], sizes = [16, 128], strides = [1, 1]} : vector<48x128xf32> to vector<16x128xf32>
    %dot_general3A_20 = arith.constant dense<0.000000e+00> : vector<2000x128xf32>
    %dot_general3A_21 = tpu.matmul %select_n3A, %slice3A_19, %dot_general3A_20 {dimension_numbers = #tpu.dot_dimension_numbers<[1], [0], [0], [1], [0, 0, 1, 1], [], []>, transpose_lhs_hint = false} : vector<2000x16xf32>, vector<16x128xf32>, vector<2000x128xf32> -> vector<2000x128xf32>
    %add3A = arith.addf %dot_general3A_18, %dot_general3A_21 : vector<2000x128xf32>
    %slice3A_22 = vector.extract_strided_slice %get3A_17 {offsets = [32, 0], sizes = [16, 128], strides = [1, 1]} : vector<48x128xf32> to vector<16x128xf32>
    %dot_general3A_23 = arith.constant dense<0.000000e+00> : vector<2000x128xf32>
    %dot_general3A_24 = tpu.matmul %div3A_14, %slice3A_22, %dot_general3A_23 {dimension_numbers = #tpu.dot_dimension_numbers<[1], [0], [0], [1], [0, 0, 1, 1], [], []>, transpose_lhs_hint = false} : vector<2000x16xf32>, vector<16x128xf32>, vector<2000x128xf32> -> vector<2000x128xf32>
    %add3A_25 = arith.addf %add3A, %dot_general3A_24 : vector<2000x128xf32>
    %get3A_26 = arith.constant 0 : index
    %get3A_27 = arith.constant 0 : index
    %get3A_28 = vector.load %arg5[%get3A_26, %get3A_27] : memref<1x128xf32, #tpu.memory_space<vmem>>, vector<1x128xf32>
    %add3A_29 = vector.broadcast %get3A_28 : vector<1x128xf32> to vector<2000x128xf32>
    %add3A_30 = arith.addf %add3A_25, %add3A_29 : vector<2000x128xf32>
    %max3A_31 = arith.constant 0.000000e+00 : f32
    %max3A_32 = vector.broadcast %max3A_31 : f32 to vector<2000x128xf32>
    %max3A_33 = arith.maximumf %add3A_30, %max3A_32 : vector<2000x128xf32>
    %get3A_34 = arith.constant 0 : index
    %get3A_35 = arith.constant 0 : index
    %get3A_36 = vector.load %arg6[%get3A_34, %get3A_35] : memref<128x128xf32, #tpu.memory_space<vmem>>, vector<128x128xf32>
    %dot_general3A_37 = arith.constant dense<0.000000e+00> : vector<2000x128xf32>
    %dot_general3A_38 = tpu.matmul %max3A_33, %get3A_36, %dot_general3A_37 {dimension_numbers = #tpu.dot_dimension_numbers<[1], [0], [0], [1], [0, 0, 1, 1], [], []>, transpose_lhs_hint = false} : vector<2000x128xf32>, vector<128x128xf32>, vector<2000x128xf32> -> vector<2000x128xf32>
    %get3A_39 = arith.constant 0 : index
    %get3A_40 = arith.constant 0 : index
    %get3A_41 = vector.load %arg7[%get3A_39, %get3A_40] : memref<1x128xf32, #tpu.memory_space<vmem>>, vector<1x128xf32>
    %add3A_42 = vector.broadcast %get3A_41 : vector<1x128xf32> to vector<2000x128xf32>
    %add3A_43 = arith.addf %dot_general3A_38, %add3A_42 : vector<2000x128xf32>
    %swap3A = arith.constant 0 : index
    %swap3A_44 = arith.constant 0 : index
    %swap3A_45 = vector.load %arg8[%swap3A, %swap3A_44] : memref<2000x128xf32, #tpu.memory_space<vmem>>, vector<2000x128xf32>
    tpu.vector_store %arg8[%swap3A, %swap3A_44], %add3A_43 {strides = array<i32>} : memref<2000x128xf32, #tpu.memory_space<vmem>>, vector<2000x128xf32>,
    return
  }
  func.func @transform_0(%arg0: i32) -> (i32, i32) {
    %c0_i32 = arith.constant 0 : i32
    %c0_i32_0 = arith.constant 0 : i32
    return %arg0, %c0_i32 : i32, i32
  }
  func.func @transform_1(%arg0: i32) -> (i32, i32) {
    %c0_i32 = arith.constant 0 : i32
    %c0_i32_0 = arith.constant 0 : i32
    return %arg0, %c0_i32 : i32, i32
  }
  func.func @transform_2(%arg0: i32) -> (i32, i32) {
    %c0_i32 = arith.constant 0 : i32
    %c0_i32_0 = arith.constant 0 : i32
    return %arg0, %c0_i32 : i32, i32
  }
  func.func @transform_3(%arg0: i32) -> (i32, i32) {
    %c0_i32 = arith.constant 0 : i32
    %c0_i32_0 = arith.constant 0 : i32
    %c0_i32_1 = arith.constant 0 : i32
    return %c0_i32, %c0_i32_0 : i32, i32
  }
  func.func @transform_4(%arg0: i32) -> (i32, i32) {
    %c0_i32 = arith.constant 0 : i32
    %c0_i32_0 = arith.constant 0 : i32
    %c0_i32_1 = arith.constant 0 : i32
    return %c0_i32, %c0_i32_0 : i32, i32
  }
  func.func @transform_5(%arg0: i32) -> (i32, i32) {
    %c0_i32 = arith.constant 0 : i32
    %c0_i32_0 = arith.constant 0 : i32
    %c0_i32_1 = arith.constant 0 : i32
    return %c0_i32, %c0_i32_0 : i32, i32
  }
  func.func @transform_6(%arg0: i32) -> (i32, i32) {
    %c0_i32 = arith.constant 0 : i32
    %c0_i32_0 = arith.constant 0 : i32
    %c0_i32_1 = arith.constant 0 : i32
    return %c0_i32, %c0_i32_0 : i32, i32
  }
  func.func @transform_7(%arg0: i32) -> (i32, i32) {
    %c0_i32 = arith.constant 0 : i32
    %c0_i32_0 = arith.constant 0 : i32
    return %arg0, %c0_i32 : i32, i32
  }
}

</mosaic_0001>

<sc_bundles>
// kernel: kernel.4.cloned.1.call-start
scs
__scs_entry_jumppad:
0x0: {  	(pc) =	sbr.rel $0x88, $3  }
0x1: {  	(tag) =	ssettag $0x0;
	lr =	simm.s32 $0x1  }
0x2: {  	[smem:$0x3F9B] =	sst lr;
	_ =	strace $0xD0000000  }
0x3: {  	_ = 	snop  }
0x4: {  	_ = 	snop  }
0x5: {  	_ = 	snop  }
0x6: {  	_ = 	snop  }
0x7: {  	_ = 	snop  }
__scs_overlays_trampoline_lowered:
0x8: {  	[smem:$0x3FAA] =	sst s0  }
0x9: {  	[smem:$0x3FAB] =	sst s1  }
0xa: {  	[smem:$0x3FAC] =	sst s2  }
0xb: {  	[smem:$0x3FAD] =	sst s3  }
0xc: {  	[smem:$0x3FAE] =	sst s4  }
0xd: {  	[smem:$0x3FAF] =	sst s5  }
0xe: {  	[smem:$0x3FB0] =	sst s6  }
0xf: {  	[smem:$0x3FB1] =	sst s7  }
0x10: {  	[smem:$0x3FB2] =	sst s8  }
0x11: {  	[smem:$0x3FB3] =	sst s9;
	s0 =	simm.s32 @!p0 $0x0  }
0x12: {  	s1 =	sld [smem:$0x3F99];
	s0 =	simm.s32 @p0 $0x1  }
0x13: {  	[smem:$0x3FB4] =	sst s0;
	s0 =	simm.s32 @!p1 $0x0  }
0x14: {  	s2 =	sld [smem:$0x3F98];
	s0 =	simm.s32 @p1 $0x1  }
0x15: {  	[smem:$0x3FB5] =	sst s0;
	s0 =	simm.s32 @!p2 $0x0  }
0x16: {  	s3 =	sld [smem:$0x3FDB];
	s0 =	simm.s32 @p2 $0x1  }
0x17: {  	s4 =	simm.s32 $0x1BF5;
	[smem:$0x3FB7] =	sst s0  }
0x18: {  	s0 =	sld [smem:$0x3F9A];
	_ =	swait.ge [sflag:s4], $0x0  }
0x19: {  	s7 =	sld [smem:$0x3F9B]  }
0x1a: {  	s8 =	sadd.s32 $0xFFFFE003, lr  }
0x1b: {  	s9 =	sadd.s32 $0xFFFFFEF7, lr;
	s5 =	simm.s32 $0xFFFFFFFF;
	p2 =	slt.u32 s8, $0xFFFFF086  }
0x1c: {  	p1 =	slt.u32 s9, $0xF7A;
	s5 =	simm.s32 @!p2 $0x0  }
0x1d: {  	s5 =	simm.s32 @p1 $0x1;
	p0 =	seq.s32 s7, s2  }
0x1e: {  	s7 =	smul.u32 @!p0 $0xF7A, s2;
	p2 =	seq.s32 @!p0 s5, $0x0  }
0x1f: {  	s9 =	smul.u32 $0xF7A, s1;
	s8 =	simm.s32 @!p0 $0x1BF5;
	p2 =	por !p2, p0  }
0x20: {  	[sflag:s8] =	ssyncset.s32 @!p0 $0xFFFFF086;
	s6 =	sadd.s32 @!p0 s3, s7;
	s7 =	simm.s32 @!p0 $0x108  }
0x21: {  	s3 =	sadd.s32 s3, s9;
	s6 =	sadd.s32 @!p0 $0x88, s6;
	s7 =	simm.s32 @p2 $0x1082  }
0x22: {  	[simem:s7], [sflag:s8] =	dma.local @!p0 [hbm:s6], $0xF7A  }
0x23: {  	s9 =	sor.u32 $0xD0000000, s2;
	s6 =	simm.s32 $0x108;
	_ =	swait.ge @!p0 [sflag:s8], $0x0  }
0x24: {  	s3 =	sadd.s32 $0x88, s3;
	s6 =	simm.s32 @!p1 $0x1082;
	[sflag:s4] =	ssyncset.s32 $0xFFFFF086  }
0x25: {  	[simem:s6], [sflag:s4] =	dma.local [hbm:s3], $0xF7A  }
0x26: {  	[smem:$0x3F9B] =	sst s1;
	(tag) =	ssettag s2;
	_ =	strace s9  }
0x27: {  	s1 =	sld [smem:$0x3FAB]  }
0x28: {  	s2 =	sld [smem:$0x3FAC]  }
0x29: {  	s4 =	sld [smem:$0x3FAE]  }
0x2a: {  	p0 =	seq.s32 s5, $0x0;
	s5 =	sld [smem:$0x3FAF]  }
0x2b: {  	s6 =	sld [smem:$0x3FB0]  }
0x2c: {  	s7 =	sld [smem:$0x3FB1]  }
0x2d: {  	s3 =	simm.s32 $0x108;
	s8 =	sld [smem:$0x3FB2]  }
0x2e: {  	s3 =	simm.s32 @!p0 $0x1082;
	s9 =	sld [smem:$0x3FB3]  }
0x2f: {  	lr =	sadd.s32 s0, s3;
	s0 =	sld [smem:$0x3FAA]  }
0x30: {  	s3 =	sld [smem:$0x3FAD]  }
0x31: {  	[smem:$0x3FB6] =	sst s10  }
0x32: {  	s10 =	sld [smem:$0x3FB4];
	_ =	sdelay $0x3  }
0x33: {  	p0 =	seq.s32 s10, $0x1;
	s10 =	sld [smem:$0x3FB6];
	_ =	sdelay $0x3  }
0x34: {  	[smem:$0x3FB6] =	sst s10  }
0x35: {  	s10 =	sld [smem:$0x3FB5];
	_ =	sdelay $0x3  }
0x36: {  	p1 =	seq.s32 s10, $0x1;
	s10 =	sld [smem:$0x3FB6];
	_ =	sdelay $0x3  }
0x37: {  	[smem:$0x3FB6] =	sst s10  }
0x38: {  	s10 =	sld [smem:$0x3FB7]  }
0x39: {  	_ = 	snop;
	(pc) =	sbr.ind lr, $3  }
0x3a: {  	_ = 	snop  }
0x3b: {  	_ = 	snop  }
0x3c: {  	p2 =	seq.s32 s10, $0x1;
	s10 =	sld [smem:$0x3FB6]  }
0x3d: {  	_ =	shalt  }
0x3e: {  	_ =	shalt  }
0x3f: {  	_ =	shalt  }
0x40: {  	_ =	shalt  }
0x41: {  	_ =	shalt  }
0x42: {  	_ =	shalt  }
0x43: {  	_ =	shalt  }
0x44: {  	_ =	shalt  }
0x45: {  	_ =	shalt  }
0x46: {  	_ =	shalt  }
0x47: {  	_ =	shalt  }
0x48: {  	_ =	shalt  }
0x49: {  	_ =	shalt  }
0x4a: {  	_ =	shalt  }
0x4b: {  	_ =	shalt  }
0x4c: {  	_ =	shalt  }
0x4d: {  	_ =	shalt  }
0x4e: {  	_ =	shalt  }
0x4f: {  	_ =	shalt  }
0x50: {  	_ =	shalt  }
0x51: {  	_ =	shalt  }
0x52: {  	_ =	shalt  }
0x53: {  	_ =	shalt  }
0x54: {  	_ =	shalt  }
0x55: {  	_ =	shalt  }
0x56: {  	_ =	shalt  }
0x57: {  	_ =	shalt  }
0x58: {  	_ =	shalt  }
0x59: {  	_ =	shalt  }
0x5a: {  	_ =	shalt  }
0x5b: {  	_ =	shalt  }
0x5c: {  	_ =	shalt  }
0x5d: {  	_ =	shalt  }
0x5e: {  	_ =	shalt  }
0x5f: {  	_ =	shalt  }
0x60: {  	_ =	shalt  }
0x61: {  	_ =	shalt  }
0x62: {  	_ =	shalt  }
0x63: {  	_ =	shalt  }
0x64: {  	_ =	shalt  }
0x65: {  	_ =	shalt  }
0x66: {  	_ =	shalt  }
0x67: {  	_ =	shalt  }
0x68: {  	_ =	shalt  }
0x69: {  	_ =	shalt  }
0x6a: {  	_ =	shalt  }
0x6b: {  	_ =	shalt  }
0x6c: {  	_ =	shalt  }
0x6d: {  	_ =	shalt  }
0x6e: {  	_ =	shalt  }
0x6f: {  	_ =	shalt  }
0x70: {  	_ =	shalt  }
0x71: {  	_ =	shalt  }
0x72: {  	_ =	shalt  }
0x73: {  	_ =	shalt  }
0x74: {  	_ =	shalt  }
0x75: {  	_ =	shalt  }
0x76: {  	_ =	shalt  }
0x77: {  	_ =	shalt  }
0x78: {  	_ =	shalt  }
0x79: {  	_ =	shalt  }
0x7a: {  	_ =	shalt  }
0x7b: {  	_ =	shalt  }
0x7c: {  	_ =	shalt  }
0x7d: {  	_ =	shalt  }
0x7e: {  	_ =	shalt  }
0x7f: {  	_ =	shalt  }
0x80: {  	_ =	shalt  }
0x81: {  	_ =	shalt  }
0x82: {  	_ =	shalt  }
0x83: {  	_ =	shalt  }
0x84: {  	_ =	shalt  }
0x85: {  	_ =	shalt  }
0x86: {  	_ =	shalt  }
0x87: {  	_ =	shalt  }
.Lfunc_end0:
.L_simem_size_0:
called_computation_lowered:
.L_overlay_start_0:
0x88: {  	s2 =	sld [smem:$0x3FD9]  }
0x89: {  	s3 =	sld [smem:$0x3FFE];
	_ =	sdelay $0x1  }
0x8a: {  	s1 =	srdreg.scid  }
0x8b: {  	s0 =	sand.u32 $0x1, s1  }
0x8c: {  	s17 =	sshll.u32 s0, $0xA;
	s2 =	sadd.s32 s3, s2  }
0x8d: {  	s2 =	sadd.s32 s2, s17  }
0x8e: {  	[smem:$0x3FC2] =	sst s2  }
0x8f: {  	_ = 	snop  }
0x90: {  	s2 =	sld [smem:$0x3FD0];
	(tm) =	ssettm $0x1  }
0x91: {  	s18 =	sld [smem:$0x3FFB];
	_ =	sdelay $0x3  }
0x92: {  	_ =	strace s18  }
0x93: {  	s3 =	sld [smem:$0x3FFC];
	_ =	sdelay $0x3  }
0x94: {  	_ =	strace s3  }
0x95: {  	s3 =	sld [smem:$0x3FFD];
	_ =	sdelay $0x3  }
0x96: {  	_ =	strace s3  }
0x97: {  	_ =	strace $0x8FFFFFFF  }
0x98: {  	s19 =	sld [smem:$0x3FDB];
	_ =	sdelay $0x1  }
0x99: {  	s4 =	simm.s32 $_scs_section_size  }
0x9a: {  	s5 =	simm.s32 $_size__tile_overlayer_lowered;
	s6 =	simm.s32 $_tile_overlayer_lowered  }
0x9b: {  	s22 =	simm.s32 $0x1BFF;
	s21 =	sshll.u32 s6, $0x1;
	s3 =	sadd.s32 s4, s19  }
0x9c: {  	s7 =	simm.s32 $0x0;
	s20 =	sshll.u32 s5, $0x1;
	s5 =	sadd.s32 s21, s3  }
0x9d: {  	[timem:s7], [sflag:s22] =	dma.local [hbm:s5], s20  }
0x9e: {  	_ =	swait.ge [sflag:s22], s20  }
0x9f: {  	s4 =	ssub.s32 $0x0, s20;
	[sflag:s22] =	ssyncset.done $0x0  }
0xa0: {  	[sflag:s22] =	ssyncadd.s32 s4;
	_ =	sdelay $0x1  }
0xa1: {  	s23 =	simm.s32 $0x1B8B  }
0xa2: {  	_ =	swait.ge [sflag:s23], $0x1  }
0xa3: {  	[sflag:s23] =	ssyncset.done $0x0  }
0xa4: {  	s25 =	simm.s32 $0x1B8E;
	s24 =	sld [smem:$0x3FFE];
	[sflag:s23] =	ssyncadd.s32 $0xFFFFFFFF  }
0xa5: {  	s26 =	simm.s32 $execute0_lowered;
	[smem:$0x3FD2] =	sst s25  }
0xa6: {  	s5 =	sshll.u32 s26, $0x1;
	_ =	strace $0x80000046;
	[dreg:$0x1] =	wrdreg $0xFFFFFFFF  }
0xa7: {  	s28 =	simm.s32 $_size_execute0_lowered;
	s3 =	sadd.s32 s3, s5;
	[dreg:$0x0] =	wrdreg $0x0  }
0xa8: {  	s5 =	sshll.u32 s28, $0x1;
	[dreg:$0x2] =	wrdreg s3  }
0xa9: {  	[dreg:$0x3] =	wrdreg s5  }
0xaa: {  	[dreg:$0x4] =	wrdreg $0xC0  }
0xab: {  	_ =	task [dreg:s7], $0x5FFFF  }
0xac: {  	[dreg:$0x1] =	wrdreg $0xFFFFFFFF  }
0xad: {  	[dreg:$0x0] =	wrdreg $0x60  }
0xae: {  	[dreg:$0x2] =	wrdreg s2  }
0xaf: {  	[dreg:$0x3] =	wrdreg s24  }
0xb0: {  	[dreg:$0x4] =	wrdreg $0x1EB200  }
0xb1: {  	[dreg:$0x5] =	wrdreg $0x9  }
0xb2: {  	_ =	task.clear_ibuf [dreg:s7], $0x6FFFF;
	_ =	strace $0x90000046  }
0xb3: {  	s29 =	simm.s32 $0x9;
	_ =	strace $0x80000048  }
0xb4: {  	_ =	swait.ge [sflag:s29], $0x1  }
0xb5: {  	[sflag:s29] =	ssyncadd.s32 $0xFFFFFFFF  }
0xb6: {  	_ =	strace $0x90000048  }
0xb7: {  	_ =	sfence  }
0xb8: {  	s30 =	sld [smem:$0x0];
	_ =	sdelay $0x2  }
0xb9: {  	s31 =	sshll.u32 s1, $0xD;
	s1 =	sshrl.u32 s1, $0x2  }
0xba: {  	s3 =	sand.u32 $0x4000, s31;
	s1 =	sadd.s32 s1, s30  }
0xbb: {  	s0 =	sor.u32 s3, s0;
	s1 =	sshll.u32 s1, $0x11  }
0xbc: {  	s0 =	sor.u32 s1, s0  }
0xbd: {  	s0 =	sadd.s32 $0x8F2B, s0  }
0xbe: {  	[sflag:s0] =	ssyncadd.remote.s32 $0x1  }
0xbf: {  	_ =	sfence.sel $0xFFFF  }
0xc0: {  	[dreg:$0x0] =	wrdreg $0xFFFFFFFF;
	(pc) =	sbr.abs _section_cstart, $3  }
0xc1: {  	[dreg:$0x1] =	wrdreg $0xFFFFFFFF  }
0xc2: {  	_ =	task.clear_ibuf [dreg:s7], $0x2FFFF;
	_ =	strace $0x9FFFFFFF  }
0xc3: {  	(tm) =	ssettm $0x7FFFFFFF  }
tec
execute0_lowered:
.L_overlay_start_1:
0x0: {  	(tag) =	ssettag $0x1  }
0x1: {  	s0 =	rddreg [dreg:$0x0]  }
0x2: {  	s1 =	srdreg.scid;
	s6 =	rddreg [dreg:$0x1]  }
0x3: {  	s3 =	rddreg [dreg:$0x2];
	s2 =	stileid.u32;
	s4 =	simm.s32 $0x0  }
0x4: {  	s10 =	simm.s32 $0x1;
	s11 =	simm.s32 $0x2800;
	s12 =	simm.s32 $0x80  }
0x5: {  	s13 =	simm.s32 $0x3D00;
	s14 =	simm.s32 $0x5300;
	s17 =	simm.s32 $0x6300  }
0x6: {  	s18 =	simm.s32 $0x3;
	s20 =	simm.s32 $0x4;
	s1 =	sand.u32 $0x1, s1  }
0x7: {  	s23 =	simm.s32 $0x0;
	[smem:$0x7FF] =	sst s4;
	s5 =	sshll.u32 s1, $0x4  }
0x8: {  	s16 =	smul.u32 $0xC38, s2;
	s1 =	ssub.s32 $0x2, s1;
	s5 =	sor.u32 s2, s5  }
0x9: {  	_ =	strace $0x80000047;
	s9 =	sshrl.u32 s1, $0x1;
	s15 =	smul.u32 $0xC38, s5  }
.Ltmp0:
0xa: {  	s19 =	sadd.s32 s16, s3;
	v1 =	vmov s16;
	s16 =	simm.s32 $0x5200;
	(pc) =	sbr.rel .LBB2_1-.Ltmp0, $4  }
0xb: {  	s7 =	smul.u32 $0x1870, s5;
	s5 =	sadd.s32 $0x30D5600, s6;
	s1 =	ssub.s32 s1, s9  }
0xc: {  	v2 =	vimm.f32 $0.0e+00;
	s22 =	sshrl.u32 s19, $0x3;
	s9 =	smax.u32 s1, $0x1;
	s8 =	sshrl.u32 s15, $0x3  }
0xd: {  	v3 =	vimm.f32 $1.000000000e+00;
	v4 =	vlaneseq.u32;
	s7 =	sadd.s32 s7, s6;
	v0 =	vmov s15;
	s15 =	simm.s32 $0x2;
	s8 =	sadd.s32 s8, s6  }
0xe: {  	v5 =	vimm.f32 $-Inf;
	v6 =	vimm.s32 $0x0;
	v7 =	vor.u32 $0xFFFFE000, v4;
	s6 =	sadd.s32 $0x1600, s7;
	s7 =	sadd.s32 $0x32400, s7;
	s8 =	sadd.s32 $0x63200, s8  }
.LBB2_23:
0xf: {  	[bflag:$0x0] =	sbarrier.arrive $0xFFFF;
	s1 =	simm.s32 $0x0;
	s4 =	simm.s32 $0x12790  }
0x10: {  	[hbm4b:s6+s1] =	stream.linear.scatter [tilespmem:s4], [sflag:$0x4], $0xC380, $0x38;
	[tilespmem:$0x1F758] =	vst v63  }
0x11: {  	_ =	swait.ge [sflag:s20], $0xC380  }
0x12: {  	[sflag:s20] =	ssyncset.done $0x0  }
0x13: {  	s30 =	simm.s32 $0x6400;
	[sflag:s20] =	ssyncadd.s32 $0xFFFF3C80  }
0x14: {  	[hbm4b:s7+s1] =	stream.linear.scatter [tilespmem:s30], [sflag:$0x4], $0xC380, $0x38;
	[tilespmem:$0x1F758] =	vst v63  }
0x15: {  	s23 =	sadd.s32 $0x1, s23;
	_ =	swait.ge [sflag:s20], $0xC380  }
0x16: {  	s31 =	sshll.u32 s2, $0x6;
	p0 =	sne.s32 s23, s9;
	[sflag:s20] =	ssyncset.done $0x0  }
.Ltmp1:
0x17: {  	s1 =	sor.u32 $0x1C04, s31;
	[sflag:s20] =	ssyncadd.s32 $0xFFFF3C80;
	(pc) =	sbr.rel @!p0 .LBB2_24-.Ltmp1, $4  }
0x18: {  	[hbm:s8], [sflag:s1] =	dma.local [spmem:s22], $0x187  }
0x19: {  	_ =	swait.ge [sflag:s20], $0x187  }
0x1a: {  	[sflag:s20] =	ssyncset.done $0x0  }
0x1b: {  	[sflag:s20] =	ssyncadd.s32 $0xFFFFFE79  }
.LBB2_1:
0x1c: {  	s1 =	simm.s32 $0x40;
	s19 =	simm.s32 $0x0  }
.LBB2_2:
0x1d: {  	p0 =	sne.s32 s1, $0x1FC0;
	[tilespmem:s19+$0x5300] =	vst v2;
	s19 =	smov.u32 s1;
	s1 =	sadd.s32 $0x40, s1  }
.Ltmp2:
0x1e: {  	(pc) =	sbr.rel @p0 .LBB2_2-.Ltmp2, $2  }
0x1f: {  	_ =	sdelay $0x2  }
0x20: {  	s19 =	sshra.s32 s19, $0x2  }
0x21: {  	[tilespmem:s19+$0x5300] =	vst v2  }
0x22: {  	[tilespmem:$0x6300] =	vst v3  }
0x23: {  	[tilespmem:$0x6380] =	vst v2  }
0x24: {  	[tilespmem:$0x6310] =	vst v3  }
0x25: {  	[tilespmem:$0x6390] =	vst v2  }
0x26: {  	[tilespmem:$0x6320] =	vst v3  }
0x27: {  	[tilespmem:$0x63A0] =	vst v2  }
0x28: {  	[tilespmem:$0x6330] =	vst v3  }
0x29: {  	[tilespmem:$0x63B0] =	vst v2  }
0x2a: {  	[tilespmem:$0x6340] =	vst v3  }
0x2b: {  	[tilespmem:$0x63C0] =	vst v2  }
0x2c: {  	[tilespmem:$0x6350] =	vst v3  }
0x2d: {  	[tilespmem:$0x63D0] =	vst v2  }
0x2e: {  	[tilespmem:$0x6360] =	vst v3  }
0x2f: {  	[tilespmem:$0x63E0] =	vst v2  }
0x30: {  	[tilespmem:$0x6370] =	vst v3  }
0x31: {  	s1 =	simm.s32 $0x0;
	s19 =	simm.s32 $0x40;
	s21 =	simm.s32 $0x0;
	[tilespmem:$0x63F0] =	vst v2  }
.LBB2_4:
0x32: {  	p0 =	sne.s32 s19, $0x30E00;
	[tilespmem:s21+$0x6400] =	vst v5;
	s24 =	smov.u32 s19;
	s19 =	sadd.s32 $0x40, s19  }
.Ltmp3:
0x33: {  	[tilespmem:s21+$0x12790] =	vst v2;
	(pc) =	sbr.rel @p0 .LBB2_4-.Ltmp3, $2  }
0x34: {  	_ =	sdelay $0x2  }
0x35: {  	s21 =	sshra.s32 s24, $0x2  }
0x36: {  	s1 =	sand.u32 $0xF, s1  }
0x37: {  	[tilespmem:s21+$0x6400] =	vst v5;
	p0 =	sne.s32 s1, s2  }
0x38: {  	[tilespmem:s21+$0x12790] =	vst v2;
	s1 =	simm.s32 @!p0 $0x6380;
	s24 =	simm.s32 @!p0 $0x4  }
0x39: {  	[spmem:s3] =	stream.linear.scatter @!p0 [tilespmem:s1], [sflag:$0x4], $0x80, $0x38;
	[tilespmem:$0x1F758] =	vst v63  }
0x3a: {  	s19 =	simm.s32 $0x1;
	_ =	swait.ge @!p0 [sflag:s24], $0x80  }
0x3b: {  	s21 =	simm.s32 $0x2;
	s1 =	sadd.s32 $0x80, s3;
	[sflag:s24] =	ssyncset.done @!p0 $0x0  }
.LBB2_6:
0x3c: {  	s25 =	sand.u32 $0xF, s19;
	s19 =	smov.u32 s21;
	s21 =	sadd.s32 $0x1, s21  }
0x3d: {  	[sflag:s24] =	ssyncadd.s32 @!p0 $0xFFFFFF80;
	p1 =	sne.s32 s21, $0x187  }
.Ltmp4:
0x3e: {  	p0 =	sne.s32 s25, s2;
	(pc) =	sbr.rel @p1 .LBB2_6-.Ltmp4, $4  }
0x3f: {  	s25 =	simm.s32 @!p0 $0x6380;
	s24 =	simm.s32 @!p0 $0x4  }
0x40: {  	[spmem:s1] =	stream.linear.scatter @!p0 [tilespmem:s25], [sflag:$0x4], $0x80, $0x38;
	[tilespmem:$0x1F758] =	vst v63  }
0x41: {  	_ =	swait.ge @!p0 [sflag:s24], $0x80  }
0x42: {  	s1 =	sadd.s32 $0x80, s1;
	[sflag:s24] =	ssyncset.done @!p0 $0x0  }
0x43: {  	s19 =	sand.u32 $0xF, s19  }
0x44: {  	p1 =	sne.s32 s19, s2  }
0x45: {  	[sflag:s24] =	ssyncadd.s32 @!p0 $0xFFFFFF80;
	s19 =	simm.s32 @!p1 $0x6380;
	s21 =	simm.s32 @!p1 $0x4  }
0x46: {  	[spmem:s1] =	stream.linear.scatter @!p1 [tilespmem:s19], [sflag:$0x4], $0x80, $0x38;
	[tilespmem:$0x1F758] =	vst v63  }
.Ltmp5:
0x47: {  	_ =	swait.ge @!p1 [sflag:s21], $0x80;
	(pc) =	sbr.rel .LBB2_9-.Ltmp5, $4  }
0x48: {  	[sflag:s21] =	ssyncset.done @!p1 $0x0  }
0x49: {  	s24 =	simm.s32 $0x0;
	[sflag:s21] =	ssyncadd.s32 @!p1 $0xFFFFFF80  }
0x4a: {  	p0 =	por $0x0, $0x0;
	s25 =	simm.s32 $0x0;
	[bflag:$0x0] =	sbarrier.arrive $0xFFFF  }
0x4b: {  	[tilespmem:s24], [sflag:$0x1] =	stream.linear.gather [hbm4b:s0+s24], $0x1400, $0x38;
	[tilespmem:$0x1F758] =	vst v63  }
.LBB2_8:
0x4c: {  	p1 =	seq.s32 s25, $0x271  }
.Ltmp6:
0x4d: {  	_ = 	snop;
	(pc) =	sbr.rel @p1 .LBB2_23-.Ltmp6, $2  }
0x4e: {  	_ =	sdelay $0x2  }
0x4f: {  	p0 =	por !p0, !p0  }
.LBB2_9:
0x50: {  	s1 =	simm.s32 $0x1;
	s26 =	smul.u32 $0x1400, s25;
	s19 =	sand.u32 $0x1, s25  }
0x51: {  	p1 =	seq.s32 s25, $0x270;
	_ =	swait.ge [sflag:s10], $0x1400;
	s1 =	simm.s32 @!p0 $0x0  }
0x52: {  	s19 =	sxor.u32 @!p1 $0x1, s19;
	[sflag:s10] =	ssyncset.done $0x0;
	s1 =	smul.u32 $0x5000, s1  }
0x53: {  	s28 =	simm.s32 @!p1 $0x0;
	s19 =	smul.u32 @!p1 $0x5000, s19;
	s21 =	sshrl.u32 @!p1 s26, $0x3  }
0x54: {  	[sflag:s10] =	ssyncadd.s32 $0xFFFFEC00;
	s21 =	sadd.s32 @!p1 s0, s21;
	s1 =	sshrl.u32 s1, $0x2  }
0x55: {  	s19 =	sshrl.u32 @!p1 s19, $0x2;
	s21 =	sadd.s32 @!p1 $0x280, s21;
	s1 =	sor.u32 $0x80, s1  }
0x56: {  	[tilespmem:s19], [sflag:$0x1] =	stream.linear.gather @!p1 [hbm4b:s21+s28], $0x1400, $0x38;
	[tilespmem:$0x1F758] =	vst v63  }
0x57: {  	v8 =	vld [tilespmem:s1+$0xFFFFFF90]  }
0x58: {  	v9 =	vld [tilespmem:s1+$0x60]  }
0x59: {  	v10 =	vld [tilespmem:s1+$0x40]  }
0x5a: {  	v11 =	vld [tilespmem:s1+$0x20]  }
0x5b: {  	v12 =	vld [tilespmem:s1+$0x0]  }
0x5c: {  	v13 =	vld [tilespmem:s1+$0xFFFFFFF0]  }
0x5d: {  	v16 =	vld [tilespmem:s1+$0xFFFFFFE0]  }
0x5e: {  	v17 =	vld [tilespmem:s1+$0xFFFFFFD0]  }
0x5f: {  	v18 =	vld [tilespmem:s1+$0x10];
	_ =	sdelay $0x1  }
0x60: {  	v8 =	vsub.s32 v8, v0  }
0x61: {  	v15 =	vsub.s32 v9, v0;
	v14 =	vsub.s32 v10, v0;
	v21 =	vsub.s32 v11, v0  }
0x62: {  	v23 =	vsub.s32 v12, v0;
	v13 =	vsub.s32 v13, v0;
	v25 =	vsub.s32 v16, v0  }
0x63: {  	v9 =	vld [tilespmem:s1+$0xFFFFFF80];
	v17 =	vsub.s32 v17, v0;
	v12 =	vimm.s32 $0x0;
	v24 =	vsub.s32 v18, v0  }
0x64: {  	s21 =	simm.s32 $0x10;
	v11 =	vld [tilespmem:s1+$0xFFFFFFC0];
	vm14 =	vlt.u32 v8, $0xC38;
	v8 =	vshll.u32 v8, $0xD;
	vm5 =	vlt.u32 v21, $0xC38  }
0x65: {  	vm8 =	vlt.u32 v23, $0xC38;
	vm4 =	vlt.u32 v13, $0xC38;
	v31 =	vadd.s32 s21, v8;
	v8 =	vld [tilespmem:s1+$0xFFFFFFA0]  }
0x66: {  	vm0 =	vlt.u32 v25, $0xC38;
	vm10 =	vlt.u32 v24, $0xC38;
	v10 =	vsel vm14, $0x1, v6  }
0x67: {  	vm6 =	vlt.u32 v17, $0xC38;
	v13 =	vshll.u32 v13, $0xD;
	v12 =	vsel vm0, $0xFFFFFFFF, v12;
	(xrf0) =	vadd.scan.msk.s32 $0xffff, v10;
	v10 =	vld [tilespmem:s1+$0xFFFFFFB0]  }
0x68: {  	v32 =	vshll.u32 v24, $0xD;
	[tilespmem:$0x1FFF0] =	vst v12;
	v12 =	vsel vm0, $0x1, v6;
	v9 =	vsub.s32 v9, v0  }
0x69: {  	vm7 =	vlt.u32 v14, $0xC38;
	(xrf0) =	vadd.scan.msk.s32 $0xffff, v12;
	v12 =	vsel vm8, $0x1, v6;
	vm15 =	vlt.u32 v9, $0xC38  }
0x6a: {  	(xrf0) =	vadd.scan.msk.s32 $0xffff, v12;
	v22 =	vsub.s32 v11, v0;
	v16 =	vsel vm15, $0x1, v6;
	v20 =	vsub.s32 v8, v0  }
0x6b: {  	v11 =	vsel vm10, $0x1, v6;
	vm9 =	vlt.u32 v22, $0xC38;
	v8 =	vld [tilespmem:s1+$0x50];
	vm3 =	vlt.u32 v20, $0xC38;
	(xrf0) =	vadd.scan.msk.s32 $0xffff, v16  }
0x6c: {  	v12 =	vld [tilespmem:s1+$0x30];
	v26 =	vsub.s32 v10, v0;
	v10 =	vsel vm3, $0x1, v6;
	(xrf0) =	vadd.scan.msk.s32 $0xffff, v11;
	v11 =	vsel vm9, $0x1, v6  }
0x6d: {  	s4 =	simm.s32 $0x0;
	v19 =	vsel vm4, $0x1, v6;
	v9 =	vshll.u32 v9, $0xD;
	v35, _, _ =	vpop (xrf0);
	vm1 =	vlt.u32 v26, $0xC38;
	(xrf0) =	vadd.scan.msk.s32 $0xffff, v10  }
0x6e: {  	v18 =	vsel vm6, $0x1, v6;
	v9 =	vadd.s32 s4, v9;
	v16 =	vsel vm1, $0x1, v6;
	(xrf0) =	vadd.scan.msk.s32 $0xffff, v11  }
0x6f: {  	v27 =	vsel vm5, $0x1, v6;
	v37 =	vadd.s32 v4, v9;
	v10 =	vmov s24;
	v11, _, _ =	vpop (xrf0);
	(xrf0) =	vadd.scan.msk.s32 $0xffff, v16  }
0x70: {  	v9 =	vshll.u32 v20, $0xD;
	v10 =	vadd.s32 $0xFFFFFFFF, v10;
	v28 =	vsub.s32 v8, v0;
	v8, _, _ =	vpop (xrf0);
	(xrf0) =	vadd.scan.msk.s32 $0xffff, v27  }
0x71: {  	s21 =	simm.s32 $0xD0;
	v10 =	vbroadcast v10, $0x0;
	v27 =	vsub.s32 v12, v0;
	v12 =	vshll.u32 v28, $0xD;
	v16, _, _ =	vpop (xrf0);
	(xrf0) =	vadd.scan.msk.s32 $0xffff, v18  }
0x72: {  	(v2sf) =	vpush v35, $0xF;
	v12 =	vadd.s32 s21, v12;
	vm2 =	vlt.u32 v27, $0xC38;
	v18, _, _ =	vpop (xrf0)  }
0x73: {  	s4 =	simm.s32 $0x40;
	s21 =	simm.s32 $0x20;
	v38 =	vadd.s32 v16, v10;
	(v2sf) =	vpush v16, $0xF;
	v10 =	vshll.u32 v22, $0xD;
	v16, _, _ =	vpop (xrf0);
	(xrf0) =	vadd.scan.msk.s32 $0xffff, v19  }
0x74: {  	v29 =	vadd.s32 s4, v10;
	s4 =	simm.s32 $0x70;
	v10 =	vadd.s32 s21, v9;
	(v2sf) =	vpush v16, $0xF;
	v19, _, _ =	vpop (xrf0)  }
0x75: {  	v20 =	vadd.s32 s4, v13;
	v13 =	vsel vm2, $0x1, v6;
	v22, _, _ =	vpop (xrf0);
	(v2sf) =	vpush v19, $0xF  }
0x76: {  	s21 =	simm.s32 $0x50;
	(xrf0) =	vadd.scan.msk.s32 $0xffff, v13;
	v13 =	vshll.u32 v17, $0xD;
	v17 =	vsel vm7, $0x1, v6;
	(v2sf) =	vpush v22, $0xF;
	v9, _, _ =	vpop (xrf0)  }
0x77: {  	s4 =	simm.s32 $0x90;
	v33 =	vadd.s32 s21, v13;
	v13 =	vshll.u32 v25, $0xD;
	v24, _, _ =	vpop (xrf0);
	(v2sf) =	vpush v9, $0xF  }
0x78: {  	s19 =	simm.s32 $0x60;
	(xrf0) =	vadd.scan.msk.s32 $0xffff, v17;
	v25 =	vadd.s32 s4, v32;
	s4 =	simm.s32 $0x30;
	v17 =	vshll.u32 v26, $0xD;
	(v2sf) =	vpush v24, $0xF  }
0x79: {  	v49 =	vadd.s32 s19, v13;
	v26 =	vadd.s32 s4, v17;
	(v2sf) =	vpush v11, $0xF;
	v30, _, _ =	vpop (xrf0)  }
0x7a: {  	v13 =	vshll.u32 v23, $0xD;
	s4 =	simm.s32 $0xB0;
	v17 =	vshll.u32 v27, $0xD;
	(v2sf) =	vpush v30, $0xF  }
0x7b: {  	v36 =	vadd.s32 s4, v17;
	v17 =	vshll.u32 v15, $0xD;
	(v2sf) =	vpush v8, $0xF  }
0x7c: {  	vm12 =	vlt.u32 v15, $0xC38;
	s21 =	simm.s32 $0x80;
	v23 =	vld [tilespmem:s1+$0x70];
	(v2sf) =	vpush v18, $0xF  }
0x7d: {  	v21 =	vshll.u32 v21, $0xD;
	v50 =	vsel vm12, $0x1, v6;
	v34 =	vadd.s32 s21, v13;
	s21 =	simm.s32 $0xE0;
	v13, _, _ =	vpop (xrf0)  }
0x7e: {  	vm13 =	vlt.u32 v28, $0xC38;
	v39 =	vadd.s32 s21, v17;
	v17, _, _ =	vpop (xrf0);
	(v2sf) =	vpush v13, $0xF  }
0x7f: {  	v31 =	vadd.s32 v4, v31;
	v40 =	vsel vm13, $0x1, v6;
	(v2sf) =	vpush v17, $0xF  }
0x80: {  	v28 =	vadd.s32 v4, v29;
	v27 =	vshll.u32 v14, $0xD;
	s4 =	simm.s32 $0xA0;
	v29 =	vadd.s32 v4, v26;
	(xrf0) =	vadd.scan.msk.s32 $0xffff, v40  }
0x81: {  	v32 =	vadd.s32 v4, v49;
	v21 =	vadd.s32 s4, v21;
	s19 =	spop (v2sf);
	v15 =	vsub.s32 v23, v0  }
0x82: {  	s28 =	simm.s32 $0xF0;
	v26 =	vadd.s32 v4, v34;
	vm11 =	vlt.u32 v15, $0xC38;
	v15 =	vshll.u32 v15, $0xD;
	s4 =	spop (v2sf)  }
0x83: {  	v14 =	vadd.s32 v4, v21;
	v21 =	vadd.s32 v4, v39;
	v23 =	vadd.s32 s28, v15;
	s21 =	sadd.s32 $0x0, s4;
	s29 =	spop (v2sf)  }
0x84: {  	v51 =	vsel vm11, $0x1, v6;
	v15 =	vadd.s32 v4, v36;
	s19 =	sadd.s32 s21, s19;
	v52 =	vmov s21;
	s30 =	spop (v2sf)  }
0x85: {  	v36 =	vadd.s32 v4, v33;
	s29 =	sadd.s32 s19, s29;
	v53 =	vadd.s32 $0xFFFFFFFF, v52;
	v54 =	vmov s19;
	s4 =	spop (v2sf)  }
0x86: {  	v33, _, _ =	vpop (xrf0);
	v41 =	vbroadcast v53, $0x0;
	v34 =	vadd.s32 $0xFFFFFFFF, v54;
	v42 =	vmov s29;
	s19 =	spop (v2sf);
	s21 =	sadd.s32 s29, s4  }
0x87: {  	(xrf0) =	vadd.scan.msk.s32 $0xffff, v50;
	(v2sf) =	vpush v33, $0xF;
	v34 =	vbroadcast v34, $0x0;
	v55 =	vadd.s32 $0xFFFFFFFF, v42;
	s29 =	spop (v2sf);
	s30 =	sadd.s32 s21, s30  }
0x88: {  	(xrf0) =	vadd.scan.msk.s32 $0xffff, v51;
	v43 =	vmov s21;
	v56 =	vadd.s32 v35, v41;
	s4 =	sadd.s32 s30, s29;
	s29 =	spop (v2sf);
	v57 =	vmov s30  }
0x89: {  	v40 =	vbroadcast v55, $0x0;
	v59 =	vadd.s32 $0xFFFFFFFF, v43;
	s29 =	sadd.s32 s4, s29;
	s30 =	spop (v2sf);
	v42 =	vadd.s32 $0xFFFFFFFF, v57  }
0x8a: {  	v58 =	vmov s4;
	v41 =	vbroadcast v59, $0x0;
	s4 =	sadd.s32 s29, s30;
	s30 =	spop (v2sf);
	v60 =	vmov s29  }
0x8b: {  	v43 =	vadd.s32 $0xFFFFFFFF, v58;
	s29 =	sadd.s32 s4, s30;
	s30 =	spop (v2sf);
	v35 =	vadd.s32 $0xFFFFFFFF, v60;
	v45 =	vmov s4  }
0x8c: {  	s25 =	sadd.s32 $0x1, s25;
	s31 =	sadd.s32 $0x100, s1;
	s21 =	sadd.s32 s29, s30;
	v44 =	vbroadcast v35, $0x0;
	v61 =	vadd.s32 $0xFFFFFFFF, v45;
	v62 =	vmov s29  }
0x8d: {  	[tilespmem:v38+s11+$0x0] =	vst.idx.msk vm15, v37;
	v37, _, _ =	vpop (xrf0);
	s4 =	spop (v2sf);
	s30 =	simm.s32 $0x0;
	s29 =	sadd.s32 s21, s19;
	v35 =	vbroadcast v61, $0x0;
	v63 =	vadd.s32 $0xFFFFFFFF, v62;
	v46 =	vmov s21  }
0x8e: {  	[tilespmem:v56+s11+$0x0] =	vst.idx.msk vm14, v31;
	v31, _, _ =	vpop (xrf0);
	s1 =	spop (v2sf);
	s19 =	sadd.s32 s29, s4;
	v45 =	vbroadcast v63, $0x0;
	v39 =	vadd.s32 $0xFFFFFFFF, v46;
	v38 =	vmov s29;
	s29 =	simm.s32 $0xF0  }
.LBB2_10:
0x8f: {  	v46 =	vld [tilespmem:s31+$0xFFFFFF90];
	v42 =	vbroadcast v42, $0x0;
	_ =	sdelay $0x1  }
0x90: {  	v24 =	vadd.s32 v24, v42;
	_ =	sdelay $0x2  }
0x91: {  	v50 =	vsub.s32 v46, v0  }
0x92: {  	vm14 =	vlt.u32 v50, $0xC38  }
0x93: {  	[tilespmem:v24+s11+$0x0] =	vst.idx.msk vm6, v36;
	v24 =	vsel vm14, $0x1, v6  }
0x94: {  	v30 =	vadd.s32 v30, v44;
	(xrf0) =	vadd.scan.msk.s32 $0xffff, v24;
	v24 =	vld [tilespmem:$0x1FFF0]  }
0x95: {  	v61 =	vld [tilespmem:s31+$0x60]  }
0x96: {  	v43 =	vbroadcast v43, $0x0;
	vm15 =	vmmov vm5;
	vm0 =	vmmov vm8;
	v63 =	vld [tilespmem:s31+$0x40]  }
0x97: {  	s1 =	sadd.s32 s19, s1;
	v48 =	vld [tilespmem:s31+$0x20];
	(v2sf) =	vpush v37, $0xF;
	v20 =	vadd.s32 v4, v20;
	v18 =	vadd.s32 v18, v45  }
0x98: {  	v51 =	vld [tilespmem:s31+$0x10];
	v22 =	vadd.s32 v22, v40;
	v62 =	vmov s1;
	v19 =	vadd.s32 v19, v41  }
0x99: {  	v52 =	vld [tilespmem:s31+$0x0];
	v8 =	vadd.s32 v8, v35;
	v40 =	vadd.s32 $0xFFFFFFFF, v62;
	[tilespmem:v30+s11+$0x0] =	vst.idx.msk vm4, v20;
	vm4 =	vnez.u8 v24  }
0x9a: {  	v25 =	vadd.s32 v4, v25;
	v54 =	vld [tilespmem:s31+$0xFFFFFFE0];
	v11 =	vadd.s32 v11, v43;
	v40 =	vbroadcast v40, $0x0  }
0x9b: {  	v49 =	vld [tilespmem:s31+$0x30];
	v12 =	vadd.s32 v4, v12;
	v10 =	vadd.s32 v4, v10;
	v23 =	vadd.s32 v4, v23  }
0x9c: {  	v56 =	vmov s19;
	v16 =	vadd.s32 v16, v34;
	v30 =	vadd.s32 v33, v40;
	[tilespmem:v18+s11+$0x0] =	vst.idx.msk vm10, v25  }
0x9d: {  	s21 =	sadd.s32 $0xFFFFFFD0, s29;
	(v2sf) =	vpush v31, $0xF;
	v53 =	vsub.s32 v61, v0;
	v55 =	vsub.s32 v48, v0;
	[tilespmem:v19+s11+$0x0] =	vst.idx.msk vm9, v28  }
0x9e: {  	v58 =	vsub.s32 v51, v0;
	v20 =	vadd.s32 s21, v27;
	v27 =	vsub.s32 v63, v0;
	[tilespmem:v8+s11+$0x0] =	vst.idx.msk vm0, v26;
	v25 =	vld [tilespmem:s31+$0xFFFFFFF0]  }
0x9f: {  	vm5 =	vlt.u32 v55, $0xC38;
	v28 =	vsub.s32 v52, v0;
	v26 =	vsub.s32 v54, v0;
	s4 =	spop (v2sf);
	[tilespmem:v11+s11+$0x0] =	vst.idx.msk vm4, v32;
	v11 =	vld [tilespmem:s31+$0xFFFFFFB0]  }
0xa0: {  	vm10 =	vlt.u32 v58, $0xC38;
	v63 =	vsub.s32 v49, v0;
	v18 =	vadd.s32 v4, v20;
	s1 =	sadd.s32 s1, s4  }
0xa1: {  	v20 =	vshll.u32 v50, $0xD;
	vm8 =	vlt.u32 v28, $0xC38;
	v19 =	vld [tilespmem:s31+$0xFFFFFFD0];
	[tilespmem:v30+s11+$0x0] =	vst.idx.msk vm13, v12;
	v12 =	vmov s1  }
0xa2: {  	s28 =	sadd.s32 $0x100, s28;
	vm0 =	vlt.u32 v26, $0xC38;
	v61 =	vsel vm5, $0x1, v6;
	v12 =	vadd.s32 $0xFFFFFFFF, v12;
	[tilespmem:v22+s11+$0x0] =	vst.idx.msk vm1, v29;
	v22 =	vld [tilespmem:s31+$0xFFFFFFA0]  }
0xa3: {  	v25 =	vsub.s32 v25, v0;
	v24 =	vbroadcast v39, $0x0;
	s4 =	sadd.s32 $0xFFFFFF20, s28;
	[tilespmem:v16+s11+$0x0] =	vst.idx.msk vm3, v10;
	v10 =	vbroadcast v12, $0x0;
	v12 =	vld [tilespmem:s31+$0xFFFFFF80]  }
0xa4: {  	v59, _, _ =	vpop (xrf0);
	v57 =	vadd.s32 s4, v20;
	v20 =	vld [tilespmem:s31+$0xFFFFFFC0];
	v60 =	vsub.s32 v11, v0;
	v11 =	vimm.s32 $0x0  }
0xa5: {  	(v2sf) =	vpush v59, $0xF;
	v8 =	vadd.s32 v37, v10;
	v11 =	vsel vm0, $0xFFFFFFFF, v11  }
0xa6: {  	v9 =	vadd.s32 v9, v24;
	v50 =	vadd.s32 v4, v57;
	[tilespmem:$0x1FFF0] =	vst v11;
	v11 =	vsel vm0, $0x1, v6  }
0xa7: {  	vm4 =	vlt.u32 v25, $0xC38;
	v29 =	vsub.s32 v19, v0;
	v16 =	vadd.s32 $0xFFFFFFFF, v56;
	(xrf0) =	vadd.scan.msk.s32 $0xffff, v11  }
0xa8: {  	v30 =	vsel vm4, $0x1, v6;
	vm6 =	vlt.u32 v29, $0xC38;
	v12 =	vsub.s32 v12, v0  }
0xa9: {  	s21 =	spop (v2sf);
	v16 =	vbroadcast v16, $0x0;
	v19 =	vsub.s32 v20, v0;
	vm13 =	vlt.u32 v12, $0xC38  }
0xaa: {  	v24 =	vld [tilespmem:s31+$0x50];
	s1 =	sadd.s32 s1, s21;
	v20 =	vadd.s32 $0xFFFFFFFF, v38;
	[tilespmem:v8+s11+$0x0] =	vst.idx.msk vm12, v21;
	v21 =	vsel vm8, $0x1, v6;
	v11 =	vsel vm13, $0x1, v6  }
0xab: {  	vm9 =	vlt.u32 v19, $0xC38;
	v22 =	vsub.s32 v22, v0;
	v8 =	vmov s1;
	(xrf0) =	vadd.scan.msk.s32 $0xffff, v21  }
0xac: {  	vm3 =	vlt.u32 v22, $0xC38;
	v8 =	vadd.s32 $0xFFFFFFFF, v8;
	v21 =	vsel vm10, $0x1, v6;
	(xrf0) =	vadd.scan.msk.s32 $0xffff, v11  }
0xad: {  	s4 =	spop (v2sf);
	v16 =	vadd.s32 v17, v16;
	v62 =	vsel vm3, $0x1, v6;
	v8 =	vbroadcast v8, $0x0;
	v11, _, _ =	vpop (xrf0);
	(xrf0) =	vadd.scan.msk.s32 $0xffff, v21  }
0xae: {  	v20 =	vbroadcast v20, $0x0;
	v17 =	vsel vm9, $0x1, v6;
	vm1 =	vlt.u32 v60, $0xC38;
	s1 =	sadd.s32 s1, s4;
	(xrf0) =	vadd.scan.msk.s32 $0xffff, v62  }
0xaf: {  	v44 =	vsel vm1, $0x1, v6;
	v21 =	vsub.s32 v24, v0;
	v24 =	vmov s1;
	(xrf0) =	vadd.scan.msk.s32 $0xffff, v17  }
0xb0: {  	v17 =	vadd.s32 v31, v8;
	v31 =	vshll.u32 v12, $0xD;
	v12 =	vadd.s32 $0xFFFFFFFF, v24  }
0xb1: {  	s21 =	sadd.s32 $0xFFFFFF10, s28;
	[tilespmem:v9+s11+$0x0] =	vst.idx.msk vm15, v14;
	v13 =	vadd.s32 v13, v20;
	v8, _, _ =	vpop (xrf0);
	(xrf0) =	vadd.scan.msk.s32 $0xffff, v44;
	v12 =	vbroadcast v12, $0x0  }
0xb2: {  	v10 =	vsel vm6, $0x1, v6;
	vm12 =	vlt.u32 v53, $0xC38;
	v24 =	vadd.s32 s21, v31;
	v20, _, _ =	vpop (xrf0);
	(xrf0) =	vadd.scan.msk.s32 $0xffff, v61  }
0xb3: {  	[tilespmem:v16+s11+$0x0] =	vst.idx.msk vm7, v18;
	v14 =	vadd.s32 v4, v24;
	(xrf0) =	vadd.scan.msk.s32 $0xffff, v10;
	v24 =	vadd.s32 v20, v12;
	v18, _, _ =	vpop (xrf0)  }
0xb4: {  	s4 =	sadd.s32 $0xFFFFFFE0, s28;
	vm7 =	vlt.u32 v27, $0xC38;
	v9 =	vshll.u32 v21, $0xD;
	(v2sf) =	vpush v20, $0xF;
	v16, _, _ =	vpop (xrf0)  }
0xb5: {  	v12 =	vadd.s32 s4, v9;
	v9 =	vshll.u32 v22, $0xD;
	v10 =	vshll.u32 v19, $0xD;
	v19, _, _ =	vpop (xrf0);
	(xrf0) =	vadd.scan.msk.s32 $0xffff, v30  }
0xb6: {  	[tilespmem:v13+s11+$0x0] =	vst.idx.msk vm2, v15;
	v13 =	vshll.u32 v58, $0xD;
	vm2 =	vlt.u32 v63, $0xC38;
	s19 =	spop (v2sf);
	s21 =	sadd.s32 $0xFFFFFF50, s28;
	(v2sf) =	vpush v16, $0xF  }
0xb7: {  	v15 =	vshll.u32 v29, $0xD;
	s4 =	sadd.s32 $0xFFFFFF30, s28;
	[tilespmem:v17+s11+$0x0] =	vst.idx.msk vm11, v23;
	v23 =	vadd.s32 s21, v10;
	v22, _, _ =	vpop (xrf0);
	(v2sf) =	vpush v19, $0xF  }
0xb8: {  	v10 =	vadd.s32 s4, v9;
	(v2sf) =	vpush v22, $0xF;
	v9, _, _ =	vpop (xrf0);
	[tilespmem:v24+s11+$0x0] =	vst.idx.msk vm13, v14;
	v14 =	vsel vm2, $0x1, v6  }
0xb9: {  	v20 =	vshll.u32 v25, $0xD;
	s21 =	sadd.s32 $0xFFFFFF80, s28;
	s4 =	sadd.s32 $0xFFFFFF60, s28;
	v17 =	vsel vm7, $0x1, v6;
	v24, _, _ =	vpop (xrf0);
	(v2sf) =	vpush v9, $0xF;
	(xrf0) =	vadd.scan.msk.s32 $0xffff, v14  }
0xba: {  	v20 =	vadd.s32 s21, v20;
	s21 =	sadd.s32 $0xFFFFFFA0, s28;
	v31 =	vadd.s32 s4, v15;
	(v2sf) =	vpush v24, $0xF;
	(xrf0) =	vadd.scan.msk.s32 $0xffff, v17  }
0xbb: {  	v25 =	vadd.s32 s21, v13;
	s21 =	sadd.s32 $0xFFFFFF40, s28;
	v13 =	vshll.u32 v60, $0xD;
	(v2sf) =	vpush v11, $0xF;
	v30, _, _ =	vpop (xrf0)  }
0xbc: {  	v15 =	vadd.s32 s21, v13;
	v13 =	vshll.u32 v28, $0xD;
	(v2sf) =	vpush v30, $0xF  }
0xbd: {  	v27 =	vshll.u32 v27, $0xD;
	v36 =	vadd.s32 v4, v31;
	(v2sf) =	vpush v8, $0xF  }
0xbe: {  	v29 =	vld [tilespmem:s31+$0x70];
	s21 =	sadd.s32 $0xFFFFFF90, s28;
	v28 =	vshll.u32 v63, $0xD;
	vm13 =	vlt.u32 v21, $0xC38;
	(v2sf) =	vpush v18, $0xF  }
0xbf: {  	s4 =	sadd.s32 $0xFFFFFF70, s28;
	v14 =	vshll.u32 v26, $0xD;
	v26 =	vadd.s32 s21, v13;
	s21 =	sadd.s32 $0xFFFFFFC0, s28;
	v47 =	vsel vm13, $0x1, v6;
	v13, _, _ =	vpop (xrf0)  }
0xc0: {  	v45 =	vadd.s32 s4, v14;
	v46 =	vadd.s32 s21, v28;
	(v2sf) =	vpush v13, $0xF;
	v17, _, _ =	vpop (xrf0)  }
0xc1: {  	s4 =	sadd.s32 $0xFFFFFFF0, s28;
	v28 =	vshll.u32 v53, $0xD;
	s21 =	sadd.s32 $0xFFFFFFB0, s28;
	v14 =	vshll.u32 v55, $0xD;
	(v2sf) =	vpush v17, $0xF  }
0xc2: {  	v26 =	vadd.s32 v4, v26;
	v21 =	vadd.s32 s4, v28;
	v14 =	vadd.s32 s21, v14  }
0xc3: {  	v28 =	vadd.s32 v4, v23;
	v23 =	vsub.s32 v29, v0;
	v29 =	vsel vm12, $0x1, v6  }
0xc4: {  	v32 =	vadd.s32 v4, v45;
	vm11 =	vlt.u32 v23, $0xC38;
	v23 =	vshll.u32 v23, $0xD;
	(xrf0) =	vadd.scan.msk.s32 $0xffff, v47;
	s4 =	spop (v2sf)  }
0xc5: {  	v14 =	vadd.s32 v4, v14;
	v21 =	vadd.s32 v4, v21;
	v23 =	vadd.s32 s28, v23;
	s1 =	sadd.s32 s1, s4;
	s21 =	spop (v2sf)  }
0xc6: {  	v48 =	vsel vm11, $0x1, v6;
	(xrf0) =	vadd.scan.msk.s32 $0xffff, v29;
	v29 =	vadd.s32 v4, v15;
	v49 =	vmov s1;
	s1 =	sadd.s32 s1, s19;
	s4 =	spop (v2sf)  }
0xc7: {  	v15 =	vadd.s32 v4, v46;
	v31 =	vadd.s32 $0xFFFFFFFF, v49;
	v51 =	vmov s1;
	s1 =	sadd.s32 s1, s21;
	s19 =	spop (v2sf)  }
0xc8: {  	v52 =	vbroadcast v31, $0x0;
	v34 =	vadd.s32 $0xFFFFFFFF, v51;
	v53 =	vmov s1;
	s21 =	spop (v2sf);
	s1 =	sadd.s32 s1, s19  }
0xc9: {  	v34 =	vbroadcast v34, $0x0;
	v54 =	vadd.s32 $0xFFFFFFFF, v53;
	s19 =	spop (v2sf);
	v55 =	vmov s1;
	s1 =	sadd.s32 s1, s4  }
0xca: {  	s30 =	sadd.s32 $0x10, s30;
	(xrf0) =	vadd.scan.msk.s32 $0xffff, v48;
	v33, _, _ =	vpop (xrf0);
	v35 =	vadd.s32 v59, v52;
	v40 =	vbroadcast v54, $0x0;
	v56 =	vmov s1;
	s1 =	sadd.s32 s1, s19;
	s19 =	spop (v2sf)  }
0xcb: {  	p1 =	slt.u32 s30, $0x130;
	(v2sf) =	vpush v33, $0xF;
	v41 =	vadd.s32 $0xFFFFFFFF, v55;
	v57 =	vmov s1;
	s1 =	sadd.s32 s1, s19;
	s19 =	spop (v2sf)  }
.Ltmp7:
0xcc: {  	v42 =	vadd.s32 $0xFFFFFFFF, v56;
	v41 =	vbroadcast v41, $0x0;
	v58 =	vmov s1;
	s1 =	sadd.s32 s1, s19;
	s19 =	spop (v2sf);
	(pc) =	sbr.rel @p1 .LBB2_10-.Ltmp7, $4  }
0xcd: {  	v43 =	vadd.s32 $0xFFFFFFFF, v57;
	v39 =	vadd.s32 $0xFFFFFFFF, v58;
	v59 =	vmov s1;
	s1 =	sadd.s32 s1, s19;
	s19 =	spop (v2sf)  }
0xce: {  	v44 =	vbroadcast v39, $0x0;
	v60 =	vadd.s32 $0xFFFFFFFF, v59;
	v61 =	vmov s1;
	s1 =	sadd.s32 s1, s19  }
0xcf: {  	s29 =	smov.u32 s28;
	v37, _, _ =	vpop (xrf0);
	[tilespmem:v35+s11+$0x0] =	vst.idx.msk vm14, v50;
	v35 =	vbroadcast v60, $0x0;
	v62 =	vadd.s32 $0xFFFFFFFF, v61;
	v63 =	vmov s1;
	s1 =	sadd.s32 s1, s21;
	s21 =	spop (v2sf)  }
0xd0: {  	s31 =	sadd.s32 $0x100, s31;
	v31, _, _ =	vpop (xrf0);
	v45 =	vbroadcast v62, $0x0;
	v39 =	vadd.s32 $0xFFFFFFFF, v63;
	v38 =	vmov s1;
	s19 =	sadd.s32 s1, s21;
	s1 =	spop (v2sf)  }
0xd1: {  	(v2sf) =	vpush v37, $0xF;
	_ =	sdelay $0x3  }
0xd2: {  	v30 =	vadd.s32 v30, v44  }
0xd3: {  	v42 =	vbroadcast v42, $0x0;
	s1 =	sadd.s32 s19, s1;
	v19 =	vadd.s32 v19, v41  }
0xd4: {  	v18 =	vadd.s32 v18, v45;
	v63 =	vmov s1  }
0xd5: {  	v24 =	vadd.s32 v24, v42;
	v47 =	vadd.s32 $0xFFFFFFFF, v63  }
0xd6: {  	v20 =	vadd.s32 v4, v20;
	v48 =	vbroadcast v47, $0x0  }
0xd7: {  	[tilespmem:v30+s11+$0x0] =	vst.idx.msk vm4, v20  }
0xd8: {  	v25 =	vadd.s32 v4, v25;
	(v2sf) =	vpush v31, $0xF;
	v49 =	vadd.s32 v33, v48;
	[tilespmem:v19+s11+$0x0] =	vst.idx.msk vm9, v28  }
0xd9: {  	[tilespmem:v18+s11+$0x0] =	vst.idx.msk vm10, v25  }
0xda: {  	v43 =	vbroadcast v43, $0x0;
	v51 =	vmov s19;
	v8 =	vadd.s32 v8, v35;
	[tilespmem:v24+s11+$0x0] =	vst.idx.msk vm6, v36  }
0xdb: {  	v22 =	vadd.s32 v22, v40;
	v12 =	vadd.s32 v4, v12;
	v18 =	vadd.s32 $0xFFFFFFFF, v51;
	v28 =	vld [tilespmem:$0x1FFF0]  }
0xdc: {  	v54 =	vbroadcast v39, $0x0;
	v58 =	vadd.s32 $0xFFFFFFFF, v38;
	v18 =	vbroadcast v18, $0x0;
	s4 =	spop (v2sf)  }
0xdd: {  	vm0 =	vmmov vm5;
	v16 =	vadd.s32 v16, v34;
	s1 =	sadd.s32 s1, s4;
	[tilespmem:v49+s11+$0x0] =	vst.idx.msk vm13, v12;
	v12 =	vbroadcast v58, $0x0;
	s21 =	spop (v2sf)  }
0xde: {  	v9 =	vadd.s32 v9, v54;
	v17 =	vadd.s32 v17, v18;
	v50 =	vmov s1;
	s1 =	sadd.s32 s1, s21  }
0xdf: {  	[tilespmem:v8+s11+$0x0] =	vst.idx.msk vm8, v26;
	v52 =	vadd.s32 $0xFFFFFFFF, v50;
	v8 =	vadd.s32 v13, v12;
	v55 =	vmov s1  }
0xe0: {  	v53 =	vbroadcast v52, $0x0;
	vm15 =	vnez.u8 v28;
	v57 =	vadd.s32 $0xFFFFFFFF, v55  }
0xe1: {  	v10 =	vadd.s32 v4, v10;
	s30 =	sadd.s32 $0xFFFFFFD0, s29;
	v11 =	vadd.s32 v11, v43;
	[tilespmem:v22+s11+$0x0] =	vst.idx.msk vm1, v29;
	v59 =	vbroadcast v57, $0x0  }
0xe2: {  	v61 =	vadd.s32 s30, v27;
	[tilespmem:v16+s11+$0x0] =	vst.idx.msk vm3, v10;
	v56 =	vadd.s32 v37, v53  }
0xe3: {  	v62 =	vadd.s32 v4, v61;
	[tilespmem:v9+s11+$0x0] =	vst.idx.msk vm0, v14;
	v60 =	vadd.s32 v31, v59  }
0xe4: {  	[tilespmem:v17+s11+$0x0] =	vst.idx.msk vm7, v62  }
0xe5: {  	[tilespmem:v8+s11+$0x0] =	vst.idx.msk vm2, v15  }
0xe6: {  	[tilespmem:v11+s11+$0x0] =	vst.idx.msk vm15, v32  }
0xe7: {  	v63 =	vadd.s32 v4, v23;
	s31 =	spop (v2sf);
	[tilespmem:v56+s11+$0x0] =	vst.idx.msk vm12, v21  }
0xe8: {  	s1 =	sadd.s32 s1, s31;
	[tilespmem:v60+s11+$0x0] =	vst.idx.msk vm11, v63  }
0xe9: {  	s4 =	sadd.s32 $0x7F, s1;
	[tilespmem:s1+$0x2800] =	vst v7  }
0xea: {  	s28 =	sshra.s32 s4, $0x7;
	[tilespmem:s1+$0x2810] =	vst v7  }
0xeb: {  	p1 =	slt.s32 s28, $0x1;
	[tilespmem:s1+$0x2820] =	vst v7  }
.Ltmp8:
0xec: {  	[tilespmem:s1+$0x2830] =	vst v7;
	(pc) =	sbr.rel @p1 .LBB2_8-.Ltmp8, $4  }
0xed: {  	[tilespmem:s1+$0x2840] =	vst v7  }
0xee: {  	[tilespmem:s1+$0x2850] =	vst v7  }
0xef: {  	[tilespmem:s1+$0x2860] =	vst v7  }
0xf0: {  	vm14 =	vmmov vm8;
	[tilespmem:s1+$0x2870] =	vst v7  }
0xf1: {  	s29 =	sshll.u32 s28, $0x3  }
0xf2: {  	p2 =	sgt.s32 s29, $0x4  }
.Ltmp9:
0xf3: {  	s4 =	simm.s32 $0x2820;
	(pc) =	sbr.rel @!p2 .LBB2_13-.Ltmp9, $4  }
0xf4: {  	v11 =	vld [tilespmem:s4+$0xFFFFFFE0]  }
0xf5: {  	v9 =	vld [tilespmem:s4+$0x10]  }
0xf6: {  	v10 =	vld [tilespmem:s4+$0x0]  }
0xf7: {  	v8 =	vmov s26;
	s26 =	simm.s32 $0x0;
	s19 =	simm.s32 $0x3D20;
	p1 =	por $0x0, $0x0;
	v12 =	vld [tilespmem:s4+$0xFFFFFFF0]  }
0xf8: {  	p3 =	sgt.s32 s29, $0x8  }
.Ltmp10:
0xf9: {  	s30 =	simm.s32 $0x2860;
	v13 =	vand.u32 $0x1FFF, v11;
	(pc) =	sbr.rel @!p3 .LBB2_15-.Ltmp10, $4  }
0xfa: {  	v11 =	vld [tilespmem:s30+$0xFFFFFFE0];
	v13 =	vadd.s32 v8, v13;
	v14 =	vand.u32 $0x1FFF, v9  }
0xfb: {  	v9 =	vld [tilespmem:s30+$0x10];
	[tilespmem:s19+$0xFFFFFFE0] =	vst v13;
	v13 =	vand.u32 $0x1FFF, v10;
	v14 =	vadd.s32 v8, v14  }
0xfc: {  	v10 =	vld [tilespmem:s30+$0x0];
	v15 =	vand.u32 $0x1FFF, v12;
	v16 =	vadd.s32 v8, v13;
	[tilespmem:s19+$0x10] =	vst v14  }
0xfd: {  	s31 =	simm.s32 $0x8;
	p2 =	por $0x1, $0x1;
	s21 =	simm.s32 $0x3D20;
	v12 =	vld [tilespmem:s30+$0xFFFFFFF0];
	v13 =	vadd.s32 v8, v15;
	[tilespmem:s19+$0x0] =	vst v16  }
.LBB2_16:
0xfe: {  	s31 =	sadd.s32 $0x4, s31  }
0xff: {  	[tilespmem:s21+$0xFFFFFFF0] =	vst v13;
	s21 =	sadd.s32 $0x40, s21;
	p3 =	slt.s32 s31, s29  }
.Ltmp11:
0x100: {  	s30 =	sadd.s32 $0x40, s30;
	v13 =	vand.u32 $0x1FFF, v11;
	(pc) =	sbr.rel @p3 .LBB2_16-.Ltmp11, $4  }
0x101: {  	v11 =	vld [tilespmem:s30+$0xFFFFFFE0];
	v13 =	vadd.s32 v8, v13;
	v14 =	vand.u32 $0x1FFF, v9  }
0x102: {  	v9 =	vld [tilespmem:s30+$0x10];
	[tilespmem:s21+$0xFFFFFFE0] =	vst v13;
	v13 =	vand.u32 $0x1FFF, v10;
	v14 =	vadd.s32 v8, v14  }
0x103: {  	v10 =	vld [tilespmem:s30+$0x0];
	v15 =	vand.u32 $0x1FFF, v12;
	v16 =	vadd.s32 v8, v13;
	[tilespmem:s21+$0x10] =	vst v14  }
0x104: {  	v12 =	vld [tilespmem:s30+$0xFFFFFFF0];
	v13 =	vadd.s32 v8, v15;
	[tilespmem:s21+$0x0] =	vst v16  }
.LBB2_17:
0x105: {  	_ = 	snop  }
0x106: {  	s4 =	sadd.s32 @p2 $0x40, s21;
	v11 =	vand.u32 $0x1FFF, v11  }
0x107: {  	[tilespmem:s21+$0xFFFFFFF0] =	vst @p2 v13;
	s19 =	smov.u32 @p2 s4;
	v11 =	vadd.s32 v8, v11;
	v9 =	vand.u32 $0x1FFF, v9  }
.Ltmp12:
0x108: {  	[tilespmem:s19+$0xFFFFFFE0] =	vst v11;
	v10 =	vand.u32 $0x1FFF, v10;
	v9 =	vadd.s32 v8, v9;
	(pc) =	sbr.rel .LBB2_18-.Ltmp12, $4  }
0x109: {  	v63 =	vand.u32 $0x1FFF, v12;
	v10 =	vadd.s32 v8, v10;
	[tilespmem:s19+$0x10] =	vst v9  }
0x10a: {  	v8 =	vadd.s32 v8, v63;
	[tilespmem:s19+$0x0] =	vst v10  }
0x10b: {  	s29 =	sadd.s32 $0xF, s1;
	[tilespmem:s19+$0xFFFFFFF0] =	vst v8  }
0x10c: {  	[tilespmem:s14], [sflag:$0x2] =	stream.indirect.gather [hbm4b:s5+s12], $0x10, s13, s12, $0xb8;
	[tilespmem:$0x1F758] =	vst v63  }
.LBB2_21:
0x10d: {  	[tilespmem:s21+$0x6400] =	vst v10  }
0x10e: {  	[tilespmem:s21+$0x12790] =	vst v9  }
0x10f: {  	s1 =	spop (v2sf);
	v9 =	vld [tilespmem:s19+$0x50]  }
0x110: {  	v10 =	vld [tilespmem:s1+$0x12790]  }
0x111: {  	v11 =	vld [tilespmem:s1+$0x6400];
	_ =	sdelay $0x2  }
0x112: {  	(v2sf) =	vpush v8, $0xF;
	_ =	sdelay $0x1  }
0x113: {  	v8 =	vadd.f32 v10, v9;
	v9 =	vmax.f32 v11, v9  }
0x114: {  	[tilespmem:s1+$0x6400] =	vst v9  }
0x115: {  	[tilespmem:s1+$0x12790] =	vst v8  }
0x116: {  	s30 =	spop (v2sf);
	v8 =	vld [tilespmem:s19+$0x60]  }
0x117: {  	v9 =	vld [tilespmem:s30+$0x12790]  }
0x118: {  	v62 =	vld [tilespmem:s30+$0x6400];
	_ =	sdelay $0x4  }
0x119: {  	v9 =	vadd.f32 v9, v8;
	v8 =	vmax.f32 v62, v8  }
0x11a: {  	[tilespmem:s30+$0x6400] =	vst v8  }
0x11b: {  	[tilespmem:s30+$0x12790] =	vst v9  }
0x11c: {  	s31 =	spop (v2sf);
	v8 =	vld [tilespmem:s19+$0x70]  }
0x11d: {  	v9 =	vld [tilespmem:s31+$0x12790]  }
0x11e: {  	v63 =	vld [tilespmem:s31+$0x6400];
	_ =	sdelay $0x4  }
0x11f: {  	v9 =	vadd.f32 v9, v8;
	v8 =	vmax.f32 v63, v8  }
0x120: {  	[tilespmem:s31+$0x6400] =	vst v8  }
0x121: {  	[tilespmem:s31+$0x12790] =	vst v9  }
.LBB2_22:
0x122: {  	p2 =	seq.s32 s26, s28  }
.Ltmp13:
0x123: {  	_ = 	snop;
	(pc) =	sbr.rel @p2 .LBB2_8-.Ltmp13, $4  }
0x124: {  	_ = 	snop  }
0x125: {  	_ =	swait.ge [sflag:s18], $0x80  }
0x126: {  	[sflag:s18] =	ssyncset.done $0x0  }
0x127: {  	p1 =	por !p1, !p1;
	[sflag:s18] =	ssyncadd.s32 $0xFFFFFF80  }
.LBB2_18:
0x128: {  	s1 =	smov.u32 s26;
	s26 =	sadd.s32 $0x1, s26;
	_ =	swait.ge [sflag:s15], $0x800  }
0x129: {  	p2 =	sge.s32 s26, s28;
	[sflag:s15] =	ssyncset.done $0x0  }
0x12a: {  	s4 =	sand.u32 $0x1, s1;
	s19 =	sshll.u32 @!p2 s1, $0x9;
	[sflag:s15] =	ssyncadd.s32 $0xFFFFF800  }
0x12b: {  	s4 =	sshll.u32 @!p2 s4, $0xB;
	s21 =	simm.s32 @!p2 $0x80;
	s19 =	sshra.s32 @!p2 s19, $0x2  }
0x12c: {  	s1 =	sshll.u32 s1, $0x7;
	s4 =	sxor.u32 @!p2 $0x5B00, s4;
	s19 =	sadd.s32 @!p2 $0x3D80, s19  }
0x12d: {  	[tilespmem:s4], [sflag:$0x2] =	stream.indirect.gather @!p2 [hbm4b:s5+s21], $0x10, s19, s21, $0xb8;
	[tilespmem:$0x1F758] =	vst v63  }
0x12e: {  	v8 =	vld [tilespmem:s1+$0x2800];
	_ =	sdelay $0x4  }
0x12f: {  	v9 =	vshra.s32 v8, $0xD  }
0x130: {  	vm0 =	vgt.s32 v8, $0xFFFFFFFF;
	v8 =	vadd.s32 v1, v9  }
0x131: {  	v8 =	vnsel vm0, $0xFFFFFFFF, v8  }
0x132: {  	[tilespmem:$0x5200] =	vst v8;
	v8 =	vnsel vm0, $0xC38, v9  }
0x133: {  	[tilespmem:$0x5280] =	vst v8  }
0x134: {  	v8 =	vld [tilespmem:s1+$0x2810];
	_ =	sdelay $0x4  }
0x135: {  	v57 =	vshra.s32 v8, $0xD  }
0x136: {  	vm9 =	vgt.s32 v8, $0xFFFFFFFF;
	v8 =	vadd.s32 v1, v57  }
0x137: {  	v8 =	vnsel vm9, $0xFFFFFFFF, v8  }
0x138: {  	[tilespmem:$0x5210] =	vst v8;
	v8 =	vnsel vm9, $0xC38, v57  }
0x139: {  	[tilespmem:$0x5290] =	vst v8  }
0x13a: {  	v8 =	vld [tilespmem:s1+$0x2820];
	_ =	sdelay $0x4  }
0x13b: {  	v58 =	vshra.s32 v8, $0xD  }
0x13c: {  	vm10 =	vgt.s32 v8, $0xFFFFFFFF;
	v8 =	vadd.s32 v1, v58  }
0x13d: {  	v8 =	vnsel vm10, $0xFFFFFFFF, v8  }
0x13e: {  	[tilespmem:$0x5220] =	vst v8;
	v8 =	vnsel vm10, $0xC38, v58  }
0x13f: {  	[tilespmem:$0x52A0] =	vst v8  }
0x140: {  	v8 =	vld [tilespmem:s1+$0x2830];
	_ =	sdelay $0x4  }
0x141: {  	v59 =	vshra.s32 v8, $0xD  }
0x142: {  	vm11 =	vgt.s32 v8, $0xFFFFFFFF;
	v8 =	vadd.s32 v1, v59  }
0x143: {  	v8 =	vnsel vm11, $0xFFFFFFFF, v8  }
0x144: {  	[tilespmem:$0x5230] =	vst v8;
	v8 =	vnsel vm11, $0xC38, v59  }
0x145: {  	[tilespmem:$0x52B0] =	vst v8  }
0x146: {  	v8 =	vld [tilespmem:s1+$0x2840];
	_ =	sdelay $0x4  }
0x147: {  	v60 =	vshra.s32 v8, $0xD  }
0x148: {  	vm12 =	vgt.s32 v8, $0xFFFFFFFF;
	v8 =	vadd.s32 v1, v60  }
0x149: {  	v8 =	vnsel vm12, $0xFFFFFFFF, v8  }
0x14a: {  	[tilespmem:$0x5240] =	vst v8;
	v8 =	vnsel vm12, $0xC38, v60  }
0x14b: {  	[tilespmem:$0x52C0] =	vst v8  }
0x14c: {  	v8 =	vld [tilespmem:s1+$0x2850];
	_ =	sdelay $0x4  }
0x14d: {  	v61 =	vshra.s32 v8, $0xD  }
0x14e: {  	vm13 =	vgt.s32 v8, $0xFFFFFFFF;
	v8 =	vadd.s32 v1, v61  }
0x14f: {  	v8 =	vnsel vm13, $0xFFFFFFFF, v8  }
0x150: {  	[tilespmem:$0x5250] =	vst v8;
	v8 =	vnsel vm13, $0xC38, v61  }
0x151: {  	[tilespmem:$0x52D0] =	vst v8  }
0x152: {  	v8 =	vld [tilespmem:s1+$0x2860];
	_ =	sdelay $0x4  }
0x153: {  	v62 =	vshra.s32 v8, $0xD  }
0x154: {  	vm14 =	vgt.s32 v8, $0xFFFFFFFF;
	v8 =	vadd.s32 v1, v62  }
0x155: {  	v8 =	vnsel vm14, $0xFFFFFFFF, v8  }
0x156: {  	[tilespmem:$0x5260] =	vst v8;
	v8 =	vnsel vm14, $0xC38, v62  }
0x157: {  	[tilespmem:$0x52E0] =	vst v8  }
0x158: {  	v8 =	vld [tilespmem:s1+$0x2870];
	_ =	sdelay $0x2  }
0x159: {  	s1 =	ssub.s32 s29, s1  }
0x15a: {  	s1 =	sshra.s32 s1, $0x4  }
0x15b: {  	p2 =	slt.s32 s1, $0x1;
	v63 =	vshra.s32 v8, $0xD  }
.Ltmp14:
0x15c: {  	vm15 =	vgt.s32 v8, $0xFFFFFFFF;
	v8 =	vadd.s32 v1, v63;
	(pc) =	sbr.rel @p2 .LBB2_22-.Ltmp14, $4  }
0x15d: {  	v8 =	vnsel vm15, $0xFFFFFFFF, v8  }
0x15e: {  	[tilespmem:$0x5270] =	vst v8;
	v8 =	vnsel vm15, $0xC38, v63  }
0x15f: {  	[tilespmem:$0x52F0] =	vst v8;
	(ifvalue) =	ssetifvalue $0xFFFFFFFF  }
0x160: {  	[spmem:s3] =	stream.indirect.scatter.add.f32 [tilespmem:s17], [sflag:$0x3], $0x1, s16, s12, $0x40b8;
	[tilespmem:$0x1F758] =	vst v63  }
0x161: {  	s31 =	simm.s32 $0x5280  }
0x162: {  	v8 =	vld [tilespmem:s31+$0x0];
	_ =	sdelay $0x4  }
0x163: {  	v8 =	vshll.u32 v8, $0x4  }
0x164: {  	(v2sf) =	vpush v8, $0x0;
	_ =	sdelay $0x9  }
0x165: {  	(v2sf) =	vpush v8, $0x1  }
0x166: {  	s4 =	simm.s32 $0x1  }
0x167: {  	s4 =	simm.s32 @!p1 $0x0  }
0x168: {  	s4 =	sshll.u32 s4, $0xB  }
0x169: {  	s19 =	sor.u32 $0x5380, s4  }
0x16a: {  	v9 =	vld [tilespmem:s19+$0xFFFFFF80];
	s21 =	spop (v2sf)  }
0x16b: {  	v10 =	vld [tilespmem:s21+$0x12790]  }
0x16c: {  	v11 =	vld [tilespmem:s21+$0x6400];
	_ =	sdelay $0x1  }
0x16d: {  	(v2sf) =	vpush v8, $0x2;
	_ =	sdelay $0x2  }
0x16e: {  	v10 =	vadd.f32 v10, v9;
	v9 =	vmax.f32 v11, v9  }
0x16f: {  	[tilespmem:s21+$0x6400] =	vst v9  }
0x170: {  	[tilespmem:s21+$0x12790] =	vst v10  }
0x171: {  	s21 =	spop (v2sf);
	v9 =	vld [tilespmem:s19+$0xFFFFFF90]  }
0x172: {  	v10 =	vld [tilespmem:s21+$0x12790]  }
0x173: {  	v11 =	vld [tilespmem:s21+$0x6400];
	_ =	sdelay $0x2  }
0x174: {  	(v2sf) =	vpush v8, $0x3;
	_ =	sdelay $0x1  }
0x175: {  	v10 =	vadd.f32 v10, v9;
	v9 =	vmax.f32 v11, v9  }
0x176: {  	[tilespmem:s21+$0x6400] =	vst v9  }
0x177: {  	[tilespmem:s21+$0x12790] =	vst v10;
	s21 =	spop (v2sf)  }
0x178: {  	v9 =	vld [tilespmem:s21+$0x12790]  }
0x179: {  	v10 =	vld [tilespmem:s21+$0x6400]  }
0x17a: {  	v11 =	vld [tilespmem:s19+$0xFFFFFFA0];
	_ =	sdelay $0x1  }
0x17b: {  	(v2sf) =	vpush v8, $0x4;
	_ =	sdelay $0x2  }
0x17c: {  	v10 =	vmax.f32 v10, v11;
	v9 =	vadd.f32 v9, v11  }
0x17d: {  	[tilespmem:s21+$0x6400] =	vst v10  }
0x17e: {  	[tilespmem:s21+$0x12790] =	vst v9  }
0x17f: {  	s21 =	spop (v2sf);
	v9 =	vld [tilespmem:s19+$0xFFFFFFB0]  }
0x180: {  	v10 =	vld [tilespmem:s21+$0x12790]  }
0x181: {  	v11 =	vld [tilespmem:s21+$0x6400];
	_ =	sdelay $0x2  }
0x182: {  	(v2sf) =	vpush v8, $0x5;
	_ =	sdelay $0x1  }
0x183: {  	v10 =	vadd.f32 v10, v9;
	v9 =	vmax.f32 v11, v9  }
0x184: {  	[tilespmem:s21+$0x6400] =	vst v9  }
0x185: {  	[tilespmem:s21+$0x12790] =	vst v10;
	s21 =	spop (v2sf)  }
0x186: {  	v9 =	vld [tilespmem:s21+$0x12790]  }
0x187: {  	v10 =	vld [tilespmem:s19+$0xFFFFFFC0]  }
0x188: {  	v11 =	vld [tilespmem:s21+$0x6400];
	_ =	sdelay $0x2  }
0x189: {  	(v2sf) =	vpush v8, $0x6;
	_ =	sdelay $0x1  }
0x18a: {  	v9 =	vadd.f32 v9, v10;
	v10 =	vmax.f32 v11, v10  }
0x18b: {  	[tilespmem:s21+$0x6400] =	vst v10  }
0x18c: {  	[tilespmem:s21+$0x12790] =	vst v9  }
0x18d: {  	s21 =	spop (v2sf);
	v9 =	vld [tilespmem:s19+$0xFFFFFFD0]  }
0x18e: {  	v10 =	vld [tilespmem:s21+$0x12790]  }
0x18f: {  	v11 =	vld [tilespmem:s21+$0x6400];
	_ =	sdelay $0x2  }
0x190: {  	(v2sf) =	vpush v8, $0x7;
	_ =	sdelay $0x1  }
0x191: {  	v10 =	vadd.f32 v10, v9;
	v9 =	vmax.f32 v11, v9  }
0x192: {  	[tilespmem:s21+$0x6400] =	vst v9  }
0x193: {  	[tilespmem:s21+$0x12790] =	vst v10  }
0x194: {  	s21 =	spop (v2sf);
	v9 =	vld [tilespmem:s19+$0xFFFFFFE0]  }
0x195: {  	v10 =	vld [tilespmem:s21+$0x12790]  }
0x196: {  	v11 =	vld [tilespmem:s21+$0x6400];
	_ =	sdelay $0x1  }
0x197: {  	(v2sf) =	vpush v8, $0x8;
	_ =	sdelay $0x2  }
0x198: {  	v10 =	vadd.f32 v10, v9;
	v9 =	vmax.f32 v11, v9  }
0x199: {  	[tilespmem:s21+$0x6400] =	vst v9  }
0x19a: {  	[tilespmem:s21+$0x12790] =	vst v10  }
0x19b: {  	s21 =	spop (v2sf);
	v9 =	vld [tilespmem:s19+$0xFFFFFFF0]  }
0x19c: {  	v10 =	vld [tilespmem:s21+$0x12790]  }
0x19d: {  	v11 =	vld [tilespmem:s21+$0x6400];
	_ =	sdelay $0x2  }
0x19e: {  	(v2sf) =	vpush v8, $0x9;
	_ =	sdelay $0x1  }
0x19f: {  	v10 =	vadd.f32 v10, v9;
	v9 =	vmax.f32 v11, v9  }
0x1a0: {  	[tilespmem:s21+$0x6400] =	vst v9  }
0x1a1: {  	[tilespmem:s21+$0x12790] =	vst v10;
	s21 =	spop (v2sf)  }
0x1a2: {  	v9 =	vld [tilespmem:s21+$0x12790]  }
0x1a3: {  	v10 =	vld [tilespmem:s19+$0x0]  }
0x1a4: {  	v11 =	vld [tilespmem:s21+$0x6400];
	_ =	sdelay $0x2  }
0x1a5: {  	(v2sf) =	vpush v8, $0xA;
	_ =	sdelay $0x1  }
0x1a6: {  	v9 =	vadd.f32 v9, v10;
	v10 =	vmax.f32 v11, v10  }
0x1a7: {  	[tilespmem:s21+$0x6400] =	vst v10  }
0x1a8: {  	[tilespmem:s21+$0x12790] =	vst v9  }
0x1a9: {  	s21 =	spop (v2sf);
	v9 =	vld [tilespmem:s19+$0x10]  }
0x1aa: {  	v10 =	vld [tilespmem:s21+$0x12790]  }
0x1ab: {  	v11 =	vld [tilespmem:s21+$0x6400];
	_ =	sdelay $0x2  }
0x1ac: {  	(v2sf) =	vpush v8, $0xB;
	_ =	sdelay $0x1  }
0x1ad: {  	v10 =	vadd.f32 v10, v9;
	v9 =	vmax.f32 v11, v9  }
0x1ae: {  	[tilespmem:s21+$0x6400] =	vst v9  }
0x1af: {  	[tilespmem:s21+$0x12790] =	vst v10  }
0x1b0: {  	s21 =	spop (v2sf);
	v9 =	vld [tilespmem:s19+$0x20]  }
0x1b1: {  	v10 =	vld [tilespmem:s21+$0x12790]  }
0x1b2: {  	v11 =	vld [tilespmem:s21+$0x6400];
	_ =	sdelay $0x2  }
0x1b3: {  	(v2sf) =	vpush v8, $0xC;
	_ =	sdelay $0x1  }
0x1b4: {  	v10 =	vadd.f32 v10, v9;
	v9 =	vmax.f32 v11, v9  }
0x1b5: {  	[tilespmem:s21+$0x6400] =	vst v9  }
0x1b6: {  	[tilespmem:s21+$0x12790] =	vst v10  }
0x1b7: {  	s21 =	spop (v2sf);
	v9 =	vld [tilespmem:s19+$0x30]  }
0x1b8: {  	v10 =	vld [tilespmem:s21+$0x12790]  }
0x1b9: {  	v11 =	vld [tilespmem:s21+$0x6400];
	_ =	sdelay $0x2  }
0x1ba: {  	(v2sf) =	vpush v8, $0xD;
	_ =	sdelay $0x1  }
0x1bb: {  	v10 =	vadd.f32 v10, v9;
	v9 =	vmax.f32 v11, v9  }
0x1bc: {  	[tilespmem:s21+$0x6400] =	vst v9  }
0x1bd: {  	[tilespmem:s21+$0x12790] =	vst v10  }
0x1be: {  	p2 =	slt.s32 s1, $0x8;
	s21 =	spop (v2sf);
	v10 =	vld [tilespmem:s19+$0x40]  }
0x1bf: {  	s1 =	simm.s32 @!p2 $0x8;
	v9 =	vld [tilespmem:s21+$0x12790]  }
0x1c0: {  	p2 =	sne.s32 s1, $0x1;
	v11 =	vld [tilespmem:s21+$0x6400]  }
.Ltmp15:
0x1c1: {  	_ = 	snop;
	(pc) =	sbr.rel @!p2 .LBB2_21-.Ltmp15, $3  }
0x1c2: {  	_ = 	snop  }
0x1c3: {  	(v2sf) =	vpush v8, $0xE;
	_ =	sdelay $0x1  }
0x1c4: {  	s1 =	sadd.s32 $0xFFFFFFFF, s1;
	s30 =	smov.u32 s19;
	v9 =	vadd.f32 v9, v10;
	v10 =	vmax.f32 v11, v10  }
.LBB2_20:
0x1c5: {  	p2 =	sne.s32 s1, $0x1;
	s31 =	sadd.s32 $0x10, s31;
	s30 =	sadd.s32 $0x100, s30  }
0x1c6: {  	s1 =	sadd.s32 $0xFFFFFFFF, s1;
	[tilespmem:s21+$0x6400] =	vst v10  }
0x1c7: {  	[tilespmem:s21+$0x12790] =	vst v9  }
0x1c8: {  	v9 =	vld [tilespmem:s19+$0x50];
	s4 =	spop (v2sf)  }
0x1c9: {  	v10 =	vld [tilespmem:s4+$0x12790]  }
0x1ca: {  	v11 =	vld [tilespmem:s4+$0x6400];
	_ =	sdelay $0x2  }
0x1cb: {  	(v2sf) =	vpush v8, $0xF  }
0x1cc: {  	v8 =	vadd.f32 v10, v9  }
0x1cd: {  	v9 =	vmax.f32 v11, v9  }
0x1ce: {  	[tilespmem:s4+$0x12790] =	vst v8  }
0x1cf: {  	[tilespmem:s4+$0x6400] =	vst v9  }
0x1d0: {  	v8 =	vld [tilespmem:s19+$0x60];
	s4 =	spop (v2sf)  }
0x1d1: {  	v9 =	vld [tilespmem:s4+$0x12790]  }
0x1d2: {  	v10 =	vld [tilespmem:s4+$0x6400];
	_ =	sdelay $0x3  }
0x1d3: {  	v9 =	vadd.f32 v9, v8  }
0x1d4: {  	v8 =	vmax.f32 v10, v8  }
0x1d5: {  	[tilespmem:s4+$0x12790] =	vst v9  }
0x1d6: {  	[tilespmem:s4+$0x6400] =	vst v8  }
0x1d7: {  	v8 =	vld [tilespmem:s19+$0x70];
	s4 =	spop (v2sf);
	s19 =	smov.u32 s30  }
0x1d8: {  	v9 =	vld [tilespmem:s4+$0x12790]  }
0x1d9: {  	v10 =	vld [tilespmem:s4+$0x6400];
	_ =	sdelay $0x3  }
0x1da: {  	v9 =	vadd.f32 v9, v8  }
0x1db: {  	v8 =	vmax.f32 v10, v8  }
0x1dc: {  	[tilespmem:s4+$0x12790] =	vst v9  }
0x1dd: {  	[tilespmem:s4+$0x6400] =	vst v8  }
0x1de: {  	v8 =	vld [tilespmem:s31+$0x0];
	_ =	sdelay $0x4  }
0x1df: {  	v8 =	vshll.u32 v8, $0x4  }
0x1e0: {  	(v2sf) =	vpush v8, $0x0;
	_ =	sdelay $0x9  }
0x1e1: {  	(v2sf) =	vpush v8, $0x1;
	_ =	sdelay $0x4  }
0x1e2: {  	v9 =	vld [tilespmem:s30+$0xFFFFFF80];
	s4 =	spop (v2sf)  }
0x1e3: {  	v10 =	vld [tilespmem:s4+$0x12790]  }
0x1e4: {  	v11 =	vld [tilespmem:s4+$0x6400];
	_ =	sdelay $0x1  }
0x1e5: {  	(v2sf) =	vpush v8, $0x2;
	_ =	sdelay $0x1  }
0x1e6: {  	v10 =	vadd.f32 v10, v9  }
0x1e7: {  	v9 =	vmax.f32 v11, v9  }
0x1e8: {  	[tilespmem:s4+$0x12790] =	vst v10  }
0x1e9: {  	[tilespmem:s4+$0x6400] =	vst v9  }
0x1ea: {  	v9 =	vld [tilespmem:s30+$0xFFFFFF90];
	s4 =	spop (v2sf)  }
0x1eb: {  	v10 =	vld [tilespmem:s4+$0x12790]  }
0x1ec: {  	v11 =	vld [tilespmem:s4+$0x6400];
	_ =	sdelay $0x2  }
0x1ed: {  	(v2sf) =	vpush v8, $0x3  }
0x1ee: {  	v10 =	vadd.f32 v10, v9  }
0x1ef: {  	v9 =	vmax.f32 v11, v9  }
0x1f0: {  	[tilespmem:s4+$0x12790] =	vst v10  }
0x1f1: {  	[tilespmem:s4+$0x6400] =	vst v9;
	s4 =	spop (v2sf)  }
0x1f2: {  	v9 =	vld [tilespmem:s4+$0x12790]  }
0x1f3: {  	v10 =	vld [tilespmem:s4+$0x6400]  }
0x1f4: {  	v11 =	vld [tilespmem:s30+$0xFFFFFFA0];
	_ =	sdelay $0x1  }
0x1f5: {  	(v2sf) =	vpush v8, $0x4;
	_ =	sdelay $0x2  }
0x1f6: {  	v10 =	vmax.f32 v10, v11;
	v9 =	vadd.f32 v9, v11  }
0x1f7: {  	[tilespmem:s4+$0x6400] =	vst v10  }
0x1f8: {  	[tilespmem:s4+$0x12790] =	vst v9  }
0x1f9: {  	v9 =	vld [tilespmem:s30+$0xFFFFFFB0];
	s4 =	spop (v2sf)  }
0x1fa: {  	v10 =	vld [tilespmem:s4+$0x12790]  }
0x1fb: {  	v11 =	vld [tilespmem:s4+$0x6400];
	_ =	sdelay $0x2  }
0x1fc: {  	(v2sf) =	vpush v8, $0x5  }
0x1fd: {  	v10 =	vadd.f32 v10, v9  }
0x1fe: {  	v9 =	vmax.f32 v11, v9  }
0x1ff: {  	[tilespmem:s4+$0x12790] =	vst v10  }
0x200: {  	[tilespmem:s4+$0x6400] =	vst v9;
	s4 =	spop (v2sf)  }
0x201: {  	v9 =	vld [tilespmem:s4+$0x12790]  }
0x202: {  	v10 =	vld [tilespmem:s30+$0xFFFFFFC0]  }
0x203: {  	v11 =	vld [tilespmem:s4+$0x6400];
	_ =	sdelay $0x2  }
0x204: {  	(v2sf) =	vpush v8, $0x6  }
0x205: {  	v9 =	vadd.f32 v9, v10  }
0x206: {  	v10 =	vmax.f32 v11, v10  }
0x207: {  	[tilespmem:s4+$0x12790] =	vst v9  }
0x208: {  	[tilespmem:s4+$0x6400] =	vst v10  }
0x209: {  	v9 =	vld [tilespmem:s30+$0xFFFFFFD0];
	s4 =	spop (v2sf)  }
0x20a: {  	v10 =	vld [tilespmem:s4+$0x12790]  }
0x20b: {  	v11 =	vld [tilespmem:s4+$0x6400];
	_ =	sdelay $0x2  }
0x20c: {  	(v2sf) =	vpush v8, $0x7  }
0x20d: {  	v10 =	vadd.f32 v10, v9  }
0x20e: {  	v9 =	vmax.f32 v11, v9  }
0x20f: {  	[tilespmem:s4+$0x12790] =	vst v10  }
0x210: {  	[tilespmem:s4+$0x6400] =	vst v9  }
0x211: {  	v9 =	vld [tilespmem:s30+$0xFFFFFFE0];
	s4 =	spop (v2sf)  }
0x212: {  	v10 =	vld [tilespmem:s4+$0x12790]  }
0x213: {  	v11 =	vld [tilespmem:s4+$0x6400];
	_ =	sdelay $0x1  }
0x214: {  	(v2sf) =	vpush v8, $0x8;
	_ =	sdelay $0x1  }
0x215: {  	v10 =	vadd.f32 v10, v9  }
0x216: {  	v9 =	vmax.f32 v11, v9  }
0x217: {  	[tilespmem:s4+$0x12790] =	vst v10  }
0x218: {  	[tilespmem:s4+$0x6400] =	vst v9  }
0x219: {  	v9 =	vld [tilespmem:s30+$0xFFFFFFF0];
	s4 =	spop (v2sf)  }
0x21a: {  	v10 =	vld [tilespmem:s4+$0x12790]  }
0x21b: {  	v11 =	vld [tilespmem:s4+$0x6400];
	_ =	sdelay $0x2  }
0x21c: {  	(v2sf) =	vpush v8, $0x9  }
0x21d: {  	v10 =	vadd.f32 v10, v9  }
0x21e: {  	v9 =	vmax.f32 v11, v9  }
0x21f: {  	[tilespmem:s4+$0x12790] =	vst v10  }
0x220: {  	[tilespmem:s4+$0x6400] =	vst v9;
	s4 =	spop (v2sf)  }
0x221: {  	v9 =	vld [tilespmem:s4+$0x12790]  }
0x222: {  	v10 =	vld [tilespmem:s30+$0x0]  }
0x223: {  	v11 =	vld [tilespmem:s4+$0x6400];
	_ =	sdelay $0x2  }
0x224: {  	(v2sf) =	vpush v8, $0xA  }
0x225: {  	v9 =	vadd.f32 v9, v10  }
0x226: {  	v10 =	vmax.f32 v11, v10  }
0x227: {  	[tilespmem:s4+$0x12790] =	vst v9  }
0x228: {  	[tilespmem:s4+$0x6400] =	vst v10  }
0x229: {  	v9 =	vld [tilespmem:s30+$0x10];
	s4 =	spop (v2sf)  }
0x22a: {  	v10 =	vld [tilespmem:s4+$0x12790]  }
0x22b: {  	v11 =	vld [tilespmem:s4+$0x6400];
	_ =	sdelay $0x2  }
0x22c: {  	(v2sf) =	vpush v8, $0xB  }
0x22d: {  	v10 =	vadd.f32 v10, v9  }
0x22e: {  	v9 =	vmax.f32 v11, v9  }
0x22f: {  	[tilespmem:s4+$0x12790] =	vst v10  }
0x230: {  	[tilespmem:s4+$0x6400] =	vst v9  }
0x231: {  	v9 =	vld [tilespmem:s30+$0x20];
	s4 =	spop (v2sf)  }
0x232: {  	v10 =	vld [tilespmem:s4+$0x12790]  }
0x233: {  	v11 =	vld [tilespmem:s4+$0x6400];
	_ =	sdelay $0x2  }
0x234: {  	(v2sf) =	vpush v8, $0xC  }
0x235: {  	v10 =	vadd.f32 v10, v9  }
0x236: {  	v9 =	vmax.f32 v11, v9  }
0x237: {  	[tilespmem:s4+$0x12790] =	vst v10  }
0x238: {  	[tilespmem:s4+$0x6400] =	vst v9  }
0x239: {  	v9 =	vld [tilespmem:s30+$0x30];
	s4 =	spop (v2sf)  }
0x23a: {  	v10 =	vld [tilespmem:s4+$0x12790]  }
0x23b: {  	v11 =	vld [tilespmem:s4+$0x6400];
	_ =	sdelay $0x3  }
0x23c: {  	v10 =	vadd.f32 v10, v9;
	(v2sf) =	vpush v8, $0xD  }
0x23d: {  	v9 =	vmax.f32 v11, v9  }
0x23e: {  	[tilespmem:s4+$0x12790] =	vst v10  }
0x23f: {  	[tilespmem:s4+$0x6400] =	vst v9  }
0x240: {  	v10 =	vld [tilespmem:s30+$0x40];
	s21 =	spop (v2sf)  }
0x241: {  	v9 =	vld [tilespmem:s21+$0x12790]  }
0x242: {  	v11 =	vld [tilespmem:s21+$0x6400]  }
.Ltmp16:
0x243: {  	(pc) =	sbr.rel @p2 .LBB2_20-.Ltmp16, $3  }
0x244: {  	_ =	sdelay $0x1  }
0x245: {  	v9 =	vadd.f32 v9, v10;
	(v2sf) =	vpush v8, $0xE  }
0x246: {  	v10 =	vmax.f32 v11, v10  }
.Ltmp17:
0x247: {  	_ = 	snop;
	(pc) =	sbr.rel .LBB2_21-.Ltmp17, $1  }
0x248: {  	_ =	sdelay $0x3  }
.LBB2_13:
.Ltmp18:
0x249: {  	(pc) =	sbr.rel .LBB2_17-.Ltmp18, $2  }
0x24a: {  	_ =	sdelay $0x2  }
0x24b: {  	s21 =	simm.s32 $0x3D20;
	p2 =	por $0x0, $0x0  }
.LBB2_15:
.Ltmp19:
0x24c: {  	(pc) =	sbr.rel .LBB2_17-.Ltmp19, $2  }
0x24d: {  	_ =	sdelay $0x2  }
0x24e: {  	s21 =	simm.s32 $0x3D20  }
.LBB2_24:
0x24f: {  	_ =	sfence.sel $0x180000  }
0x250: {  	[bflag:$0x0] =	sbarrier.arrive $0xFFFF  }
0x251: {  	_ =	strace $0x90000047  }
0x252: {  	[bflag:$0x2] =	sbarrier.arrive $0xFFFF  }
0x253: {  	p0 =	sne.s32 s2, $0x0;
	s0 =	rddreg [dreg:$0x3]  }
0x254: {  	s0 =	sadd.s32 @!p0 $0x100000, s0  }
0x255: {  	[sflag:s0] =	ssyncadd.tile.s32 @!p0 $0x1;
	_ =	shalt  }
.Lfunc_end2:
_tile_overlayer_lowered:
.L_overlay_start_2:
0x256: {  	(tag) =	ssettag $0x2  }
0x257: {  	s0 =	rddreg [dreg:$0x0];
	s2 =	stileid.u32  }
0x258: {  	s1 =	rddreg [dreg:$0x1];
	p0 =	sne.s32 s2, $0x0  }
0x259: {  	s3 =	rddreg [dreg:$0x2];
	[bflag:$0x3] =	sbarrier.arrive $0xFFFF;
	s2 =	simm.s32 @!p0 $0x1C04  }
0x25a: {  	[timem:s3], [sflag:s2] =	dma.local @!p0 [hbm:s0], s1  }
0x25b: {  	s0 =	simm.s32 @!p0 $0x4  }
0x25c: {  	_ =	swait.ge @!p0 [sflag:s0], s1  }
0x25d: {  	s1 =	ssub.s32 @!p0 $0x0, s1;
	[sflag:s0] =	ssyncset.done @!p0 $0x0  }
0x25e: {  	[sflag:s0] =	ssyncadd.s32 @!p0 s1  }
0x25f: {  	[bflag:$0x3] =	sbarrier.arrive $0xFFFF  }
0x260: {  	_ =	shalt  }

</sc_bundles>
